<compile_context>
chip_gen: v7x
topology: tpu7x:2x2x1
jax: 0.10.2.dev20260603
libtpu: 0.0.44.dev20260713+nightly
codegen_flags: <defaults>
</compile_context>

<pallas_src>
import jax
import jax.numpy as jnp
from jax import lax
from jax.experimental import pallas as pl
from jax.experimental.pallas import tpu as pltpu
from jax.experimental.pallas import tpu_sc as plsc

_N_T = 2048
_N_S = 2048
_D = 16
_NC = 2
_NSUB = 16
_NW = _NC * _NSUB
_SC_ROWS = 256
_RPW = _SC_ROWS // _NW
_TR = 2


def _lane_sums(scr_ref, accs):
    for d in range(_D):
        scr_ref[d, :] = accs[d]
    row_idx = lax.iota(jnp.int32, 16)
    out = jnp.zeros((_D,), jnp.float32)
    for l in range(16):
        col_idx = jnp.full((16,), l, jnp.int32)
        out = out + plsc.load_gather(scr_ref, [row_idx, col_idx])
    return out


def _sc_body(xt_hbm, a_hbm, out_hbm, xt_v, a_v, o_v, scr_v, sem):
    wid = lax.axis_index("s") * _NC + lax.axis_index("c")
    base = wid * _RPW
    pltpu.sync_copy(xt_hbm, xt_v)
    pltpu.sync_copy(
        a_hbm.at[pl.ds((_N_T - _SC_ROWS) + base, _RPW), :], a_v)
    for t0 in range(0, _RPW, _TR):
        def s_body(c, accs):
            va0 = a_v[t0, pl.ds(c * 16, 16)]
            va1 = a_v[t0 + 1, pl.ds(c * 16, 16)]
            new = []
            for d in range(_D):
                xt = xt_v[d, pl.ds(c * 16, 16)]
                new.append(accs[2 * d] + va0 * xt)
                new.append(accs[2 * d + 1] + va1 * xt)
            return tuple(new)

        accs = tuple(jnp.zeros((16,), jnp.float32) for _ in range(2 * _D))
        accs = lax.fori_loop(0, _N_S // 16, s_body, accs)
        o_v[t0, :] = _lane_sums(scr_v, [accs[2 * d] for d in range(_D)])
        o_v[t0 + 1, :] = _lane_sums(
            scr_v, [accs[2 * d + 1] for d in range(_D)])
    pltpu.sync_copy(o_v, out_hbm.at[pl.ds(base, _RPW), :])


def _mm_kernel(a_ref, x_ref, o_ref):
    o_ref[...] = jnp.dot(a_ref[...], x_ref[...],
                         preferred_element_type=jnp.float32)


def kernel(x, a):
    n_t, n_s = a.shape
    d = x.shape[1]

    sc_f = pl.kernel(
        _sc_body,
        mesh=plsc.VectorSubcoreMesh(core_axis_name="c", subcore_axis_name="s"),
        out_type=jax.ShapeDtypeStruct((_SC_ROWS, _D), jnp.float32),
        scratch_types=[
            pltpu.VMEM((_D, _N_S), jnp.float32),
            pltpu.VMEM((_RPW, _N_S), jnp.float32),
            pltpu.VMEM((_RPW, _D), jnp.float32),
            pltpu.VMEM((16, 16), jnp.float32),
            pltpu.SemaphoreType.DMA,
        ],
        compiler_params=pltpu.CompilerParams(needs_layout_passes=False),
    )
    out_sc = sc_f(x.T.reshape(_D, _N_S), a)

    tc_rows = n_t - _SC_ROWS
    bm = 896
    out_tc = pl.pallas_call(
        _mm_kernel,
        grid=(tc_rows // bm,),
        in_specs=[
            pl.BlockSpec((bm, n_s), lambda i: (i, 0)),
            pl.BlockSpec((n_s, d), lambda i: (0, 0)),
        ],
        out_specs=pl.BlockSpec((bm, d), lambda i: (i, 0)),
        out_shape=jax.ShapeDtypeStruct((tc_rows, d), jnp.float32),
    )(a, x)
    return jnp.concatenate([out_tc, out_sc], axis=0)

# --- scband reference (transcript-rebuilt; emitter-appended) ---
"""Pipeline reference for scband-higher-order-message-passing-25065429139730 (READ-ONLY COPY).

The authoritative reference and input builder live on the scoring server;
editing this copy changes nothing except your own understanding.
"""

import jax, jax.numpy as jnp
import numpy as np

N_T = 2048
N_S = 2048
D = 16

def setup_inputs(seed: int = 0) -> dict:
    key = jax.random.key(seed)
    k1, k2 = jax.random.split(key)
    x = jax.random.normal(k1, (N_S, D), dtype=jnp.float32)
    a = jax.random.normal(k2, (N_T, N_S), dtype=jnp.float32)
    return {"x": x, "a": a}

def reference(x, a):
    # Torch path: dense `a` -> .to_sparse() -> coalesce. With randn init every
    # entry is nonzero, so the COO index set is the full (target, source) grid
    # in row-major order, and values are a.reshape(-1).
    n_t, n_s = a.shape
    target = jnp.repeat(jnp.arange(n_t, dtype=jnp.int32), n_s)
    source = jnp.tile(jnp.arange(n_s, dtype=jnp.int32), n_t)
    values = a.reshape(-1)
    # message: gather source features (get_j)
    messages = jnp.take(x, source, axis=0)
    # aggregate_sign=True and aggregate_value=True -> multiply by raw values
    messages = values[:, None] * messages
    # aggregate: scatter-add into target rows (scatter 'sum')
    out = jax.ops.segment_sum(messages, target, num_segments=n_t)
    # update: identity
    return out

if __name__ == "__main__":
    import jax
    _d = setup_inputs()
    print(jax.jit(kernel)(*tuple(_d.values())))

</pallas_src>

<mosaic_0001>
#map = affine_map<(d0, d1) -> (0, 0)>
module attributes {stable_mosaic.version = 14 : i64} {
  func.func @_sc_body(%arg0: i32, %arg1: i32, %arg2: memref<16x2048xf32, #tpu.memory_space<hbm>>, %arg3: memref<2048x2048xf32, #tpu.memory_space<hbm>>, %arg4: memref<256x16xf32, #tpu.memory_space<hbm>>, %arg5: memref<16x2048xf32, #tpu.memory_space<vmem>>, %arg6: memref<8x2048xf32, #tpu.memory_space<vmem>>, %arg7: memref<8x16xf32, #tpu.memory_space<vmem>>, %arg8: memref<16x16xf32, #tpu.memory_space<vmem>>, %arg9: memref<!tpu.dma_semaphore, #tpu.memory_space<semaphore_mem>>) attributes {dimension_semantics = [#tpu.dimension_semantics<core_parallel>, #tpu.dimension_semantics<subcore_parallel>], iteration_bounds = array<i64: 2, 16>, scalar_prefetch = 0 : i64, scratch_operands = 5 : i64, tpu.core_type = #tpu.core_type<sc_vector_subcore>, window_params = [{transform_indices = #map}, {transform_indices = #map}, {transform_indices = #map}]} {
    %mul3A = arith.constant 2 : i32
    %mul3A_0 = arith.muli %arg1, %mul3A : i32
    %add3A = arith.addi %mul3A_0, %arg0 : i32
    %mul3A_1 = arith.constant 8 : i32
    %mul3A_2 = arith.muli %add3A, %mul3A_1 : i32
    "tpu.region"() ({
      %run_scoped3A = tpu.sem_alloc : memref<!tpu.dma_semaphore, #tpu.memory_space<semaphore_mem>>
      tpu.enqueue_dma source(%arg2 : memref<16x2048xf32, #tpu.memory_space<hbm>>) target(%arg5 : memref<16x2048xf32, #tpu.memory_space<vmem>>) target_semaphore(%run_scoped3A : memref<!tpu.dma_semaphore, #tpu.memory_space<semaphore_mem>>)
      tpu.wait_dma2 semaphore(%run_scoped3A : memref<!tpu.dma_semaphore, #tpu.memory_space<semaphore_mem>>) src(%arg2 : memref<16x2048xf32, #tpu.memory_space<hbm>>) dst(%arg5 : memref<16x2048xf32, #tpu.memory_space<vmem>>)
      tpu.yield
    }) : () -> ()
    %add3A_3 = arith.constant 1792 : i32
    %add3A_4 = arith.addi %add3A_3, %mul3A_2 : i32
    "tpu.region"() ({
      %run_scoped3A = tpu.sem_alloc : memref<!tpu.dma_semaphore, #tpu.memory_space<semaphore_mem>>
      %dma_start3A = arith.constant 0 : i32
      %dma_start3A_1360 = tpu.memref_slice %arg3[%add3A_4, %dma_start3A] : memref<2048x2048xf32, #tpu.memory_space<hbm>> -> memref<8x2048xf32, #tpu.memory_space<hbm>>
      %dma_start3A_1361 = arith.constant 0 : i32
      %dma_start3A_1362 = tpu.memref_slice %arg3[%add3A_4, %dma_start3A_1361] : memref<2048x2048xf32, #tpu.memory_space<hbm>> -> memref<8x2048xf32, #tpu.memory_space<hbm>>
      tpu.enqueue_dma source(%dma_start3A_1362 : memref<8x2048xf32, #tpu.memory_space<hbm>>) target(%arg6 : memref<8x2048xf32, #tpu.memory_space<vmem>>) target_semaphore(%run_scoped3A : memref<!tpu.dma_semaphore, #tpu.memory_space<semaphore_mem>>)
      %dma_wait3A = arith.constant 0 : i32
      %dma_wait3A_1363 = tpu.memref_slice %arg3[%add3A_4, %dma_wait3A] : memref<2048x2048xf32, #tpu.memory_space<hbm>> -> memref<8x2048xf32, #tpu.memory_space<hbm>>
      %dma_wait3A_1364 = arith.constant 0 : i32
      %dma_wait3A_1365 = tpu.memref_slice %arg3[%add3A_4, %dma_wait3A_1364] : memref<2048x2048xf32, #tpu.memory_space<hbm>> -> memref<8x2048xf32, #tpu.memory_space<hbm>>
      tpu.wait_dma2 semaphore(%run_scoped3A : memref<!tpu.dma_semaphore, #tpu.memory_space<semaphore_mem>>) src(%dma_wait3A_1365 : memref<8x2048xf32, #tpu.memory_space<hbm>>) dst(%arg6 : memref<8x2048xf32, #tpu.memory_space<vmem>>)
      tpu.yield
    }) : () -> ()
    %broadcast_in_dim3A = arith.constant 0.000000e+00 : f32
    %broadcast_in_dim3A_5 = vector.broadcast %broadcast_in_dim3A : f32 to vector<16xf32>
    %broadcast_in_dim3A_6 = arith.constant 0.000000e+00 : f32
    %broadcast_in_dim3A_7 = vector.broadcast %broadcast_in_dim3A_6 : f32 to vector<16xf32>
    %broadcast_in_dim3A_8 = arith.constant 0.000000e+00 : f32
    %broadcast_in_dim3A_9 = vector.broadcast %broadcast_in_dim3A_8 : f32 to vector<16xf32>
    %broadcast_in_dim3A_10 = arith.constant 0.000000e+00 : f32
    %broadcast_in_dim3A_11 = vector.broadcast %broadcast_in_dim3A_10 : f32 to vector<16xf32>
    %broadcast_in_dim3A_12 = arith.constant 0.000000e+00 : f32
    %broadcast_in_dim3A_13 = vector.broadcast %broadcast_in_dim3A_12 : f32 to vector<16xf32>
    %broadcast_in_dim3A_14 = arith.constant 0.000000e+00 : f32
    %broadcast_in_dim3A_15 = vector.broadcast %broadcast_in_dim3A_14 : f32 to vector<16xf32>
    %broadcast_in_dim3A_16 = arith.constant 0.000000e+00 : f32
    %broadcast_in_dim3A_17 = vector.broadcast %broadcast_in_dim3A_16 : f32 to vector<16xf32>
    %broadcast_in_dim3A_18 = arith.constant 0.000000e+00 : f32
    %broadcast_in_dim3A_19 = vector.broadcast %broadcast_in_dim3A_18 : f32 to vector<16xf32>
    %broadcast_in_dim3A_20 = arith.constant 0.000000e+00 : f32
    %broadcast_in_dim3A_21 = vector.broadcast %broadcast_in_dim3A_20 : f32 to vector<16xf32>
    %broadcast_in_dim3A_22 = arith.constant 0.000000e+00 : f32
    %broadcast_in_dim3A_23 = vector.broadcast %broadcast_in_dim3A_22 : f32 to vector<16xf32>
    %broadcast_in_dim3A_24 = arith.constant 0.000000e+00 : f32
    %broadcast_in_dim3A_25 = vector.broadcast %broadcast_in_dim3A_24 : f32 to vector<16xf32>
    %broadcast_in_dim3A_26 = arith.constant 0.000000e+00 : f32
    %broadcast_in_dim3A_27 = vector.broadcast %broadcast_in_dim3A_26 : f32 to vector<16xf32>
    %broadcast_in_dim3A_28 = arith.constant 0.000000e+00 : f32
    %broadcast_in_dim3A_29 = vector.broadcast %broadcast_in_dim3A_28 : f32 to vector<16xf32>
    %broadcast_in_dim3A_30 = arith.constant 0.000000e+00 : f32
    %broadcast_in_dim3A_31 = vector.broadcast %broadcast_in_dim3A_30 : f32 to vector<16xf32>
    %broadcast_in_dim3A_32 = arith.constant 0.000000e+00 : f32
    %broadcast_in_dim3A_33 = vector.broadcast %broadcast_in_dim3A_32 : f32 to vector<16xf32>
    %broadcast_in_dim3A_34 = arith.constant 0.000000e+00 : f32
    %broadcast_in_dim3A_35 = vector.broadcast %broadcast_in_dim3A_34 : f32 to vector<16xf32>
    %broadcast_in_dim3A_36 = arith.constant 0.000000e+00 : f32
    %broadcast_in_dim3A_37 = vector.broadcast %broadcast_in_dim3A_36 : f32 to vector<16xf32>
    %broadcast_in_dim3A_38 = arith.constant 0.000000e+00 : f32
    %broadcast_in_dim3A_39 = vector.broadcast %broadcast_in_dim3A_38 : f32 to vector<16xf32>
    %broadcast_in_dim3A_40 = arith.constant 0.000000e+00 : f32
    %broadcast_in_dim3A_41 = vector.broadcast %broadcast_in_dim3A_40 : f32 to vector<16xf32>
    %broadcast_in_dim3A_42 = arith.constant 0.000000e+00 : f32
    %broadcast_in_dim3A_43 = vector.broadcast %broadcast_in_dim3A_42 : f32 to vector<16xf32>
    %broadcast_in_dim3A_44 = arith.constant 0.000000e+00 : f32
    %broadcast_in_dim3A_45 = vector.broadcast %broadcast_in_dim3A_44 : f32 to vector<16xf32>
    %broadcast_in_dim3A_46 = arith.constant 0.000000e+00 : f32
    %broadcast_in_dim3A_47 = vector.broadcast %broadcast_in_dim3A_46 : f32 to vector<16xf32>
    %broadcast_in_dim3A_48 = arith.constant 0.000000e+00 : f32
    %broadcast_in_dim3A_49 = vector.broadcast %broadcast_in_dim3A_48 : f32 to vector<16xf32>
    %broadcast_in_dim3A_50 = arith.constant 0.000000e+00 : f32
    %broadcast_in_dim3A_51 = vector.broadcast %broadcast_in_dim3A_50 : f32 to vector<16xf32>
    %broadcast_in_dim3A_52 = arith.constant 0.000000e+00 : f32
    %broadcast_in_dim3A_53 = vector.broadcast %broadcast_in_dim3A_52 : f32 to vector<16xf32>
    %broadcast_in_dim3A_54 = arith.constant 0.000000e+00 : f32
    %broadcast_in_dim3A_55 = vector.broadcast %broadcast_in_dim3A_54 : f32 to vector<16xf32>
    %broadcast_in_dim3A_56 = arith.constant 0.000000e+00 : f32
    %broadcast_in_dim3A_57 = vector.broadcast %broadcast_in_dim3A_56 : f32 to vector<16xf32>
    %broadcast_in_dim3A_58 = arith.constant 0.000000e+00 : f32
    %broadcast_in_dim3A_59 = vector.broadcast %broadcast_in_dim3A_58 : f32 to vector<16xf32>
    %broadcast_in_dim3A_60 = arith.constant 0.000000e+00 : f32
    %broadcast_in_dim3A_61 = vector.broadcast %broadcast_in_dim3A_60 : f32 to vector<16xf32>
    %broadcast_in_dim3A_62 = arith.constant 0.000000e+00 : f32
    %broadcast_in_dim3A_63 = vector.broadcast %broadcast_in_dim3A_62 : f32 to vector<16xf32>
    %broadcast_in_dim3A_64 = arith.constant 0.000000e+00 : f32
    %broadcast_in_dim3A_65 = vector.broadcast %broadcast_in_dim3A_64 : f32 to vector<16xf32>
    %broadcast_in_dim3A_66 = arith.constant 0.000000e+00 : f32
    %broadcast_in_dim3A_67 = vector.broadcast %broadcast_in_dim3A_66 : f32 to vector<16xf32>
    %scan3A = arith.constant 0 : i32
    %scan3A_68 = arith.constant 128 : i32
    %scan3A_69 = arith.addi %scan3A, %scan3A_68 : i32
    %scan3A_70 = arith.constant 1 : i32
    %scan3A_71:32 = scf.for %scan3A_1360 = %scan3A to %scan3A_69 step %scan3A_70 iter_args(%scan3A_1361 = %broadcast_in_dim3A_5, %scan3A_1362 = %broadcast_in_dim3A_7, %scan3A_1363 = %broadcast_in_dim3A_9, %scan3A_1364 = %broadcast_in_dim3A_11, %scan3A_1365 = %broadcast_in_dim3A_13, %scan3A_1366 = %broadcast_in_dim3A_15, %scan3A_1367 = %broadcast_in_dim3A_17, %scan3A_1368 = %broadcast_in_dim3A_19, %scan3A_1369 = %broadcast_in_dim3A_21, %scan3A_1370 = %broadcast_in_dim3A_23, %scan3A_1371 = %broadcast_in_dim3A_25, %scan3A_1372 = %broadcast_in_dim3A_27, %scan3A_1373 = %broadcast_in_dim3A_29, %scan3A_1374 = %broadcast_in_dim3A_31, %scan3A_1375 = %broadcast_in_dim3A_33, %scan3A_1376 = %broadcast_in_dim3A_35, %scan3A_1377 = %broadcast_in_dim3A_37, %scan3A_1378 = %broadcast_in_dim3A_39, %scan3A_1379 = %broadcast_in_dim3A_41, %scan3A_1380 = %broadcast_in_dim3A_43, %scan3A_1381 = %broadcast_in_dim3A_45, %scan3A_1382 = %broadcast_in_dim3A_47, %scan3A_1383 = %broadcast_in_dim3A_49, %scan3A_1384 = %broadcast_in_dim3A_51, %scan3A_1385 = %broadcast_in_dim3A_53, %scan3A_1386 = %broadcast_in_dim3A_55, %scan3A_1387 = %broadcast_in_dim3A_57, %scan3A_1388 = %broadcast_in_dim3A_59, %scan3A_1389 = %broadcast_in_dim3A_61, %scan3A_1390 = %broadcast_in_dim3A_63, %scan3A_1391 = %broadcast_in_dim3A_65, %scan3A_1392 = %broadcast_in_dim3A_67) -> (vector<16xf32>, vector<16xf32>, vector<16xf32>, vector<16xf32>, vector<16xf32>, vector<16xf32>, vector<16xf32>, vector<16xf32>, vector<16xf32>, vector<16xf32>, vector<16xf32>, vector<16xf32>, vector<16xf32>, vector<16xf32>, vector<16xf32>, vector<16xf32>, vector<16xf32>, vector<16xf32>, vector<16xf32>, vector<16xf32>, vector<16xf32>, vector<16xf32>, vector<16xf32>, vector<16xf32>, vector<16xf32>, vector<16xf32>, vector<16xf32>, vector<16xf32>, vector<16xf32>, vector<16xf32>, vector<16xf32>, vector<16xf32>)  : i32 {
      %mul3A_1393 = arith.constant 16 : i32
      %mul3A_1394 = arith.muli %scan3A_1360, %mul3A_1393 : i32
      %get3A = arith.constant 0 : i32
      %get3A_1395 = arith.index_cast %get3A : i32 to index
      %get3A_1396 = arith.index_cast %mul3A_1394 : i32 to index
      %get3A_1397 = tpu.vector_load %arg6[%get3A_1395, %get3A_1396] {strides = array<i32>} : memref<8x2048xf32, #tpu.memory_space<vmem>>, vector<16xf32>,
      %mul3A_1398 = arith.constant 16 : i32
      %mul3A_1399 = arith.muli %scan3A_1360, %mul3A_1398 : i32
      %get3A_1400 = arith.constant 1 : i32
      %get3A_1401 = arith.index_cast %get3A_1400 : i32 to index
      %get3A_1402 = arith.index_cast %mul3A_1399 : i32 to index
      %get3A_1403 = tpu.vector_load %arg6[%get3A_1401, %get3A_1402] {strides = array<i32>} : memref<8x2048xf32, #tpu.memory_space<vmem>>, vector<16xf32>,
      %mul3A_1404 = arith.constant 16 : i32
      %mul3A_1405 = arith.muli %scan3A_1360, %mul3A_1404 : i32
      %get3A_1406 = arith.constant 0 : i32
      %get3A_1407 = arith.index_cast %get3A_1406 : i32 to index
      %get3A_1408 = arith.index_cast %mul3A_1405 : i32 to index
      %get3A_1409 = tpu.vector_load %arg5[%get3A_1407, %get3A_1408] {strides = array<i32>} : memref<16x2048xf32, #tpu.memory_space<vmem>>, vector<16xf32>,
      %mul3A_1410 = arith.mulf %get3A_1397, %get3A_1409 : vector<16xf32>
      %add3A_1411 = arith.addf %scan3A_1361, %mul3A_1410 : vector<16xf32>
      %mul3A_1412 = arith.mulf %get3A_1403, %get3A_1409 : vector<16xf32>
      %add3A_1413 = arith.addf %scan3A_1362, %mul3A_1412 : vector<16xf32>
      %mul3A_1414 = arith.constant 16 : i32
      %mul3A_1415 = arith.muli %scan3A_1360, %mul3A_1414 : i32
      %get3A_1416 = arith.constant 1 : i32
      %get3A_1417 = arith.index_cast %get3A_1416 : i32 to index
      %get3A_1418 = arith.index_cast %mul3A_1415 : i32 to index
      %get3A_1419 = tpu.vector_load %arg5[%get3A_1417, %get3A_1418] {strides = array<i32>} : memref<16x2048xf32, #tpu.memory_space<vmem>>, vector<16xf32>,
      %mul3A_1420 = arith.mulf %get3A_1397, %get3A_1419 : vector<16xf32>
      %add3A_1421 = arith.addf %scan3A_1363, %mul3A_1420 : vector<16xf32>
      %mul3A_1422 = arith.mulf %get3A_1403, %get3A_1419 : vector<16xf32>
      %add3A_1423 = arith.addf %scan3A_1364, %mul3A_1422 : vector<16xf32>
      %mul3A_1424 = arith.constant 16 : i32
      %mul3A_1425 = arith.muli %scan3A_1360, %mul3A_1424 : i32
      %get3A_1426 = arith.constant 2 : i32
      %get3A_1427 = arith.index_cast %get3A_1426 : i32 to index
      %get3A_1428 = arith.index_cast %mul3A_1425 : i32 to index
      %get3A_1429 = tpu.vector_load %arg5[%get3A_1427, %get3A_1428] {strides = array<i32>} : memref<16x2048xf32, #tpu.memory_space<vmem>>, vector<16xf32>,
      %mul3A_1430 = arith.mulf %get3A_1397, %get3A_1429 : vector<16xf32>
      %add3A_1431 = arith.addf %scan3A_1365, %mul3A_1430 : vector<16xf32>
      %mul3A_1432 = arith.mulf %get3A_1403, %get3A_1429 : vector<16xf32>
      %add3A_1433 = arith.addf %scan3A_1366, %mul3A_1432 : vector<16xf32>
      %mul3A_1434 = arith.constant 16 : i32
      %mul3A_1435 = arith.muli %scan3A_1360, %mul3A_1434 : i32
      %get3A_1436 = arith.constant 3 : i32
      %get3A_1437 = arith.index_cast %get3A_1436 : i32 to index
      %get3A_1438 = arith.index_cast %mul3A_1435 : i32 to index
      %get3A_1439 = tpu.vector_load %arg5[%get3A_1437, %get3A_1438] {strides = array<i32>} : memref<16x2048xf32, #tpu.memory_space<vmem>>, vector<16xf32>,
      %mul3A_1440 = arith.mulf %get3A_1397, %get3A_1439 : vector<16xf32>
      %add3A_1441 = arith.addf %scan3A_1367, %mul3A_1440 : vector<16xf32>
      %mul3A_1442 = arith.mulf %get3A_1403, %get3A_1439 : vector<16xf32>
      %add3A_1443 = arith.addf %scan3A_1368, %mul3A_1442 : vector<16xf32>
      %mul3A_1444 = arith.constant 16 : i32
      %mul3A_1445 = arith.muli %scan3A_1360, %mul3A_1444 : i32
      %get3A_1446 = arith.constant 4 : i32
      %get3A_1447 = arith.index_cast %get3A_1446 : i32 to index
      %get3A_1448 = arith.index_cast %mul3A_1445 : i32 to index
      %get3A_1449 = tpu.vector_load %arg5[%get3A_1447, %get3A_1448] {strides = array<i32>} : memref<16x2048xf32, #tpu.memory_space<vmem>>, vector<16xf32>,
      %mul3A_1450 = arith.mulf %get3A_1397, %get3A_1449 : vector<16xf32>
      %add3A_1451 = arith.addf %scan3A_1369, %mul3A_1450 : vector<16xf32>
      %mul3A_1452 = arith.mulf %get3A_1403, %get3A_1449 : vector<16xf32>
      %add3A_1453 = arith.addf %scan3A_1370, %mul3A_1452 : vector<16xf32>
      %mul3A_1454 = arith.constant 16 : i32
      %mul3A_1455 = arith.muli %scan3A_1360, %mul3A_1454 : i32
      %get3A_1456 = arith.constant 5 : i32
      %get3A_1457 = arith.index_cast %get3A_1456 : i32 to index
      %get3A_1458 = arith.index_cast %mul3A_1455 : i32 to index
      %get3A_1459 = tpu.vector_load %arg5[%get3A_1457, %get3A_1458] {strides = array<i32>} : memref<16x2048xf32, #tpu.memory_space<vmem>>, vector<16xf32>,
      %mul3A_1460 = arith.mulf %get3A_1397, %get3A_1459 : vector<16xf32>
      %add3A_1461 = arith.addf %scan3A_1371, %mul3A_1460 : vector<16xf32>
      %mul3A_1462 = arith.mulf %get3A_1403, %get3A_1459 : vector<16xf32>
      %add3A_1463 = arith.addf %scan3A_1372, %mul3A_1462 : vector<16xf32>
      %mul3A_1464 = arith.constant 16 : i32
      %mul3A_1465 = arith.muli %scan3A_1360, %mul3A_1464 : i32
      %get3A_1466 = arith.constant 6 : i32
      %get3A_1467 = arith.index_cast %get3A_1466 : i32 to index
      %get3A_1468 = arith.index_cast %mul3A_1465 : i32 to index
      %get3A_1469 = tpu.vector_load %arg5[%get3A_1467, %get3A_1468] {strides = array<i32>} : memref<16x2048xf32, #tpu.memory_space<vmem>>, vector<16xf32>,
      %mul3A_1470 = arith.mulf %get3A_1397, %get3A_1469 : vector<16xf32>
      %add3A_1471 = arith.addf %scan3A_1373, %mul3A_1470 : vector<16xf32>
      %mul3A_1472 = arith.mulf %get3A_1403, %get3A_1469 : vector<16xf32>
      %add3A_1473 = arith.addf %scan3A_1374, %mul3A_1472 : vector<16xf32>
      %mul3A_1474 = arith.constant 16 : i32
      %mul3A_1475 = arith.muli %scan3A_1360, %mul3A_1474 : i32
      %get3A_1476 = arith.constant 7 : i32
      %get3A_1477 = arith.index_cast %get3A_1476 : i32 to index
      %get3A_1478 = arith.index_cast %mul3A_1475 : i32 to index
      %get3A_1479 = tpu.vector_load %arg5[%get3A_1477, %get3A_1478] {strides = array<i32>} : memref<16x2048xf32, #tpu.memory_space<vmem>>, vector<16xf32>,
      %mul3A_1480 = arith.mulf %get3A_1397, %get3A_1479 : vector<16xf32>
      %add3A_1481 = arith.addf %scan3A_1375, %mul3A_1480 : vector<16xf32>
      %mul3A_1482 = arith.mulf %get3A_1403, %get3A_1479 : vector<16xf32>
      %add3A_1483 = arith.addf %scan3A_1376, %mul3A_1482 : vector<16xf32>
      %mul3A_1484 = arith.constant 16 : i32
      %mul3A_1485 = arith.muli %scan3A_1360, %mul3A_1484 : i32
      %get3A_1486 = arith.constant 8 : i32
      %get3A_1487 = arith.index_cast %get3A_1486 : i32 to index
      %get3A_1488 = arith.index_cast %mul3A_1485 : i32 to index
      %get3A_1489 = tpu.vector_load %arg5[%get3A_1487, %get3A_1488] {strides = array<i32>} : memref<16x2048xf32, #tpu.memory_space<vmem>>, vector<16xf32>,
      %mul3A_1490 = arith.mulf %get3A_1397, %get3A_1489 : vector<16xf32>
      %add3A_1491 = arith.addf %scan3A_1377, %mul3A_1490 : vector<16xf32>
      %mul3A_1492 = arith.mulf %get3A_1403, %get3A_1489 : vector<16xf32>
      %add3A_1493 = arith.addf %scan3A_1378, %mul3A_1492 : vector<16xf32>
      %mul3A_1494 = arith.constant 16 : i32
      %mul3A_1495 = arith.muli %scan3A_1360, %mul3A_1494 : i32
      %get3A_1496 = arith.constant 9 : i32
      %get3A_1497 = arith.index_cast %get3A_1496 : i32 to index
      %get3A_1498 = arith.index_cast %mul3A_1495 : i32 to index
      %get3A_1499 = tpu.vector_load %arg5[%get3A_1497, %get3A_1498] {strides = array<i32>} : memref<16x2048xf32, #tpu.memory_space<vmem>>, vector<16xf32>,
      %mul3A_1500 = arith.mulf %get3A_1397, %get3A_1499 : vector<16xf32>
      %add3A_1501 = arith.addf %scan3A_1379, %mul3A_1500 : vector<16xf32>
      %mul3A_1502 = arith.mulf %get3A_1403, %get3A_1499 : vector<16xf32>
      %add3A_1503 = arith.addf %scan3A_1380, %mul3A_1502 : vector<16xf32>
      %mul3A_1504 = arith.constant 16 : i32
      %mul3A_1505 = arith.muli %scan3A_1360, %mul3A_1504 : i32
      %get3A_1506 = arith.constant 10 : i32
      %get3A_1507 = arith.index_cast %get3A_1506 : i32 to index
      %get3A_1508 = arith.index_cast %mul3A_1505 : i32 to index
      %get3A_1509 = tpu.vector_load %arg5[%get3A_1507, %get3A_1508] {strides = array<i32>} : memref<16x2048xf32, #tpu.memory_space<vmem>>, vector<16xf32>,
      %mul3A_1510 = arith.mulf %get3A_1397, %get3A_1509 : vector<16xf32>
      %add3A_1511 = arith.addf %scan3A_1381, %mul3A_1510 : vector<16xf32>
      %mul3A_1512 = arith.mulf %get3A_1403, %get3A_1509 : vector<16xf32>
      %add3A_1513 = arith.addf %scan3A_1382, %mul3A_1512 : vector<16xf32>
      %mul3A_1514 = arith.constant 16 : i32
      %mul3A_1515 = arith.muli %scan3A_1360, %mul3A_1514 : i32
      %get3A_1516 = arith.constant 11 : i32
      %get3A_1517 = arith.index_cast %get3A_1516 : i32 to index
      %get3A_1518 = arith.index_cast %mul3A_1515 : i32 to index
      %get3A_1519 = tpu.vector_load %arg5[%get3A_1517, %get3A_1518] {strides = array<i32>} : memref<16x2048xf32, #tpu.memory_space<vmem>>, vector<16xf32>,
      %mul3A_1520 = arith.mulf %get3A_1397, %get3A_1519 : vector<16xf32>
      %add3A_1521 = arith.addf %scan3A_1383, %mul3A_1520 : vector<16xf32>
      %mul3A_1522 = arith.mulf %get3A_1403, %get3A_1519 : vector<16xf32>
      %add3A_1523 = arith.addf %scan3A_1384, %mul3A_1522 : vector<16xf32>
      %mul3A_1524 = arith.constant 16 : i32
      %mul3A_1525 = arith.muli %scan3A_1360, %mul3A_1524 : i32
      %get3A_1526 = arith.constant 12 : i32
      %get3A_1527 = arith.index_cast %get3A_1526 : i32 to index
      %get3A_1528 = arith.index_cast %mul3A_1525 : i32 to index
      %get3A_1529 = tpu.vector_load %arg5[%get3A_1527, %get3A_1528] {strides = array<i32>} : memref<16x2048xf32, #tpu.memory_space<vmem>>, vector<16xf32>,
      %mul3A_1530 = arith.mulf %get3A_1397, %get3A_1529 : vector<16xf32>
      %add3A_1531 = arith.addf %scan3A_1385, %mul3A_1530 : vector<16xf32>
      %mul3A_1532 = arith.mulf %get3A_1403, %get3A_1529 : vector<16xf32>
      %add3A_1533 = arith.addf %scan3A_1386, %mul3A_1532 : vector<16xf32>
      %mul3A_1534 = arith.constant 16 : i32
      %mul3A_1535 = arith.muli %scan3A_1360, %mul3A_1534 : i32
      %get3A_1536 = arith.constant 13 : i32
      %get3A_1537 = arith.index_cast %get3A_1536 : i32 to index
      %get3A_1538 = arith.index_cast %mul3A_1535 : i32 to index
      %get3A_1539 = tpu.vector_load %arg5[%get3A_1537, %get3A_1538] {strides = array<i32>} : memref<16x2048xf32, #tpu.memory_space<vmem>>, vector<16xf32>,
      %mul3A_1540 = arith.mulf %get3A_1397, %get3A_1539 : vector<16xf32>
      %add3A_1541 = arith.addf %scan3A_1387, %mul3A_1540 : vector<16xf32>
      %mul3A_1542 = arith.mulf %get3A_1403, %get3A_1539 : vector<16xf32>
      %add3A_1543 = arith.addf %scan3A_1388, %mul3A_1542 : vector<16xf32>
      %mul3A_1544 = arith.constant 16 : i32
      %mul3A_1545 = arith.muli %scan3A_1360, %mul3A_1544 : i32
      %get3A_1546 = arith.constant 14 : i32
      %get3A_1547 = arith.index_cast %get3A_1546 : i32 to index
      %get3A_1548 = arith.index_cast %mul3A_1545 : i32 to index
      %get3A_1549 = tpu.vector_load %arg5[%get3A_1547, %get3A_1548] {strides = array<i32>} : memref<16x2048xf32, #tpu.memory_space<vmem>>, vector<16xf32>,
      %mul3A_1550 = arith.mulf %get3A_1397, %get3A_1549 : vector<16xf32>
      %add3A_1551 = arith.addf %scan3A_1389, %mul3A_1550 : vector<16xf32>
      %mul3A_1552 = arith.mulf %get3A_1403, %get3A_1549 : vector<16xf32>
      %add3A_1553 = arith.addf %scan3A_1390, %mul3A_1552 : vector<16xf32>
      %mul3A_1554 = arith.constant 16 : i32
      %mul3A_1555 = arith.muli %scan3A_1360, %mul3A_1554 : i32
      %get3A_1556 = arith.constant 15 : i32
      %get3A_1557 = arith.index_cast %get3A_1556 : i32 to index
      %get3A_1558 = arith.index_cast %mul3A_1555 : i32 to index
      %get3A_1559 = tpu.vector_load %arg5[%get3A_1557, %get3A_1558] {strides = array<i32>} : memref<16x2048xf32, #tpu.memory_space<vmem>>, vector<16xf32>,
      %mul3A_1560 = arith.mulf %get3A_1397, %get3A_1559 : vector<16xf32>
      %add3A_1561 = arith.addf %scan3A_1391, %mul3A_1560 : vector<16xf32>
      %mul3A_1562 = arith.mulf %get3A_1403, %get3A_1559 : vector<16xf32>
      %add3A_1563 = arith.addf %scan3A_1392, %mul3A_1562 : vector<16xf32>
      scf.yield %add3A_1411, %add3A_1413, %add3A_1421, %add3A_1423, %add3A_1431, %add3A_1433, %add3A_1441, %add3A_1443, %add3A_1451, %add3A_1453, %add3A_1461, %add3A_1463, %add3A_1471, %add3A_1473, %add3A_1481, %add3A_1483, %add3A_1491, %add3A_1493, %add3A_1501, %add3A_1503, %add3A_1511, %add3A_1513, %add3A_1521, %add3A_1523, %add3A_1531, %add3A_1533, %add3A_1541, %add3A_1543, %add3A_1551, %add3A_1553, %add3A_1561, %add3A_1563 : vector<16xf32>, vector<16xf32>, vector<16xf32>, vector<16xf32>, vector<16xf32>, vector<16xf32>, vector<16xf32>, vector<16xf32>, vector<16xf32>, vector<16xf32>, vector<16xf32>, vector<16xf32>, vector<16xf32>, vector<16xf32>, vector<16xf32>, vector<16xf32>, vector<16xf32>, vector<16xf32>, vector<16xf32>, vector<16xf32>, vector<16xf32>, vector<16xf32>, vector<16xf32>, vector<16xf32>, vector<16xf32>, vector<16xf32>, vector<16xf32>, vector<16xf32>, vector<16xf32>, vector<16xf32>, vector<16xf32>, vector<16xf32>
    }
    %scan3A_72 = arith.constant 128 : i32
    %swap3A = arith.constant 0 : i32
    %swap3A_73 = arith.index_cast %swap3A : i32 to index
    %swap3A_74 = arith.constant 0 : index
    %swap3A_75 = tpu.vector_load %arg8[%swap3A_73, %swap3A_74] {strides = array<i32>} : memref<16x16xf32, #tpu.memory_space<vmem>>, vector<16xf32>,
    tpu.vector_store %arg8[%swap3A_73, %swap3A_74], %scan3A_71#0 {strides = array<i32>} : memref<16x16xf32, #tpu.memory_space<vmem>>, vector<16xf32>,
    %swap3A_76 = arith.constant 1 : i32
    %swap3A_77 = arith.index_cast %swap3A_76 : i32 to index
    %swap3A_78 = arith.constant 0 : index
    %swap3A_79 = tpu.vector_load %arg8[%swap3A_77, %swap3A_78] {strides = array<i32>} : memref<16x16xf32, #tpu.memory_space<vmem>>, vector<16xf32>,
    tpu.vector_store %arg8[%swap3A_77, %swap3A_78], %scan3A_71#2 {strides = array<i32>} : memref<16x16xf32, #tpu.memory_space<vmem>>, vector<16xf32>,
    %swap3A_80 = arith.constant 2 : i32
    %swap3A_81 = arith.index_cast %swap3A_80 : i32 to index
    %swap3A_82 = arith.constant 0 : index
    %swap3A_83 = tpu.vector_load %arg8[%swap3A_81, %swap3A_82] {strides = array<i32>} : memref<16x16xf32, #tpu.memory_space<vmem>>, vector<16xf32>,
    tpu.vector_store %arg8[%swap3A_81, %swap3A_82], %scan3A_71#4 {strides = array<i32>} : memref<16x16xf32, #tpu.memory_space<vmem>>, vector<16xf32>,
    %swap3A_84 = arith.constant 3 : i32
    %swap3A_85 = arith.index_cast %swap3A_84 : i32 to index
    %swap3A_86 = arith.constant 0 : index
    %swap3A_87 = tpu.vector_load %arg8[%swap3A_85, %swap3A_86] {strides = array<i32>} : memref<16x16xf32, #tpu.memory_space<vmem>>, vector<16xf32>,
    tpu.vector_store %arg8[%swap3A_85, %swap3A_86], %scan3A_71#6 {strides = array<i32>} : memref<16x16xf32, #tpu.memory_space<vmem>>, vector<16xf32>,
    %swap3A_88 = arith.constant 4 : i32
    %swap3A_89 = arith.index_cast %swap3A_88 : i32 to index
    %swap3A_90 = arith.constant 0 : index
    %swap3A_91 = tpu.vector_load %arg8[%swap3A_89, %swap3A_90] {strides = array<i32>} : memref<16x16xf32, #tpu.memory_space<vmem>>, vector<16xf32>,
    tpu.vector_store %arg8[%swap3A_89, %swap3A_90], %scan3A_71#8 {strides = array<i32>} : memref<16x16xf32, #tpu.memory_space<vmem>>, vector<16xf32>,
    %swap3A_92 = arith.constant 5 : i32
    %swap3A_93 = arith.index_cast %swap3A_92 : i32 to index
    %swap3A_94 = arith.constant 0 : index
    %swap3A_95 = tpu.vector_load %arg8[%swap3A_93, %swap3A_94] {strides = array<i32>} : memref<16x16xf32, #tpu.memory_space<vmem>>, vector<16xf32>,
    tpu.vector_store %arg8[%swap3A_93, %swap3A_94], %scan3A_71#10 {strides = array<i32>} : memref<16x16xf32, #tpu.memory_space<vmem>>, vector<16xf32>,
    %swap3A_96 = arith.constant 6 : i32
    %swap3A_97 = arith.index_cast %swap3A_96 : i32 to index
    %swap3A_98 = arith.constant 0 : index
    %swap3A_99 = tpu.vector_load %arg8[%swap3A_97, %swap3A_98] {strides = array<i32>} : memref<16x16xf32, #tpu.memory_space<vmem>>, vector<16xf32>,
    tpu.vector_store %arg8[%swap3A_97, %swap3A_98], %scan3A_71#12 {strides = array<i32>} : memref<16x16xf32, #tpu.memory_space<vmem>>, vector<16xf32>,
    %swap3A_100 = arith.constant 7 : i32
    %swap3A_101 = arith.index_cast %swap3A_100 : i32 to index
    %swap3A_102 = arith.constant 0 : index
    %swap3A_103 = tpu.vector_load %arg8[%swap3A_101, %swap3A_102] {strides = array<i32>} : memref<16x16xf32, #tpu.memory_space<vmem>>, vector<16xf32>,
    tpu.vector_store %arg8[%swap3A_101, %swap3A_102], %scan3A_71#14 {strides = array<i32>} : memref<16x16xf32, #tpu.memory_space<vmem>>, vector<16xf32>,
    %swap3A_104 = arith.constant 8 : i32
    %swap3A_105 = arith.index_cast %swap3A_104 : i32 to index
    %swap3A_106 = arith.constant 0 : index
    %swap3A_107 = tpu.vector_load %arg8[%swap3A_105, %swap3A_106] {strides = array<i32>} : memref<16x16xf32, #tpu.memory_space<vmem>>, vector<16xf32>,
    tpu.vector_store %arg8[%swap3A_105, %swap3A_106], %scan3A_71#16 {strides = array<i32>} : memref<16x16xf32, #tpu.memory_space<vmem>>, vector<16xf32>,
    %swap3A_108 = arith.constant 9 : i32
    %swap3A_109 = arith.index_cast %swap3A_108 : i32 to index
    %swap3A_110 = arith.constant 0 : index
    %swap3A_111 = tpu.vector_load %arg8[%swap3A_109, %swap3A_110] {strides = array<i32>} : memref<16x16xf32, #tpu.memory_space<vmem>>, vector<16xf32>,
    tpu.vector_store %arg8[%swap3A_109, %swap3A_110], %scan3A_71#18 {strides = array<i32>} : memref<16x16xf32, #tpu.memory_space<vmem>>, vector<16xf32>,
    %swap3A_112 = arith.constant 10 : i32
    %swap3A_113 = arith.index_cast %swap3A_112 : i32 to index
    %swap3A_114 = arith.constant 0 : index
    %swap3A_115 = tpu.vector_load %arg8[%swap3A_113, %swap3A_114] {strides = array<i32>} : memref<16x16xf32, #tpu.memory_space<vmem>>, vector<16xf32>,
    tpu.vector_store %arg8[%swap3A_113, %swap3A_114], %scan3A_71#20 {strides = array<i32>} : memref<16x16xf32, #tpu.memory_space<vmem>>, vector<16xf32>,
    %swap3A_116 = arith.constant 11 : i32
    %swap3A_117 = arith.index_cast %swap3A_116 : i32 to index
    %swap3A_118 = arith.constant 0 : index
    %swap3A_119 = tpu.vector_load %arg8[%swap3A_117, %swap3A_118] {strides = array<i32>} : memref<16x16xf32, #tpu.memory_space<vmem>>, vector<16xf32>,
    tpu.vector_store %arg8[%swap3A_117, %swap3A_118], %scan3A_71#22 {strides = array<i32>} : memref<16x16xf32, #tpu.memory_space<vmem>>, vector<16xf32>,
    %swap3A_120 = arith.constant 12 : i32
    %swap3A_121 = arith.index_cast %swap3A_120 : i32 to index
    %swap3A_122 = arith.constant 0 : index
    %swap3A_123 = tpu.vector_load %arg8[%swap3A_121, %swap3A_122] {strides = array<i32>} : memref<16x16xf32, #tpu.memory_space<vmem>>, vector<16xf32>,
    tpu.vector_store %arg8[%swap3A_121, %swap3A_122], %scan3A_71#24 {strides = array<i32>} : memref<16x16xf32, #tpu.memory_space<vmem>>, vector<16xf32>,
    %swap3A_124 = arith.constant 13 : i32
    %swap3A_125 = arith.index_cast %swap3A_124 : i32 to index
    %swap3A_126 = arith.constant 0 : index
    %swap3A_127 = tpu.vector_load %arg8[%swap3A_125, %swap3A_126] {strides = array<i32>} : memref<16x16xf32, #tpu.memory_space<vmem>>, vector<16xf32>,
    tpu.vector_store %arg8[%swap3A_125, %swap3A_126], %scan3A_71#26 {strides = array<i32>} : memref<16x16xf32, #tpu.memory_space<vmem>>, vector<16xf32>,
    %swap3A_128 = arith.constant 14 : i32
    %swap3A_129 = arith.index_cast %swap3A_128 : i32 to index
    %swap3A_130 = arith.constant 0 : index
    %swap3A_131 = tpu.vector_load %arg8[%swap3A_129, %swap3A_130] {strides = array<i32>} : memref<16x16xf32, #tpu.memory_space<vmem>>, vector<16xf32>,
    tpu.vector_store %arg8[%swap3A_129, %swap3A_130], %scan3A_71#28 {strides = array<i32>} : memref<16x16xf32, #tpu.memory_space<vmem>>, vector<16xf32>,
    %swap3A_132 = arith.constant 15 : i32
    %swap3A_133 = arith.index_cast %swap3A_132 : i32 to index
    %swap3A_134 = arith.constant 0 : index
    %swap3A_135 = tpu.vector_load %arg8[%swap3A_133, %swap3A_134] {strides = array<i32>} : memref<16x16xf32, #tpu.memory_space<vmem>>, vector<16xf32>,
    tpu.vector_store %arg8[%swap3A_133, %swap3A_134], %scan3A_71#30 {strides = array<i32>} : memref<16x16xf32, #tpu.memory_space<vmem>>, vector<16xf32>,
    %iota3A = tpu.iota {dimensions = array<i32: 0>} : vector<16xi32>
    %broadcast_in_dim3A_136 = arith.constant 0.000000e+00 : f32
    %broadcast_in_dim3A_137 = vector.broadcast %broadcast_in_dim3A_136 : f32 to vector<16xf32>
    %broadcast_in_dim3A_138 = arith.constant 0 : i32
    %broadcast_in_dim3A_139 = vector.broadcast %broadcast_in_dim3A_138 : i32 to vector<16xi32>
    %gather3A = tpu.vector_load_idx %arg8[%iota3A, %broadcast_in_dim3A_139] : memref<16x16xf32, #tpu.memory_space<vmem>>[vector<16xi32>, vector<16xi32>], vector<16xf32>,
    %add3A_140 = arith.addf %broadcast_in_dim3A_137, %gather3A : vector<16xf32>
    %broadcast_in_dim3A_141 = arith.constant 1 : i32
    %broadcast_in_dim3A_142 = vector.broadcast %broadcast_in_dim3A_141 : i32 to vector<16xi32>
    %gather3A_143 = tpu.vector_load_idx %arg8[%iota3A, %broadcast_in_dim3A_142] : memref<16x16xf32, #tpu.memory_space<vmem>>[vector<16xi32>, vector<16xi32>], vector<16xf32>,
    %add3A_144 = arith.addf %add3A_140, %gather3A_143 : vector<16xf32>
    %broadcast_in_dim3A_145 = arith.constant 2 : i32
    %broadcast_in_dim3A_146 = vector.broadcast %broadcast_in_dim3A_145 : i32 to vector<16xi32>
    %gather3A_147 = tpu.vector_load_idx %arg8[%iota3A, %broadcast_in_dim3A_146] : memref<16x16xf32, #tpu.memory_space<vmem>>[vector<16xi32>, vector<16xi32>], vector<16xf32>,
    %add3A_148 = arith.addf %add3A_144, %gather3A_147 : vector<16xf32>
    %broadcast_in_dim3A_149 = arith.constant 3 : i32
    %broadcast_in_dim3A_150 = vector.broadcast %broadcast_in_dim3A_149 : i32 to vector<16xi32>
    %gather3A_151 = tpu.vector_load_idx %arg8[%iota3A, %broadcast_in_dim3A_150] : memref<16x16xf32, #tpu.memory_space<vmem>>[vector<16xi32>, vector<16xi32>], vector<16xf32>,
    %add3A_152 = arith.addf %add3A_148, %gather3A_151 : vector<16xf32>
    %broadcast_in_dim3A_153 = arith.constant 4 : i32
    %broadcast_in_dim3A_154 = vector.broadcast %broadcast_in_dim3A_153 : i32 to vector<16xi32>
    %gather3A_155 = tpu.vector_load_idx %arg8[%iota3A, %broadcast_in_dim3A_154] : memref<16x16xf32, #tpu.memory_space<vmem>>[vector<16xi32>, vector<16xi32>], vector<16xf32>,
    %add3A_156 = arith.addf %add3A_152, %gather3A_155 : vector<16xf32>
    %broadcast_in_dim3A_157 = arith.constant 5 : i32
    %broadcast_in_dim3A_158 = vector.broadcast %broadcast_in_dim3A_157 : i32 to vector<16xi32>
    %gather3A_159 = tpu.vector_load_idx %arg8[%iota3A, %broadcast_in_dim3A_158] : memref<16x16xf32, #tpu.memory_space<vmem>>[vector<16xi32>, vector<16xi32>], vector<16xf32>,
    %add3A_160 = arith.addf %add3A_156, %gather3A_159 : vector<16xf32>
    %broadcast_in_dim3A_161 = arith.constant 6 : i32
    %broadcast_in_dim3A_162 = vector.broadcast %broadcast_in_dim3A_161 : i32 to vector<16xi32>
    %gather3A_163 = tpu.vector_load_idx %arg8[%iota3A, %broadcast_in_dim3A_162] : memref<16x16xf32, #tpu.memory_space<vmem>>[vector<16xi32>, vector<16xi32>], vector<16xf32>,
    %add3A_164 = arith.addf %add3A_160, %gather3A_163 : vector<16xf32>
    %broadcast_in_dim3A_165 = arith.constant 7 : i32
    %broadcast_in_dim3A_166 = vector.broadcast %broadcast_in_dim3A_165 : i32 to vector<16xi32>
    %gather3A_167 = tpu.vector_load_idx %arg8[%iota3A, %broadcast_in_dim3A_166] : memref<16x16xf32, #tpu.memory_space<vmem>>[vector<16xi32>, vector<16xi32>], vector<16xf32>,
    %add3A_168 = arith.addf %add3A_164, %gather3A_167 : vector<16xf32>
    %broadcast_in_dim3A_169 = arith.constant 8 : i32
    %broadcast_in_dim3A_170 = vector.broadcast %broadcast_in_dim3A_169 : i32 to vector<16xi32>
    %gather3A_171 = tpu.vector_load_idx %arg8[%iota3A, %broadcast_in_dim3A_170] : memref<16x16xf32, #tpu.memory_space<vmem>>[vector<16xi32>, vector<16xi32>], vector<16xf32>,
    %add3A_172 = arith.addf %add3A_168, %gather3A_171 : vector<16xf32>
    %broadcast_in_dim3A_173 = arith.constant 9 : i32
    %broadcast_in_dim3A_174 = vector.broadcast %broadcast_in_dim3A_173 : i32 to vector<16xi32>
    %gather3A_175 = tpu.vector_load_idx %arg8[%iota3A, %broadcast_in_dim3A_174] : memref<16x16xf32, #tpu.memory_space<vmem>>[vector<16xi32>, vector<16xi32>], vector<16xf32>,
    %add3A_176 = arith.addf %add3A_172, %gather3A_175 : vector<16xf32>
    %broadcast_in_dim3A_177 = arith.constant 10 : i32
    %broadcast_in_dim3A_178 = vector.broadcast %broadcast_in_dim3A_177 : i32 to vector<16xi32>
    %gather3A_179 = tpu.vector_load_idx %arg8[%iota3A, %broadcast_in_dim3A_178] : memref<16x16xf32, #tpu.memory_space<vmem>>[vector<16xi32>, vector<16xi32>], vector<16xf32>,
    %add3A_180 = arith.addf %add3A_176, %gather3A_179 : vector<16xf32>
    %broadcast_in_dim3A_181 = arith.constant 11 : i32
    %broadcast_in_dim3A_182 = vector.broadcast %broadcast_in_dim3A_181 : i32 to vector<16xi32>
    %gather3A_183 = tpu.vector_load_idx %arg8[%iota3A, %broadcast_in_dim3A_182] : memref<16x16xf32, #tpu.memory_space<vmem>>[vector<16xi32>, vector<16xi32>], vector<16xf32>,
    %add3A_184 = arith.addf %add3A_180, %gather3A_183 : vector<16xf32>
    %broadcast_in_dim3A_185 = arith.constant 12 : i32
    %broadcast_in_dim3A_186 = vector.broadcast %broadcast_in_dim3A_185 : i32 to vector<16xi32>
    %gather3A_187 = tpu.vector_load_idx %arg8[%iota3A, %broadcast_in_dim3A_186] : memref<16x16xf32, #tpu.memory_space<vmem>>[vector<16xi32>, vector<16xi32>], vector<16xf32>,
    %add3A_188 = arith.addf %add3A_184, %gather3A_187 : vector<16xf32>
    %broadcast_in_dim3A_189 = arith.constant 13 : i32
    %broadcast_in_dim3A_190 = vector.broadcast %broadcast_in_dim3A_189 : i32 to vector<16xi32>
    %gather3A_191 = tpu.vector_load_idx %arg8[%iota3A, %broadcast_in_dim3A_190] : memref<16x16xf32, #tpu.memory_space<vmem>>[vector<16xi32>, vector<16xi32>], vector<16xf32>,
    %add3A_192 = arith.addf %add3A_188, %gather3A_191 : vector<16xf32>
    %broadcast_in_dim3A_193 = arith.constant 14 : i32
    %broadcast_in_dim3A_194 = vector.broadcast %broadcast_in_dim3A_193 : i32 to vector<16xi32>
    %gather3A_195 = tpu.vector_load_idx %arg8[%iota3A, %broadcast_in_dim3A_194] : memref<16x16xf32, #tpu.memory_space<vmem>>[vector<16xi32>, vector<16xi32>], vector<16xf32>,
    %add3A_196 = arith.addf %add3A_192, %gather3A_195 : vector<16xf32>
    %broadcast_in_dim3A_197 = arith.constant 15 : i32
    %broadcast_in_dim3A_198 = vector.broadcast %broadcast_in_dim3A_197 : i32 to vector<16xi32>
    %gather3A_199 = tpu.vector_load_idx %arg8[%iota3A, %broadcast_in_dim3A_198] : memref<16x16xf32, #tpu.memory_space<vmem>>[vector<16xi32>, vector<16xi32>], vector<16xf32>,
    %add3A_200 = arith.addf %add3A_196, %gather3A_199 : vector<16xf32>
    %swap3A_201 = arith.constant 0 : i32
    %swap3A_202 = arith.index_cast %swap3A_201 : i32 to index
    %swap3A_203 = arith.constant 0 : index
    %swap3A_204 = tpu.vector_load %arg7[%swap3A_202, %swap3A_203] {strides = array<i32>} : memref<8x16xf32, #tpu.memory_space<vmem>>, vector<16xf32>,
    tpu.vector_store %arg7[%swap3A_202, %swap3A_203], %add3A_200 {strides = array<i32>} : memref<8x16xf32, #tpu.memory_space<vmem>>, vector<16xf32>,
    %swap3A_205 = arith.constant 0 : i32
    %swap3A_206 = arith.index_cast %swap3A_205 : i32 to index
    %swap3A_207 = arith.constant 0 : index
    %swap3A_208 = tpu.vector_load %arg8[%swap3A_206, %swap3A_207] {strides = array<i32>} : memref<16x16xf32, #tpu.memory_space<vmem>>, vector<16xf32>,
    tpu.vector_store %arg8[%swap3A_206, %swap3A_207], %scan3A_71#1 {strides = array<i32>} : memref<16x16xf32, #tpu.memory_space<vmem>>, vector<16xf32>,
    %swap3A_209 = arith.constant 1 : i32
    %swap3A_210 = arith.index_cast %swap3A_209 : i32 to index
    %swap3A_211 = arith.constant 0 : index
    %swap3A_212 = tpu.vector_load %arg8[%swap3A_210, %swap3A_211] {strides = array<i32>} : memref<16x16xf32, #tpu.memory_space<vmem>>, vector<16xf32>,
    tpu.vector_store %arg8[%swap3A_210, %swap3A_211], %scan3A_71#3 {strides = array<i32>} : memref<16x16xf32, #tpu.memory_space<vmem>>, vector<16xf32>,
    %swap3A_213 = arith.constant 2 : i32
    %swap3A_214 = arith.index_cast %swap3A_213 : i32 to index
    %swap3A_215 = arith.constant 0 : index
    %swap3A_216 = tpu.vector_load %arg8[%swap3A_214, %swap3A_215] {strides = array<i32>} : memref<16x16xf32, #tpu.memory_space<vmem>>, vector<16xf32>,
    tpu.vector_store %arg8[%swap3A_214, %swap3A_215], %scan3A_71#5 {strides = array<i32>} : memref<16x16xf32, #tpu.memory_space<vmem>>, vector<16xf32>,
    %swap3A_217 = arith.constant 3 : i32
    %swap3A_218 = arith.index_cast %swap3A_217 : i32 to index
    %swap3A_219 = arith.constant 0 : index
    %swap3A_220 = tpu.vector_load %arg8[%swap3A_218, %swap3A_219] {strides = array<i32>} : memref<16x16xf32, #tpu.memory_space<vmem>>, vector<16xf32>,
    tpu.vector_store %arg8[%swap3A_218, %swap3A_219], %scan3A_71#7 {strides = array<i32>} : memref<16x16xf32, #tpu.memory_space<vmem>>, vector<16xf32>,
    %swap3A_221 = arith.constant 4 : i32
    %swap3A_222 = arith.index_cast %swap3A_221 : i32 to index
    %swap3A_223 = arith.constant 0 : index
    %swap3A_224 = tpu.vector_load %arg8[%swap3A_222, %swap3A_223] {strides = array<i32>} : memref<16x16xf32, #tpu.memory_space<vmem>>, vector<16xf32>,
    tpu.vector_store %arg8[%swap3A_222, %swap3A_223], %scan3A_71#9 {strides = array<i32>} : memref<16x16xf32, #tpu.memory_space<vmem>>, vector<16xf32>,
    %swap3A_225 = arith.constant 5 : i32
    %swap3A_226 = arith.index_cast %swap3A_225 : i32 to index
    %swap3A_227 = arith.constant 0 : index
    %swap3A_228 = tpu.vector_load %arg8[%swap3A_226, %swap3A_227] {strides = array<i32>} : memref<16x16xf32, #tpu.memory_space<vmem>>, vector<16xf32>,
    tpu.vector_store %arg8[%swap3A_226, %swap3A_227], %scan3A_71#11 {strides = array<i32>} : memref<16x16xf32, #tpu.memory_space<vmem>>, vector<16xf32>,
    %swap3A_229 = arith.constant 6 : i32
    %swap3A_230 = arith.index_cast %swap3A_229 : i32 to index
    %swap3A_231 = arith.constant 0 : index
    %swap3A_232 = tpu.vector_load %arg8[%swap3A_230, %swap3A_231] {strides = array<i32>} : memref<16x16xf32, #tpu.memory_space<vmem>>, vector<16xf32>,
    tpu.vector_store %arg8[%swap3A_230, %swap3A_231], %scan3A_71#13 {strides = array<i32>} : memref<16x16xf32, #tpu.memory_space<vmem>>, vector<16xf32>,
    %swap3A_233 = arith.constant 7 : i32
    %swap3A_234 = arith.index_cast %swap3A_233 : i32 to index
    %swap3A_235 = arith.constant 0 : index
    %swap3A_236 = tpu.vector_load %arg8[%swap3A_234, %swap3A_235] {strides = array<i32>} : memref<16x16xf32, #tpu.memory_space<vmem>>, vector<16xf32>,
    tpu.vector_store %arg8[%swap3A_234, %swap3A_235], %scan3A_71#15 {strides = array<i32>} : memref<16x16xf32, #tpu.memory_space<vmem>>, vector<16xf32>,
    %swap3A_237 = arith.constant 8 : i32
    %swap3A_238 = arith.index_cast %swap3A_237 : i32 to index
    %swap3A_239 = arith.constant 0 : index
    %swap3A_240 = tpu.vector_load %arg8[%swap3A_238, %swap3A_239] {strides = array<i32>} : memref<16x16xf32, #tpu.memory_space<vmem>>, vector<16xf32>,
    tpu.vector_store %arg8[%swap3A_238, %swap3A_239], %scan3A_71#17 {strides = array<i32>} : memref<16x16xf32, #tpu.memory_space<vmem>>, vector<16xf32>,
    %swap3A_241 = arith.constant 9 : i32
    %swap3A_242 = arith.index_cast %swap3A_241 : i32 to index
    %swap3A_243 = arith.constant 0 : index
    %swap3A_244 = tpu.vector_load %arg8[%swap3A_242, %swap3A_243] {strides = array<i32>} : memref<16x16xf32, #tpu.memory_space<vmem>>, vector<16xf32>,
    tpu.vector_store %arg8[%swap3A_242, %swap3A_243], %scan3A_71#19 {strides = array<i32>} : memref<16x16xf32, #tpu.memory_space<vmem>>, vector<16xf32>,
    %swap3A_245 = arith.constant 10 : i32
    %swap3A_246 = arith.index_cast %swap3A_245 : i32 to index
    %swap3A_247 = arith.constant 0 : index
    %swap3A_248 = tpu.vector_load %arg8[%swap3A_246, %swap3A_247] {strides = array<i32>} : memref<16x16xf32, #tpu.memory_space<vmem>>, vector<16xf32>,
    tpu.vector_store %arg8[%swap3A_246, %swap3A_247], %scan3A_71#21 {strides = array<i32>} : memref<16x16xf32, #tpu.memory_space<vmem>>, vector<16xf32>,
    %swap3A_249 = arith.constant 11 : i32
    %swap3A_250 = arith.index_cast %swap3A_249 : i32 to index
    %swap3A_251 = arith.constant 0 : index
    %swap3A_252 = tpu.vector_load %arg8[%swap3A_250, %swap3A_251] {strides = array<i32>} : memref<16x16xf32, #tpu.memory_space<vmem>>, vector<16xf32>,
    tpu.vector_store %arg8[%swap3A_250, %swap3A_251], %scan3A_71#23 {strides = array<i32>} : memref<16x16xf32, #tpu.memory_space<vmem>>, vector<16xf32>,
    %swap3A_253 = arith.constant 12 : i32
    %swap3A_254 = arith.index_cast %swap3A_253 : i32 to index
    %swap3A_255 = arith.constant 0 : index
    %swap3A_256 = tpu.vector_load %arg8[%swap3A_254, %swap3A_255] {strides = array<i32>} : memref<16x16xf32, #tpu.memory_space<vmem>>, vector<16xf32>,
    tpu.vector_store %arg8[%swap3A_254, %swap3A_255], %scan3A_71#25 {strides = array<i32>} : memref<16x16xf32, #tpu.memory_space<vmem>>, vector<16xf32>,
    %swap3A_257 = arith.constant 13 : i32
    %swap3A_258 = arith.index_cast %swap3A_257 : i32 to index
    %swap3A_259 = arith.constant 0 : index
    %swap3A_260 = tpu.vector_load %arg8[%swap3A_258, %swap3A_259] {strides = array<i32>} : memref<16x16xf32, #tpu.memory_space<vmem>>, vector<16xf32>,
    tpu.vector_store %arg8[%swap3A_258, %swap3A_259], %scan3A_71#27 {strides = array<i32>} : memref<16x16xf32, #tpu.memory_space<vmem>>, vector<16xf32>,
    %swap3A_261 = arith.constant 14 : i32
    %swap3A_262 = arith.index_cast %swap3A_261 : i32 to index
    %swap3A_263 = arith.constant 0 : index
    %swap3A_264 = tpu.vector_load %arg8[%swap3A_262, %swap3A_263] {strides = array<i32>} : memref<16x16xf32, #tpu.memory_space<vmem>>, vector<16xf32>,
    tpu.vector_store %arg8[%swap3A_262, %swap3A_263], %scan3A_71#29 {strides = array<i32>} : memref<16x16xf32, #tpu.memory_space<vmem>>, vector<16xf32>,
    %swap3A_265 = arith.constant 15 : i32
    %swap3A_266 = arith.index_cast %swap3A_265 : i32 to index
    %swap3A_267 = arith.constant 0 : index
    %swap3A_268 = tpu.vector_load %arg8[%swap3A_266, %swap3A_267] {strides = array<i32>} : memref<16x16xf32, #tpu.memory_space<vmem>>, vector<16xf32>,
    tpu.vector_store %arg8[%swap3A_266, %swap3A_267], %scan3A_71#31 {strides = array<i32>} : memref<16x16xf32, #tpu.memory_space<vmem>>, vector<16xf32>,
    %iota3A_269 = tpu.iota {dimensions = array<i32: 0>} : vector<16xi32>
    %broadcast_in_dim3A_270 = arith.constant 0.000000e+00 : f32
    %broadcast_in_dim3A_271 = vector.broadcast %broadcast_in_dim3A_270 : f32 to vector<16xf32>
    %broadcast_in_dim3A_272 = arith.constant 0 : i32
    %broadcast_in_dim3A_273 = vector.broadcast %broadcast_in_dim3A_272 : i32 to vector<16xi32>
    %gather3A_274 = tpu.vector_load_idx %arg8[%iota3A_269, %broadcast_in_dim3A_273] : memref<16x16xf32, #tpu.memory_space<vmem>>[vector<16xi32>, vector<16xi32>], vector<16xf32>,
    %add3A_275 = arith.addf %broadcast_in_dim3A_271, %gather3A_274 : vector<16xf32>
    %broadcast_in_dim3A_276 = arith.constant 1 : i32
    %broadcast_in_dim3A_277 = vector.broadcast %broadcast_in_dim3A_276 : i32 to vector<16xi32>
    %gather3A_278 = tpu.vector_load_idx %arg8[%iota3A_269, %broadcast_in_dim3A_277] : memref<16x16xf32, #tpu.memory_space<vmem>>[vector<16xi32>, vector<16xi32>], vector<16xf32>,
    %add3A_279 = arith.addf %add3A_275, %gather3A_278 : vector<16xf32>
    %broadcast_in_dim3A_280 = arith.constant 2 : i32
    %broadcast_in_dim3A_281 = vector.broadcast %broadcast_in_dim3A_280 : i32 to vector<16xi32>
    %gather3A_282 = tpu.vector_load_idx %arg8[%iota3A_269, %broadcast_in_dim3A_281] : memref<16x16xf32, #tpu.memory_space<vmem>>[vector<16xi32>, vector<16xi32>], vector<16xf32>,
    %add3A_283 = arith.addf %add3A_279, %gather3A_282 : vector<16xf32>
    %broadcast_in_dim3A_284 = arith.constant 3 : i32
    %broadcast_in_dim3A_285 = vector.broadcast %broadcast_in_dim3A_284 : i32 to vector<16xi32>
    %gather3A_286 = tpu.vector_load_idx %arg8[%iota3A_269, %broadcast_in_dim3A_285] : memref<16x16xf32, #tpu.memory_space<vmem>>[vector<16xi32>, vector<16xi32>], vector<16xf32>,
    %add3A_287 = arith.addf %add3A_283, %gather3A_286 : vector<16xf32>
    %broadcast_in_dim3A_288 = arith.constant 4 : i32
    %broadcast_in_dim3A_289 = vector.broadcast %broadcast_in_dim3A_288 : i32 to vector<16xi32>
    %gather3A_290 = tpu.vector_load_idx %arg8[%iota3A_269, %broadcast_in_dim3A_289] : memref<16x16xf32, #tpu.memory_space<vmem>>[vector<16xi32>, vector<16xi32>], vector<16xf32>,
    %add3A_291 = arith.addf %add3A_287, %gather3A_290 : vector<16xf32>
    %broadcast_in_dim3A_292 = arith.constant 5 : i32
    %broadcast_in_dim3A_293 = vector.broadcast %broadcast_in_dim3A_292 : i32 to vector<16xi32>
    %gather3A_294 = tpu.vector_load_idx %arg8[%iota3A_269, %broadcast_in_dim3A_293] : memref<16x16xf32, #tpu.memory_space<vmem>>[vector<16xi32>, vector<16xi32>], vector<16xf32>,
    %add3A_295 = arith.addf %add3A_291, %gather3A_294 : vector<16xf32>
    %broadcast_in_dim3A_296 = arith.constant 6 : i32
    %broadcast_in_dim3A_297 = vector.broadcast %broadcast_in_dim3A_296 : i32 to vector<16xi32>
    %gather3A_298 = tpu.vector_load_idx %arg8[%iota3A_269, %broadcast_in_dim3A_297] : memref<16x16xf32, #tpu.memory_space<vmem>>[vector<16xi32>, vector<16xi32>], vector<16xf32>,
    %add3A_299 = arith.addf %add3A_295, %gather3A_298 : vector<16xf32>
    %broadcast_in_dim3A_300 = arith.constant 7 : i32
    %broadcast_in_dim3A_301 = vector.broadcast %broadcast_in_dim3A_300 : i32 to vector<16xi32>
    %gather3A_302 = tpu.vector_load_idx %arg8[%iota3A_269, %broadcast_in_dim3A_301] : memref<16x16xf32, #tpu.memory_space<vmem>>[vector<16xi32>, vector<16xi32>], vector<16xf32>,
    %add3A_303 = arith.addf %add3A_299, %gather3A_302 : vector<16xf32>
    %broadcast_in_dim3A_304 = arith.constant 8 : i32
    %broadcast_in_dim3A_305 = vector.broadcast %broadcast_in_dim3A_304 : i32 to vector<16xi32>
    %gather3A_306 = tpu.vector_load_idx %arg8[%iota3A_269, %broadcast_in_dim3A_305] : memref<16x16xf32, #tpu.memory_space<vmem>>[vector<16xi32>, vector<16xi32>], vector<16xf32>,
    %add3A_307 = arith.addf %add3A_303, %gather3A_306 : vector<16xf32>
    %broadcast_in_dim3A_308 = arith.constant 9 : i32
    %broadcast_in_dim3A_309 = vector.broadcast %broadcast_in_dim3A_308 : i32 to vector<16xi32>
    %gather3A_310 = tpu.vector_load_idx %arg8[%iota3A_269, %broadcast_in_dim3A_309] : memref<16x16xf32, #tpu.memory_space<vmem>>[vector<16xi32>, vector<16xi32>], vector<16xf32>,
    %add3A_311 = arith.addf %add3A_307, %gather3A_310 : vector<16xf32>
    %broadcast_in_dim3A_312 = arith.constant 10 : i32
    %broadcast_in_dim3A_313 = vector.broadcast %broadcast_in_dim3A_312 : i32 to vector<16xi32>
    %gather3A_314 = tpu.vector_load_idx %arg8[%iota3A_269, %broadcast_in_dim3A_313] : memref<16x16xf32, #tpu.memory_space<vmem>>[vector<16xi32>, vector<16xi32>], vector<16xf32>,
    %add3A_315 = arith.addf %add3A_311, %gather3A_314 : vector<16xf32>
    %broadcast_in_dim3A_316 = arith.constant 11 : i32
    %broadcast_in_dim3A_317 = vector.broadcast %broadcast_in_dim3A_316 : i32 to vector<16xi32>
    %gather3A_318 = tpu.vector_load_idx %arg8[%iota3A_269, %broadcast_in_dim3A_317] : memref<16x16xf32, #tpu.memory_space<vmem>>[vector<16xi32>, vector<16xi32>], vector<16xf32>,
    %add3A_319 = arith.addf %add3A_315, %gather3A_318 : vector<16xf32>
    %broadcast_in_dim3A_320 = arith.constant 12 : i32
    %broadcast_in_dim3A_321 = vector.broadcast %broadcast_in_dim3A_320 : i32 to vector<16xi32>
    %gather3A_322 = tpu.vector_load_idx %arg8[%iota3A_269, %broadcast_in_dim3A_321] : memref<16x16xf32, #tpu.memory_space<vmem>>[vector<16xi32>, vector<16xi32>], vector<16xf32>,
    %add3A_323 = arith.addf %add3A_319, %gather3A_322 : vector<16xf32>
    %broadcast_in_dim3A_324 = arith.constant 13 : i32
    %broadcast_in_dim3A_325 = vector.broadcast %broadcast_in_dim3A_324 : i32 to vector<16xi32>
    %gather3A_326 = tpu.vector_load_idx %arg8[%iota3A_269, %broadcast_in_dim3A_325] : memref<16x16xf32, #tpu.memory_space<vmem>>[vector<16xi32>, vector<16xi32>], vector<16xf32>,
    %add3A_327 = arith.addf %add3A_323, %gather3A_326 : vector<16xf32>
    %broadcast_in_dim3A_328 = arith.constant 14 : i32
    %broadcast_in_dim3A_329 = vector.broadcast %broadcast_in_dim3A_328 : i32 to vector<16xi32>
    %gather3A_330 = tpu.vector_load_idx %arg8[%iota3A_269, %broadcast_in_dim3A_329] : memref<16x16xf32, #tpu.memory_space<vmem>>[vector<16xi32>, vector<16xi32>], vector<16xf32>,
    %add3A_331 = arith.addf %add3A_327, %gather3A_330 : vector<16xf32>
    %broadcast_in_dim3A_332 = arith.constant 15 : i32
    %broadcast_in_dim3A_333 = vector.broadcast %broadcast_in_dim3A_332 : i32 to vector<16xi32>
    %gather3A_334 = tpu.vector_load_idx %arg8[%iota3A_269, %broadcast_in_dim3A_333] : memref<16x16xf32, #tpu.memory_space<vmem>>[vector<16xi32>, vector<16xi32>], vector<16xf32>,
    %add3A_335 = arith.addf %add3A_331, %gather3A_334 : vector<16xf32>
    %swap3A_336 = arith.constant 1 : i32
    %swap3A_337 = arith.index_cast %swap3A_336 : i32 to index
    %swap3A_338 = arith.constant 0 : index
    %swap3A_339 = tpu.vector_load %arg7[%swap3A_337, %swap3A_338] {strides = array<i32>} : memref<8x16xf32, #tpu.memory_space<vmem>>, vector<16xf32>,
    tpu.vector_store %arg7[%swap3A_337, %swap3A_338], %add3A_335 {strides = array<i32>} : memref<8x16xf32, #tpu.memory_space<vmem>>, vector<16xf32>,
    %broadcast_in_dim3A_340 = arith.constant 0.000000e+00 : f32
    %broadcast_in_dim3A_341 = vector.broadcast %broadcast_in_dim3A_340 : f32 to vector<16xf32>
    %broadcast_in_dim3A_342 = arith.constant 0.000000e+00 : f32
    %broadcast_in_dim3A_343 = vector.broadcast %broadcast_in_dim3A_342 : f32 to vector<16xf32>
    %broadcast_in_dim3A_344 = arith.constant 0.000000e+00 : f32
    %broadcast_in_dim3A_345 = vector.broadcast %broadcast_in_dim3A_344 : f32 to vector<16xf32>
    %broadcast_in_dim3A_346 = arith.constant 0.000000e+00 : f32
    %broadcast_in_dim3A_347 = vector.broadcast %broadcast_in_dim3A_346 : f32 to vector<16xf32>
    %broadcast_in_dim3A_348 = arith.constant 0.000000e+00 : f32
    %broadcast_in_dim3A_349 = vector.broadcast %broadcast_in_dim3A_348 : f32 to vector<16xf32>
    %broadcast_in_dim3A_350 = arith.constant 0.000000e+00 : f32
    %broadcast_in_dim3A_351 = vector.broadcast %broadcast_in_dim3A_350 : f32 to vector<16xf32>
    %broadcast_in_dim3A_352 = arith.constant 0.000000e+00 : f32
    %broadcast_in_dim3A_353 = vector.broadcast %broadcast_in_dim3A_352 : f32 to vector<16xf32>
    %broadcast_in_dim3A_354 = arith.constant 0.000000e+00 : f32
    %broadcast_in_dim3A_355 = vector.broadcast %broadcast_in_dim3A_354 : f32 to vector<16xf32>
    %broadcast_in_dim3A_356 = arith.constant 0.000000e+00 : f32
    %broadcast_in_dim3A_357 = vector.broadcast %broadcast_in_dim3A_356 : f32 to vector<16xf32>
    %broadcast_in_dim3A_358 = arith.constant 0.000000e+00 : f32
    %broadcast_in_dim3A_359 = vector.broadcast %broadcast_in_dim3A_358 : f32 to vector<16xf32>
    %broadcast_in_dim3A_360 = arith.constant 0.000000e+00 : f32
    %broadcast_in_dim3A_361 = vector.broadcast %broadcast_in_dim3A_360 : f32 to vector<16xf32>
    %broadcast_in_dim3A_362 = arith.constant 0.000000e+00 : f32
    %broadcast_in_dim3A_363 = vector.broadcast %broadcast_in_dim3A_362 : f32 to vector<16xf32>
    %broadcast_in_dim3A_364 = arith.constant 0.000000e+00 : f32
    %broadcast_in_dim3A_365 = vector.broadcast %broadcast_in_dim3A_364 : f32 to vector<16xf32>
    %broadcast_in_dim3A_366 = arith.constant 0.000000e+00 : f32
    %broadcast_in_dim3A_367 = vector.broadcast %broadcast_in_dim3A_366 : f32 to vector<16xf32>
    %broadcast_in_dim3A_368 = arith.constant 0.000000e+00 : f32
    %broadcast_in_dim3A_369 = vector.broadcast %broadcast_in_dim3A_368 : f32 to vector<16xf32>
    %broadcast_in_dim3A_370 = arith.constant 0.000000e+00 : f32
    %broadcast_in_dim3A_371 = vector.broadcast %broadcast_in_dim3A_370 : f32 to vector<16xf32>
    %broadcast_in_dim3A_372 = arith.constant 0.000000e+00 : f32
    %broadcast_in_dim3A_373 = vector.broadcast %broadcast_in_dim3A_372 : f32 to vector<16xf32>
    %broadcast_in_dim3A_374 = arith.constant 0.000000e+00 : f32
    %broadcast_in_dim3A_375 = vector.broadcast %broadcast_in_dim3A_374 : f32 to vector<16xf32>
    %broadcast_in_dim3A_376 = arith.constant 0.000000e+00 : f32
    %broadcast_in_dim3A_377 = vector.broadcast %broadcast_in_dim3A_376 : f32 to vector<16xf32>
    %broadcast_in_dim3A_378 = arith.constant 0.000000e+00 : f32
    %broadcast_in_dim3A_379 = vector.broadcast %broadcast_in_dim3A_378 : f32 to vector<16xf32>
    %broadcast_in_dim3A_380 = arith.constant 0.000000e+00 : f32
    %broadcast_in_dim3A_381 = vector.broadcast %broadcast_in_dim3A_380 : f32 to vector<16xf32>
    %broadcast_in_dim3A_382 = arith.constant 0.000000e+00 : f32
    %broadcast_in_dim3A_383 = vector.broadcast %broadcast_in_dim3A_382 : f32 to vector<16xf32>
    %broadcast_in_dim3A_384 = arith.constant 0.000000e+00 : f32
    %broadcast_in_dim3A_385 = vector.broadcast %broadcast_in_dim3A_384 : f32 to vector<16xf32>
    %broadcast_in_dim3A_386 = arith.constant 0.000000e+00 : f32
    %broadcast_in_dim3A_387 = vector.broadcast %broadcast_in_dim3A_386 : f32 to vector<16xf32>
    %broadcast_in_dim3A_388 = arith.constant 0.000000e+00 : f32
    %broadcast_in_dim3A_389 = vector.broadcast %broadcast_in_dim3A_388 : f32 to vector<16xf32>
    %broadcast_in_dim3A_390 = arith.constant 0.000000e+00 : f32
    %broadcast_in_dim3A_391 = vector.broadcast %broadcast_in_dim3A_390 : f32 to vector<16xf32>
    %broadcast_in_dim3A_392 = arith.constant 0.000000e+00 : f32
    %broadcast_in_dim3A_393 = vector.broadcast %broadcast_in_dim3A_392 : f32 to vector<16xf32>
    %broadcast_in_dim3A_394 = arith.constant 0.000000e+00 : f32
    %broadcast_in_dim3A_395 = vector.broadcast %broadcast_in_dim3A_394 : f32 to vector<16xf32>
    %broadcast_in_dim3A_396 = arith.constant 0.000000e+00 : f32
    %broadcast_in_dim3A_397 = vector.broadcast %broadcast_in_dim3A_396 : f32 to vector<16xf32>
    %broadcast_in_dim3A_398 = arith.constant 0.000000e+00 : f32
    %broadcast_in_dim3A_399 = vector.broadcast %broadcast_in_dim3A_398 : f32 to vector<16xf32>
    %broadcast_in_dim3A_400 = arith.constant 0.000000e+00 : f32
    %broadcast_in_dim3A_401 = vector.broadcast %broadcast_in_dim3A_400 : f32 to vector<16xf32>
    %broadcast_in_dim3A_402 = arith.constant 0.000000e+00 : f32
    %broadcast_in_dim3A_403 = vector.broadcast %broadcast_in_dim3A_402 : f32 to vector<16xf32>
    %scan3A_404 = arith.constant 0 : i32
    %scan3A_405 = arith.constant 128 : i32
    %scan3A_406 = arith.addi %scan3A_404, %scan3A_405 : i32
    %scan3A_407 = arith.constant 1 : i32
    %scan3A_408:32 = scf.for %scan3A_1360 = %scan3A_404 to %scan3A_406 step %scan3A_407 iter_args(%scan3A_1361 = %broadcast_in_dim3A_341, %scan3A_1362 = %broadcast_in_dim3A_343, %scan3A_1363 = %broadcast_in_dim3A_345, %scan3A_1364 = %broadcast_in_dim3A_347, %scan3A_1365 = %broadcast_in_dim3A_349, %scan3A_1366 = %broadcast_in_dim3A_351, %scan3A_1367 = %broadcast_in_dim3A_353, %scan3A_1368 = %broadcast_in_dim3A_355, %scan3A_1369 = %broadcast_in_dim3A_357, %scan3A_1370 = %broadcast_in_dim3A_359, %scan3A_1371 = %broadcast_in_dim3A_361, %scan3A_1372 = %broadcast_in_dim3A_363, %scan3A_1373 = %broadcast_in_dim3A_365, %scan3A_1374 = %broadcast_in_dim3A_367, %scan3A_1375 = %broadcast_in_dim3A_369, %scan3A_1376 = %broadcast_in_dim3A_371, %scan3A_1377 = %broadcast_in_dim3A_373, %scan3A_1378 = %broadcast_in_dim3A_375, %scan3A_1379 = %broadcast_in_dim3A_377, %scan3A_1380 = %broadcast_in_dim3A_379, %scan3A_1381 = %broadcast_in_dim3A_381, %scan3A_1382 = %broadcast_in_dim3A_383, %scan3A_1383 = %broadcast_in_dim3A_385, %scan3A_1384 = %broadcast_in_dim3A_387, %scan3A_1385 = %broadcast_in_dim3A_389, %scan3A_1386 = %broadcast_in_dim3A_391, %scan3A_1387 = %broadcast_in_dim3A_393, %scan3A_1388 = %broadcast_in_dim3A_395, %scan3A_1389 = %broadcast_in_dim3A_397, %scan3A_1390 = %broadcast_in_dim3A_399, %scan3A_1391 = %broadcast_in_dim3A_401, %scan3A_1392 = %broadcast_in_dim3A_403) -> (vector<16xf32>, vector<16xf32>, vector<16xf32>, vector<16xf32>, vector<16xf32>, vector<16xf32>, vector<16xf32>, vector<16xf32>, vector<16xf32>, vector<16xf32>, vector<16xf32>, vector<16xf32>, vector<16xf32>, vector<16xf32>, vector<16xf32>, vector<16xf32>, vector<16xf32>, vector<16xf32>, vector<16xf32>, vector<16xf32>, vector<16xf32>, vector<16xf32>, vector<16xf32>, vector<16xf32>, vector<16xf32>, vector<16xf32>, vector<16xf32>, vector<16xf32>, vector<16xf32>, vector<16xf32>, vector<16xf32>, vector<16xf32>)  : i32 {
      %mul3A_1393 = arith.constant 16 : i32
      %mul3A_1394 = arith.muli %scan3A_1360, %mul3A_1393 : i32
      %get3A = arith.constant 2 : i32
      %get3A_1395 = arith.index_cast %get3A : i32 to index
      %get3A_1396 = arith.index_cast %mul3A_1394 : i32 to index
      %get3A_1397 = tpu.vector_load %arg6[%get3A_1395, %get3A_1396] {strides = array<i32>} : memref<8x2048xf32, #tpu.memory_space<vmem>>, vector<16xf32>,
      %mul3A_1398 = arith.constant 16 : i32
      %mul3A_1399 = arith.muli %scan3A_1360, %mul3A_1398 : i32
      %get3A_1400 = arith.constant 3 : i32
      %get3A_1401 = arith.index_cast %get3A_1400 : i32 to index
      %get3A_1402 = arith.index_cast %mul3A_1399 : i32 to index
      %get3A_1403 = tpu.vector_load %arg6[%get3A_1401, %get3A_1402] {strides = array<i32>} : memref<8x2048xf32, #tpu.memory_space<vmem>>, vector<16xf32>,
      %mul3A_1404 = arith.constant 16 : i32
      %mul3A_1405 = arith.muli %scan3A_1360, %mul3A_1404 : i32
      %get3A_1406 = arith.constant 0 : i32
      %get3A_1407 = arith.index_cast %get3A_1406 : i32 to index
      %get3A_1408 = arith.index_cast %mul3A_1405 : i32 to index
      %get3A_1409 = tpu.vector_load %arg5[%get3A_1407, %get3A_1408] {strides = array<i32>} : memref<16x2048xf32, #tpu.memory_space<vmem>>, vector<16xf32>,
      %mul3A_1410 = arith.mulf %get3A_1397, %get3A_1409 : vector<16xf32>
      %add3A_1411 = arith.addf %scan3A_1361, %mul3A_1410 : vector<16xf32>
      %mul3A_1412 = arith.mulf %get3A_1403, %get3A_1409 : vector<16xf32>
      %add3A_1413 = arith.addf %scan3A_1362, %mul3A_1412 : vector<16xf32>
      %mul3A_1414 = arith.constant 16 : i32
      %mul3A_1415 = arith.muli %scan3A_1360, %mul3A_1414 : i32
      %get3A_1416 = arith.constant 1 : i32
      %get3A_1417 = arith.index_cast %get3A_1416 : i32 to index
      %get3A_1418 = arith.index_cast %mul3A_1415 : i32 to index
      %get3A_1419 = tpu.vector_load %arg5[%get3A_1417, %get3A_1418] {strides = array<i32>} : memref<16x2048xf32, #tpu.memory_space<vmem>>, vector<16xf32>,
      %mul3A_1420 = arith.mulf %get3A_1397, %get3A_1419 : vector<16xf32>
      %add3A_1421 = arith.addf %scan3A_1363, %mul3A_1420 : vector<16xf32>
      %mul3A_1422 = arith.mulf %get3A_1403, %get3A_1419 : vector<16xf32>
      %add3A_1423 = arith.addf %scan3A_1364, %mul3A_1422 : vector<16xf32>
      %mul3A_1424 = arith.constant 16 : i32
      %mul3A_1425 = arith.muli %scan3A_1360, %mul3A_1424 : i32
      %get3A_1426 = arith.constant 2 : i32
      %get3A_1427 = arith.index_cast %get3A_1426 : i32 to index
      %get3A_1428 = arith.index_cast %mul3A_1425 : i32 to index
      %get3A_1429 = tpu.vector_load %arg5[%get3A_1427, %get3A_1428] {strides = array<i32>} : memref<16x2048xf32, #tpu.memory_space<vmem>>, vector<16xf32>,
      %mul3A_1430 = arith.mulf %get3A_1397, %get3A_1429 : vector<16xf32>
      %add3A_1431 = arith.addf %scan3A_1365, %mul3A_1430 : vector<16xf32>
      %mul3A_1432 = arith.mulf %get3A_1403, %get3A_1429 : vector<16xf32>
      %add3A_1433 = arith.addf %scan3A_1366, %mul3A_1432 : vector<16xf32>
      %mul3A_1434 = arith.constant 16 : i32
      %mul3A_1435 = arith.muli %scan3A_1360, %mul3A_1434 : i32
      %get3A_1436 = arith.constant 3 : i32
      %get3A_1437 = arith.index_cast %get3A_1436 : i32 to index
      %get3A_1438 = arith.index_cast %mul3A_1435 : i32 to index
      %get3A_1439 = tpu.vector_load %arg5[%get3A_1437, %get3A_1438] {strides = array<i32>} : memref<16x2048xf32, #tpu.memory_space<vmem>>, vector<16xf32>,
      %mul3A_1440 = arith.mulf %get3A_1397, %get3A_1439 : vector<16xf32>
      %add3A_1441 = arith.addf %scan3A_1367, %mul3A_1440 : vector<16xf32>
      %mul3A_1442 = arith.mulf %get3A_1403, %get3A_1439 : vector<16xf32>
      %add3A_1443 = arith.addf %scan3A_1368, %mul3A_1442 : vector<16xf32>
      %mul3A_1444 = arith.constant 16 : i32
      %mul3A_1445 = arith.muli %scan3A_1360, %mul3A_1444 : i32
      %get3A_1446 = arith.constant 4 : i32
      %get3A_1447 = arith.index_cast %get3A_1446 : i32 to index
      %get3A_1448 = arith.index_cast %mul3A_1445 : i32 to index
      %get3A_1449 = tpu.vector_load %arg5[%get3A_1447, %get3A_1448] {strides = array<i32>} : memref<16x2048xf32, #tpu.memory_space<vmem>>, vector<16xf32>,
      %mul3A_1450 = arith.mulf %get3A_1397, %get3A_1449 : vector<16xf32>
      %add3A_1451 = arith.addf %scan3A_1369, %mul3A_1450 : vector<16xf32>
      %mul3A_1452 = arith.mulf %get3A_1403, %get3A_1449 : vector<16xf32>
      %add3A_1453 = arith.addf %scan3A_1370, %mul3A_1452 : vector<16xf32>
      %mul3A_1454 = arith.constant 16 : i32
      %mul3A_1455 = arith.muli %scan3A_1360, %mul3A_1454 : i32
      %get3A_1456 = arith.constant 5 : i32
      %get3A_1457 = arith.index_cast %get3A_1456 : i32 to index
      %get3A_1458 = arith.index_cast %mul3A_1455 : i32 to index
      %get3A_1459 = tpu.vector_load %arg5[%get3A_1457, %get3A_1458] {strides = array<i32>} : memref<16x2048xf32, #tpu.memory_space<vmem>>, vector<16xf32>,
      %mul3A_1460 = arith.mulf %get3A_1397, %get3A_1459 : vector<16xf32>
      %add3A_1461 = arith.addf %scan3A_1371, %mul3A_1460 : vector<16xf32>
      %mul3A_1462 = arith.mulf %get3A_1403, %get3A_1459 : vector<16xf32>
      %add3A_1463 = arith.addf %scan3A_1372, %mul3A_1462 : vector<16xf32>
      %mul3A_1464 = arith.constant 16 : i32
      %mul3A_1465 = arith.muli %scan3A_1360, %mul3A_1464 : i32
      %get3A_1466 = arith.constant 6 : i32
      %get3A_1467 = arith.index_cast %get3A_1466 : i32 to index
      %get3A_1468 = arith.index_cast %mul3A_1465 : i32 to index
      %get3A_1469 = tpu.vector_load %arg5[%get3A_1467, %get3A_1468] {strides = array<i32>} : memref<16x2048xf32, #tpu.memory_space<vmem>>, vector<16xf32>,
      %mul3A_1470 = arith.mulf %get3A_1397, %get3A_1469 : vector<16xf32>
      %add3A_1471 = arith.addf %scan3A_1373, %mul3A_1470 : vector<16xf32>
      %mul3A_1472 = arith.mulf %get3A_1403, %get3A_1469 : vector<16xf32>
      %add3A_1473 = arith.addf %scan3A_1374, %mul3A_1472 : vector<16xf32>
      %mul3A_1474 = arith.constant 16 : i32
      %mul3A_1475 = arith.muli %scan3A_1360, %mul3A_1474 : i32
      %get3A_1476 = arith.constant 7 : i32
      %get3A_1477 = arith.index_cast %get3A_1476 : i32 to index
      %get3A_1478 = arith.index_cast %mul3A_1475 : i32 to index
      %get3A_1479 = tpu.vector_load %arg5[%get3A_1477, %get3A_1478] {strides = array<i32>} : memref<16x2048xf32, #tpu.memory_space<vmem>>, vector<16xf32>,
      %mul3A_1480 = arith.mulf %get3A_1397, %get3A_1479 : vector<16xf32>
      %add3A_1481 = arith.addf %scan3A_1375, %mul3A_1480 : vector<16xf32>
      %mul3A_1482 = arith.mulf %get3A_1403, %get3A_1479 : vector<16xf32>
      %add3A_1483 = arith.addf %scan3A_1376, %mul3A_1482 : vector<16xf32>
      %mul3A_1484 = arith.constant 16 : i32
      %mul3A_1485 = arith.muli %scan3A_1360, %mul3A_1484 : i32
      %get3A_1486 = arith.constant 8 : i32
      %get3A_1487 = arith.index_cast %get3A_1486 : i32 to index
      %get3A_1488 = arith.index_cast %mul3A_1485 : i32 to index
      %get3A_1489 = tpu.vector_load %arg5[%get3A_1487, %get3A_1488] {strides = array<i32>} : memref<16x2048xf32, #tpu.memory_space<vmem>>, vector<16xf32>,
      %mul3A_1490 = arith.mulf %get3A_1397, %get3A_1489 : vector<16xf32>
      %add3A_1491 = arith.addf %scan3A_1377, %mul3A_1490 : vector<16xf32>
      %mul3A_1492 = arith.mulf %get3A_1403, %get3A_1489 : vector<16xf32>
      %add3A_1493 = arith.addf %scan3A_1378, %mul3A_1492 : vector<16xf32>
      %mul3A_1494 = arith.constant 16 : i32
      %mul3A_1495 = arith.muli %scan3A_1360, %mul3A_1494 : i32
      %get3A_1496 = arith.constant 9 : i32
      %get3A_1497 = arith.index_cast %get3A_1496 : i32 to index
      %get3A_1498 = arith.index_cast %mul3A_1495 : i32 to index
      %get3A_1499 = tpu.vector_load %arg5[%get3A_1497, %get3A_1498] {strides = array<i32>} : memref<16x2048xf32, #tpu.memory_space<vmem>>, vector<16xf32>,
      %mul3A_1500 = arith.mulf %get3A_1397, %get3A_1499 : vector<16xf32>
      %add3A_1501 = arith.addf %scan3A_1379, %mul3A_1500 : vector<16xf32>
      %mul3A_1502 = arith.mulf %get3A_1403, %get3A_1499 : vector<16xf32>
      %add3A_1503 = arith.addf %scan3A_1380, %mul3A_1502 : vector<16xf32>
      %mul3A_1504 = arith.constant 16 : i32
      %mul3A_1505 = arith.muli %scan3A_1360, %mul3A_1504 : i32
      %get3A_1506 = arith.constant 10 : i32
      %get3A_1507 = arith.index_cast %get3A_1506 : i32 to index
      %get3A_1508 = arith.index_cast %mul3A_1505 : i32 to index
      %get3A_1509 = tpu.vector_load %arg5[%get3A_1507, %get3A_1508] {strides = array<i32>} : memref<16x2048xf32, #tpu.memory_space<vmem>>, vector<16xf32>,
      %mul3A_1510 = arith.mulf %get3A_1397, %get3A_1509 : vector<16xf32>
      %add3A_1511 = arith.addf %scan3A_1381, %mul3A_1510 : vector<16xf32>
      %mul3A_1512 = arith.mulf %get3A_1403, %get3A_1509 : vector<16xf32>
      %add3A_1513 = arith.addf %scan3A_1382, %mul3A_1512 : vector<16xf32>
      %mul3A_1514 = arith.constant 16 : i32
      %mul3A_1515 = arith.muli %scan3A_1360, %mul3A_1514 : i32
      %get3A_1516 = arith.constant 11 : i32
      %get3A_1517 = arith.index_cast %get3A_1516 : i32 to index
      %get3A_1518 = arith.index_cast %mul3A_1515 : i32 to index
      %get3A_1519 = tpu.vector_load %arg5[%get3A_1517, %get3A_1518] {strides = array<i32>} : memref<16x2048xf32, #tpu.memory_space<vmem>>, vector<16xf32>,
      %mul3A_1520 = arith.mulf %get3A_1397, %get3A_1519 : vector<16xf32>
      %add3A_1521 = arith.addf %scan3A_1383, %mul3A_1520 : vector<16xf32>
      %mul3A_1522 = arith.mulf %get3A_1403, %get3A_1519 : vector<16xf32>
      %add3A_1523 = arith.addf %scan3A_1384, %mul3A_1522 : vector<16xf32>
      %mul3A_1524 = arith.constant 16 : i32
      %mul3A_1525 = arith.muli %scan3A_1360, %mul3A_1524 : i32
      %get3A_1526 = arith.constant 12 : i32
      %get3A_1527 = arith.index_cast %get3A_1526 : i32 to index
      %get3A_1528 = arith.index_cast %mul3A_1525 : i32 to index
      %get3A_1529 = tpu.vector_load %arg5[%get3A_1527, %get3A_1528] {strides = array<i32>} : memref<16x2048xf32, #tpu.memory_space<vmem>>, vector<16xf32>,
      %mul3A_1530 = arith.mulf %get3A_1397, %get3A_1529 : vector<16xf32>
      %add3A_1531 = arith.addf %scan3A_1385, %mul3A_1530 : vector<16xf32>
      %mul3A_1532 = arith.mulf %get3A_1403, %get3A_1529 : vector<16xf32>
      %add3A_1533 = arith.addf %scan3A_1386, %mul3A_1532 : vector<16xf32>
      %mul3A_1534 = arith.constant 16 : i32
      %mul3A_1535 = arith.muli %scan3A_1360, %mul3A_1534 : i32
      %get3A_1536 = arith.constant 13 : i32
      %get3A_1537 = arith.index_cast %get3A_1536 : i32 to index
      %get3A_1538 = arith.index_cast %mul3A_1535 : i32 to index
      %get3A_1539 = tpu.vector_load %arg5[%get3A_1537, %get3A_1538] {strides = array<i32>} : memref<16x2048xf32, #tpu.memory_space<vmem>>, vector<16xf32>,
      %mul3A_1540 = arith.mulf %get3A_1397, %get3A_1539 : vector<16xf32>
      %add3A_1541 = arith.addf %scan3A_1387, %mul3A_1540 : vector<16xf32>
      %mul3A_1542 = arith.mulf %get3A_1403, %get3A_1539 : vector<16xf32>
      %add3A_1543 = arith.addf %scan3A_1388, %mul3A_1542 : vector<16xf32>
      %mul3A_1544 = arith.constant 16 : i32
      %mul3A_1545 = arith.muli %scan3A_1360, %mul3A_1544 : i32
      %get3A_1546 = arith.constant 14 : i32
      %get3A_1547 = arith.index_cast %get3A_1546 : i32 to index
      %get3A_1548 = arith.index_cast %mul3A_1545 : i32 to index
      %get3A_1549 = tpu.vector_load %arg5[%get3A_1547, %get3A_1548] {strides = array<i32>} : memref<16x2048xf32, #tpu.memory_space<vmem>>, vector<16xf32>,
      %mul3A_1550 = arith.mulf %get3A_1397, %get3A_1549 : vector<16xf32>
      %add3A_1551 = arith.addf %scan3A_1389, %mul3A_1550 : vector<16xf32>
      %mul3A_1552 = arith.mulf %get3A_1403, %get3A_1549 : vector<16xf32>
      %add3A_1553 = arith.addf %scan3A_1390, %mul3A_1552 : vector<16xf32>
      %mul3A_1554 = arith.constant 16 : i32
      %mul3A_1555 = arith.muli %scan3A_1360, %mul3A_1554 : i32
      %get3A_1556 = arith.constant 15 : i32
      %get3A_1557 = arith.index_cast %get3A_1556 : i32 to index
      %get3A_1558 = arith.index_cast %mul3A_1555 : i32 to index
      %get3A_1559 = tpu.vector_load %arg5[%get3A_1557, %get3A_1558] {strides = array<i32>} : memref<16x2048xf32, #tpu.memory_space<vmem>>, vector<16xf32>,
      %mul3A_1560 = arith.mulf %get3A_1397, %get3A_1559 : vector<16xf32>
      %add3A_1561 = arith.addf %scan3A_1391, %mul3A_1560 : vector<16xf32>
      %mul3A_1562 = arith.mulf %get3A_1403, %get3A_1559 : vector<16xf32>
      %add3A_1563 = arith.addf %scan3A_1392, %mul3A_1562 : vector<16xf32>
      scf.yield %add3A_1411, %add3A_1413, %add3A_1421, %add3A_1423, %add3A_1431, %add3A_1433, %add3A_1441, %add3A_1443, %add3A_1451, %add3A_1453, %add3A_1461, %add3A_1463, %add3A_1471, %add3A_1473, %add3A_1481, %add3A_1483, %add3A_1491, %add3A_1493, %add3A_1501, %add3A_1503, %add3A_1511, %add3A_1513, %add3A_1521, %add3A_1523, %add3A_1531, %add3A_1533, %add3A_1541, %add3A_1543, %add3A_1551, %add3A_1553, %add3A_1561, %add3A_1563 : vector<16xf32>, vector<16xf32>, vector<16xf32>, vector<16xf32>, vector<16xf32>, vector<16xf32>, vector<16xf32>, vector<16xf32>, vector<16xf32>, vector<16xf32>, vector<16xf32>, vector<16xf32>, vector<16xf32>, vector<16xf32>, vector<16xf32>, vector<16xf32>, vector<16xf32>, vector<16xf32>, vector<16xf32>, vector<16xf32>, vector<16xf32>, vector<16xf32>, vector<16xf32>, vector<16xf32>, vector<16xf32>, vector<16xf32>, vector<16xf32>, vector<16xf32>, vector<16xf32>, vector<16xf32>, vector<16xf32>, vector<16xf32>
    }
    %scan3A_409 = arith.constant 128 : i32
    %swap3A_410 = arith.constant 0 : i32
    %swap3A_411 = arith.index_cast %swap3A_410 : i32 to index
    %swap3A_412 = arith.constant 0 : index
    %swap3A_413 = tpu.vector_load %arg8[%swap3A_411, %swap3A_412] {strides = array<i32>} : memref<16x16xf32, #tpu.memory_space<vmem>>, vector<16xf32>,
    tpu.vector_store %arg8[%swap3A_411, %swap3A_412], %scan3A_408#0 {strides = array<i32>} : memref<16x16xf32, #tpu.memory_space<vmem>>, vector<16xf32>,
    %swap3A_414 = arith.constant 1 : i32
    %swap3A_415 = arith.index_cast %swap3A_414 : i32 to index
    %swap3A_416 = arith.constant 0 : index
    %swap3A_417 = tpu.vector_load %arg8[%swap3A_415, %swap3A_416] {strides = array<i32>} : memref<16x16xf32, #tpu.memory_space<vmem>>, vector<16xf32>,
    tpu.vector_store %arg8[%swap3A_415, %swap3A_416], %scan3A_408#2 {strides = array<i32>} : memref<16x16xf32, #tpu.memory_space<vmem>>, vector<16xf32>,
    %swap3A_418 = arith.constant 2 : i32
    %swap3A_419 = arith.index_cast %swap3A_418 : i32 to index
    %swap3A_420 = arith.constant 0 : index
    %swap3A_421 = tpu.vector_load %arg8[%swap3A_419, %swap3A_420] {strides = array<i32>} : memref<16x16xf32, #tpu.memory_space<vmem>>, vector<16xf32>,
    tpu.vector_store %arg8[%swap3A_419, %swap3A_420], %scan3A_408#4 {strides = array<i32>} : memref<16x16xf32, #tpu.memory_space<vmem>>, vector<16xf32>,
    %swap3A_422 = arith.constant 3 : i32
    %swap3A_423 = arith.index_cast %swap3A_422 : i32 to index
    %swap3A_424 = arith.constant 0 : index
    %swap3A_425 = tpu.vector_load %arg8[%swap3A_423, %swap3A_424] {strides = array<i32>} : memref<16x16xf32, #tpu.memory_space<vmem>>, vector<16xf32>,
    tpu.vector_store %arg8[%swap3A_423, %swap3A_424], %scan3A_408#6 {strides = array<i32>} : memref<16x16xf32, #tpu.memory_space<vmem>>, vector<16xf32>,
    %swap3A_426 = arith.constant 4 : i32
    %swap3A_427 = arith.index_cast %swap3A_426 : i32 to index
    %swap3A_428 = arith.constant 0 : index
    %swap3A_429 = tpu.vector_load %arg8[%swap3A_427, %swap3A_428] {strides = array<i32>} : memref<16x16xf32, #tpu.memory_space<vmem>>, vector<16xf32>,
    tpu.vector_store %arg8[%swap3A_427, %swap3A_428], %scan3A_408#8 {strides = array<i32>} : memref<16x16xf32, #tpu.memory_space<vmem>>, vector<16xf32>,
    %swap3A_430 = arith.constant 5 : i32
    %swap3A_431 = arith.index_cast %swap3A_430 : i32 to index
    %swap3A_432 = arith.constant 0 : index
    %swap3A_433 = tpu.vector_load %arg8[%swap3A_431, %swap3A_432] {strides = array<i32>} : memref<16x16xf32, #tpu.memory_space<vmem>>, vector<16xf32>,
    tpu.vector_store %arg8[%swap3A_431, %swap3A_432], %scan3A_408#10 {strides = array<i32>} : memref<16x16xf32, #tpu.memory_space<vmem>>, vector<16xf32>,
    %swap3A_434 = arith.constant 6 : i32
    %swap3A_435 = arith.index_cast %swap3A_434 : i32 to index
    %swap3A_436 = arith.constant 0 : index
    %swap3A_437 = tpu.vector_load %arg8[%swap3A_435, %swap3A_436] {strides = array<i32>} : memref<16x16xf32, #tpu.memory_space<vmem>>, vector<16xf32>,
    tpu.vector_store %arg8[%swap3A_435, %swap3A_436], %scan3A_408#12 {strides = array<i32>} : memref<16x16xf32, #tpu.memory_space<vmem>>, vector<16xf32>,
    %swap3A_438 = arith.constant 7 : i32
    %swap3A_439 = arith.index_cast %swap3A_438 : i32 to index
    %swap3A_440 = arith.constant 0 : index
    %swap3A_441 = tpu.vector_load %arg8[%swap3A_439, %swap3A_440] {strides = array<i32>} : memref<16x16xf32, #tpu.memory_space<vmem>>, vector<16xf32>,
    tpu.vector_store %arg8[%swap3A_439, %swap3A_440], %scan3A_408#14 {strides = array<i32>} : memref<16x16xf32, #tpu.memory_space<vmem>>, vector<16xf32>,
    %swap3A_442 = arith.constant 8 : i32
    %swap3A_443 = arith.index_cast %swap3A_442 : i32 to index
    %swap3A_444 = arith.constant 0 : index
    %swap3A_445 = tpu.vector_load %arg8[%swap3A_443, %swap3A_444] {strides = array<i32>} : memref<16x16xf32, #tpu.memory_space<vmem>>, vector<16xf32>,
    tpu.vector_store %arg8[%swap3A_443, %swap3A_444], %scan3A_408#16 {strides = array<i32>} : memref<16x16xf32, #tpu.memory_space<vmem>>, vector<16xf32>,
    %swap3A_446 = arith.constant 9 : i32
    %swap3A_447 = arith.index_cast %swap3A_446 : i32 to index
    %swap3A_448 = arith.constant 0 : index
    %swap3A_449 = tpu.vector_load %arg8[%swap3A_447, %swap3A_448] {strides = array<i32>} : memref<16x16xf32, #tpu.memory_space<vmem>>, vector<16xf32>,
    tpu.vector_store %arg8[%swap3A_447, %swap3A_448], %scan3A_408#18 {strides = array<i32>} : memref<16x16xf32, #tpu.memory_space<vmem>>, vector<16xf32>,
    %swap3A_450 = arith.constant 10 : i32
    %swap3A_451 = arith.index_cast %swap3A_450 : i32 to index
    %swap3A_452 = arith.constant 0 : index
    %swap3A_453 = tpu.vector_load %arg8[%swap3A_451, %swap3A_452] {strides = array<i32>} : memref<16x16xf32, #tpu.memory_space<vmem>>, vector<16xf32>,
    tpu.vector_store %arg8[%swap3A_451, %swap3A_452], %scan3A_408#20 {strides = array<i32>} : memref<16x16xf32, #tpu.memory_space<vmem>>, vector<16xf32>,
    %swap3A_454 = arith.constant 11 : i32
    %swap3A_455 = arith.index_cast %swap3A_454 : i32 to index
    %swap3A_456 = arith.constant 0 : index
    %swap3A_457 = tpu.vector_load %arg8[%swap3A_455, %swap3A_456] {strides = array<i32>} : memref<16x16xf32, #tpu.memory_space<vmem>>, vector<16xf32>,
    tpu.vector_store %arg8[%swap3A_455, %swap3A_456], %scan3A_408#22 {strides = array<i32>} : memref<16x16xf32, #tpu.memory_space<vmem>>, vector<16xf32>,
    %swap3A_458 = arith.constant 12 : i32
    %swap3A_459 = arith.index_cast %swap3A_458 : i32 to index
    %swap3A_460 = arith.constant 0 : index
    %swap3A_461 = tpu.vector_load %arg8[%swap3A_459, %swap3A_460] {strides = array<i32>} : memref<16x16xf32, #tpu.memory_space<vmem>>, vector<16xf32>,
    tpu.vector_store %arg8[%swap3A_459, %swap3A_460], %scan3A_408#24 {strides = array<i32>} : memref<16x16xf32, #tpu.memory_space<vmem>>, vector<16xf32>,
    %swap3A_462 = arith.constant 13 : i32
    %swap3A_463 = arith.index_cast %swap3A_462 : i32 to index
    %swap3A_464 = arith.constant 0 : index
    %swap3A_465 = tpu.vector_load %arg8[%swap3A_463, %swap3A_464] {strides = array<i32>} : memref<16x16xf32, #tpu.memory_space<vmem>>, vector<16xf32>,
    tpu.vector_store %arg8[%swap3A_463, %swap3A_464], %scan3A_408#26 {strides = array<i32>} : memref<16x16xf32, #tpu.memory_space<vmem>>, vector<16xf32>,
    %swap3A_466 = arith.constant 14 : i32
    %swap3A_467 = arith.index_cast %swap3A_466 : i32 to index
    %swap3A_468 = arith.constant 0 : index
    %swap3A_469 = tpu.vector_load %arg8[%swap3A_467, %swap3A_468] {strides = array<i32>} : memref<16x16xf32, #tpu.memory_space<vmem>>, vector<16xf32>,
    tpu.vector_store %arg8[%swap3A_467, %swap3A_468], %scan3A_408#28 {strides = array<i32>} : memref<16x16xf32, #tpu.memory_space<vmem>>, vector<16xf32>,
    %swap3A_470 = arith.constant 15 : i32
    %swap3A_471 = arith.index_cast %swap3A_470 : i32 to index
    %swap3A_472 = arith.constant 0 : index
    %swap3A_473 = tpu.vector_load %arg8[%swap3A_471, %swap3A_472] {strides = array<i32>} : memref<16x16xf32, #tpu.memory_space<vmem>>, vector<16xf32>,
    tpu.vector_store %arg8[%swap3A_471, %swap3A_472], %scan3A_408#30 {strides = array<i32>} : memref<16x16xf32, #tpu.memory_space<vmem>>, vector<16xf32>,
    %iota3A_474 = tpu.iota {dimensions = array<i32: 0>} : vector<16xi32>
    %broadcast_in_dim3A_475 = arith.constant 0.000000e+00 : f32
    %broadcast_in_dim3A_476 = vector.broadcast %broadcast_in_dim3A_475 : f32 to vector<16xf32>
    %broadcast_in_dim3A_477 = arith.constant 0 : i32
    %broadcast_in_dim3A_478 = vector.broadcast %broadcast_in_dim3A_477 : i32 to vector<16xi32>
    %gather3A_479 = tpu.vector_load_idx %arg8[%iota3A_474, %broadcast_in_dim3A_478] : memref<16x16xf32, #tpu.memory_space<vmem>>[vector<16xi32>, vector<16xi32>], vector<16xf32>,
    %add3A_480 = arith.addf %broadcast_in_dim3A_476, %gather3A_479 : vector<16xf32>
    %broadcast_in_dim3A_481 = arith.constant 1 : i32
    %broadcast_in_dim3A_482 = vector.broadcast %broadcast_in_dim3A_481 : i32 to vector<16xi32>
    %gather3A_483 = tpu.vector_load_idx %arg8[%iota3A_474, %broadcast_in_dim3A_482] : memref<16x16xf32, #tpu.memory_space<vmem>>[vector<16xi32>, vector<16xi32>], vector<16xf32>,
    %add3A_484 = arith.addf %add3A_480, %gather3A_483 : vector<16xf32>
    %broadcast_in_dim3A_485 = arith.constant 2 : i32
    %broadcast_in_dim3A_486 = vector.broadcast %broadcast_in_dim3A_485 : i32 to vector<16xi32>
    %gather3A_487 = tpu.vector_load_idx %arg8[%iota3A_474, %broadcast_in_dim3A_486] : memref<16x16xf32, #tpu.memory_space<vmem>>[vector<16xi32>, vector<16xi32>], vector<16xf32>,
    %add3A_488 = arith.addf %add3A_484, %gather3A_487 : vector<16xf32>
    %broadcast_in_dim3A_489 = arith.constant 3 : i32
    %broadcast_in_dim3A_490 = vector.broadcast %broadcast_in_dim3A_489 : i32 to vector<16xi32>
    %gather3A_491 = tpu.vector_load_idx %arg8[%iota3A_474, %broadcast_in_dim3A_490] : memref<16x16xf32, #tpu.memory_space<vmem>>[vector<16xi32>, vector<16xi32>], vector<16xf32>,
    %add3A_492 = arith.addf %add3A_488, %gather3A_491 : vector<16xf32>
    %broadcast_in_dim3A_493 = arith.constant 4 : i32
    %broadcast_in_dim3A_494 = vector.broadcast %broadcast_in_dim3A_493 : i32 to vector<16xi32>
    %gather3A_495 = tpu.vector_load_idx %arg8[%iota3A_474, %broadcast_in_dim3A_494] : memref<16x16xf32, #tpu.memory_space<vmem>>[vector<16xi32>, vector<16xi32>], vector<16xf32>,
    %add3A_496 = arith.addf %add3A_492, %gather3A_495 : vector<16xf32>
    %broadcast_in_dim3A_497 = arith.constant 5 : i32
    %broadcast_in_dim3A_498 = vector.broadcast %broadcast_in_dim3A_497 : i32 to vector<16xi32>
    %gather3A_499 = tpu.vector_load_idx %arg8[%iota3A_474, %broadcast_in_dim3A_498] : memref<16x16xf32, #tpu.memory_space<vmem>>[vector<16xi32>, vector<16xi32>], vector<16xf32>,
    %add3A_500 = arith.addf %add3A_496, %gather3A_499 : vector<16xf32>
    %broadcast_in_dim3A_501 = arith.constant 6 : i32
    %broadcast_in_dim3A_502 = vector.broadcast %broadcast_in_dim3A_501 : i32 to vector<16xi32>
    %gather3A_503 = tpu.vector_load_idx %arg8[%iota3A_474, %broadcast_in_dim3A_502] : memref<16x16xf32, #tpu.memory_space<vmem>>[vector<16xi32>, vector<16xi32>], vector<16xf32>,
    %add3A_504 = arith.addf %add3A_500, %gather3A_503 : vector<16xf32>
    %broadcast_in_dim3A_505 = arith.constant 7 : i32
    %broadcast_in_dim3A_506 = vector.broadcast %broadcast_in_dim3A_505 : i32 to vector<16xi32>
    %gather3A_507 = tpu.vector_load_idx %arg8[%iota3A_474, %broadcast_in_dim3A_506] : memref<16x16xf32, #tpu.memory_space<vmem>>[vector<16xi32>, vector<16xi32>], vector<16xf32>,
    %add3A_508 = arith.addf %add3A_504, %gather3A_507 : vector<16xf32>
    %broadcast_in_dim3A_509 = arith.constant 8 : i32
    %broadcast_in_dim3A_510 = vector.broadcast %broadcast_in_dim3A_509 : i32 to vector<16xi32>
    %gather3A_511 = tpu.vector_load_idx %arg8[%iota3A_474, %broadcast_in_dim3A_510] : memref<16x16xf32, #tpu.memory_space<vmem>>[vector<16xi32>, vector<16xi32>], vector<16xf32>,
    %add3A_512 = arith.addf %add3A_508, %gather3A_511 : vector<16xf32>
    %broadcast_in_dim3A_513 = arith.constant 9 : i32
    %broadcast_in_dim3A_514 = vector.broadcast %broadcast_in_dim3A_513 : i32 to vector<16xi32>
    %gather3A_515 = tpu.vector_load_idx %arg8[%iota3A_474, %broadcast_in_dim3A_514] : memref<16x16xf32, #tpu.memory_space<vmem>>[vector<16xi32>, vector<16xi32>], vector<16xf32>,
    %add3A_516 = arith.addf %add3A_512, %gather3A_515 : vector<16xf32>
    %broadcast_in_dim3A_517 = arith.constant 10 : i32
    %broadcast_in_dim3A_518 = vector.broadcast %broadcast_in_dim3A_517 : i32 to vector<16xi32>
    %gather3A_519 = tpu.vector_load_idx %arg8[%iota3A_474, %broadcast_in_dim3A_518] : memref<16x16xf32, #tpu.memory_space<vmem>>[vector<16xi32>, vector<16xi32>], vector<16xf32>,
    %add3A_520 = arith.addf %add3A_516, %gather3A_519 : vector<16xf32>
    %broadcast_in_dim3A_521 = arith.constant 11 : i32
    %broadcast_in_dim3A_522 = vector.broadcast %broadcast_in_dim3A_521 : i32 to vector<16xi32>
    %gather3A_523 = tpu.vector_load_idx %arg8[%iota3A_474, %broadcast_in_dim3A_522] : memref<16x16xf32, #tpu.memory_space<vmem>>[vector<16xi32>, vector<16xi32>], vector<16xf32>,
    %add3A_524 = arith.addf %add3A_520, %gather3A_523 : vector<16xf32>
    %broadcast_in_dim3A_525 = arith.constant 12 : i32
    %broadcast_in_dim3A_526 = vector.broadcast %broadcast_in_dim3A_525 : i32 to vector<16xi32>
    %gather3A_527 = tpu.vector_load_idx %arg8[%iota3A_474, %broadcast_in_dim3A_526] : memref<16x16xf32, #tpu.memory_space<vmem>>[vector<16xi32>, vector<16xi32>], vector<16xf32>,
    %add3A_528 = arith.addf %add3A_524, %gather3A_527 : vector<16xf32>
    %broadcast_in_dim3A_529 = arith.constant 13 : i32
    %broadcast_in_dim3A_530 = vector.broadcast %broadcast_in_dim3A_529 : i32 to vector<16xi32>
    %gather3A_531 = tpu.vector_load_idx %arg8[%iota3A_474, %broadcast_in_dim3A_530] : memref<16x16xf32, #tpu.memory_space<vmem>>[vector<16xi32>, vector<16xi32>], vector<16xf32>,
    %add3A_532 = arith.addf %add3A_528, %gather3A_531 : vector<16xf32>
    %broadcast_in_dim3A_533 = arith.constant 14 : i32
    %broadcast_in_dim3A_534 = vector.broadcast %broadcast_in_dim3A_533 : i32 to vector<16xi32>
    %gather3A_535 = tpu.vector_load_idx %arg8[%iota3A_474, %broadcast_in_dim3A_534] : memref<16x16xf32, #tpu.memory_space<vmem>>[vector<16xi32>, vector<16xi32>], vector<16xf32>,
    %add3A_536 = arith.addf %add3A_532, %gather3A_535 : vector<16xf32>
    %broadcast_in_dim3A_537 = arith.constant 15 : i32
    %broadcast_in_dim3A_538 = vector.broadcast %broadcast_in_dim3A_537 : i32 to vector<16xi32>
    %gather3A_539 = tpu.vector_load_idx %arg8[%iota3A_474, %broadcast_in_dim3A_538] : memref<16x16xf32, #tpu.memory_space<vmem>>[vector<16xi32>, vector<16xi32>], vector<16xf32>,
    %add3A_540 = arith.addf %add3A_536, %gather3A_539 : vector<16xf32>
    %swap3A_541 = arith.constant 2 : i32
    %swap3A_542 = arith.index_cast %swap3A_541 : i32 to index
    %swap3A_543 = arith.constant 0 : index
    %swap3A_544 = tpu.vector_load %arg7[%swap3A_542, %swap3A_543] {strides = array<i32>} : memref<8x16xf32, #tpu.memory_space<vmem>>, vector<16xf32>,
    tpu.vector_store %arg7[%swap3A_542, %swap3A_543], %add3A_540 {strides = array<i32>} : memref<8x16xf32, #tpu.memory_space<vmem>>, vector<16xf32>,
    %swap3A_545 = arith.constant 0 : i32
    %swap3A_546 = arith.index_cast %swap3A_545 : i32 to index
    %swap3A_547 = arith.constant 0 : index
    %swap3A_548 = tpu.vector_load %arg8[%swap3A_546, %swap3A_547] {strides = array<i32>} : memref<16x16xf32, #tpu.memory_space<vmem>>, vector<16xf32>,
    tpu.vector_store %arg8[%swap3A_546, %swap3A_547], %scan3A_408#1 {strides = array<i32>} : memref<16x16xf32, #tpu.memory_space<vmem>>, vector<16xf32>,
    %swap3A_549 = arith.constant 1 : i32
    %swap3A_550 = arith.index_cast %swap3A_549 : i32 to index
    %swap3A_551 = arith.constant 0 : index
    %swap3A_552 = tpu.vector_load %arg8[%swap3A_550, %swap3A_551] {strides = array<i32>} : memref<16x16xf32, #tpu.memory_space<vmem>>, vector<16xf32>,
    tpu.vector_store %arg8[%swap3A_550, %swap3A_551], %scan3A_408#3 {strides = array<i32>} : memref<16x16xf32, #tpu.memory_space<vmem>>, vector<16xf32>,
    %swap3A_553 = arith.constant 2 : i32
    %swap3A_554 = arith.index_cast %swap3A_553 : i32 to index
    %swap3A_555 = arith.constant 0 : index
    %swap3A_556 = tpu.vector_load %arg8[%swap3A_554, %swap3A_555] {strides = array<i32>} : memref<16x16xf32, #tpu.memory_space<vmem>>, vector<16xf32>,
    tpu.vector_store %arg8[%swap3A_554, %swap3A_555], %scan3A_408#5 {strides = array<i32>} : memref<16x16xf32, #tpu.memory_space<vmem>>, vector<16xf32>,
    %swap3A_557 = arith.constant 3 : i32
    %swap3A_558 = arith.index_cast %swap3A_557 : i32 to index
    %swap3A_559 = arith.constant 0 : index
    %swap3A_560 = tpu.vector_load %arg8[%swap3A_558, %swap3A_559] {strides = array<i32>} : memref<16x16xf32, #tpu.memory_space<vmem>>, vector<16xf32>,
    tpu.vector_store %arg8[%swap3A_558, %swap3A_559], %scan3A_408#7 {strides = array<i32>} : memref<16x16xf32, #tpu.memory_space<vmem>>, vector<16xf32>,
    %swap3A_561 = arith.constant 4 : i32
    %swap3A_562 = arith.index_cast %swap3A_561 : i32 to index
    %swap3A_563 = arith.constant 0 : index
    %swap3A_564 = tpu.vector_load %arg8[%swap3A_562, %swap3A_563] {strides = array<i32>} : memref<16x16xf32, #tpu.memory_space<vmem>>, vector<16xf32>,
    tpu.vector_store %arg8[%swap3A_562, %swap3A_563], %scan3A_408#9 {strides = array<i32>} : memref<16x16xf32, #tpu.memory_space<vmem>>, vector<16xf32>,
    %swap3A_565 = arith.constant 5 : i32
    %swap3A_566 = arith.index_cast %swap3A_565 : i32 to index
    %swap3A_567 = arith.constant 0 : index
    %swap3A_568 = tpu.vector_load %arg8[%swap3A_566, %swap3A_567] {strides = array<i32>} : memref<16x16xf32, #tpu.memory_space<vmem>>, vector<16xf32>,
    tpu.vector_store %arg8[%swap3A_566, %swap3A_567], %scan3A_408#11 {strides = array<i32>} : memref<16x16xf32, #tpu.memory_space<vmem>>, vector<16xf32>,
    %swap3A_569 = arith.constant 6 : i32
    %swap3A_570 = arith.index_cast %swap3A_569 : i32 to index
    %swap3A_571 = arith.constant 0 : index
    %swap3A_572 = tpu.vector_load %arg8[%swap3A_570, %swap3A_571] {strides = array<i32>} : memref<16x16xf32, #tpu.memory_space<vmem>>, vector<16xf32>,
    tpu.vector_store %arg8[%swap3A_570, %swap3A_571], %scan3A_408#13 {strides = array<i32>} : memref<16x16xf32, #tpu.memory_space<vmem>>, vector<16xf32>,
    %swap3A_573 = arith.constant 7 : i32
    %swap3A_574 = arith.index_cast %swap3A_573 : i32 to index
    %swap3A_575 = arith.constant 0 : index
    %swap3A_576 = tpu.vector_load %arg8[%swap3A_574, %swap3A_575] {strides = array<i32>} : memref<16x16xf32, #tpu.memory_space<vmem>>, vector<16xf32>,
    tpu.vector_store %arg8[%swap3A_574, %swap3A_575], %scan3A_408#15 {strides = array<i32>} : memref<16x16xf32, #tpu.memory_space<vmem>>, vector<16xf32>,
    %swap3A_577 = arith.constant 8 : i32
    %swap3A_578 = arith.index_cast %swap3A_577 : i32 to index
    %swap3A_579 = arith.constant 0 : index
    %swap3A_580 = tpu.vector_load %arg8[%swap3A_578, %swap3A_579] {strides = array<i32>} : memref<16x16xf32, #tpu.memory_space<vmem>>, vector<16xf32>,
    tpu.vector_store %arg8[%swap3A_578, %swap3A_579], %scan3A_408#17 {strides = array<i32>} : memref<16x16xf32, #tpu.memory_space<vmem>>, vector<16xf32>,
    %swap3A_581 = arith.constant 9 : i32
    %swap3A_582 = arith.index_cast %swap3A_581 : i32 to index
    %swap3A_583 = arith.constant 0 : index
    %swap3A_584 = tpu.vector_load %arg8[%swap3A_582, %swap3A_583] {strides = array<i32>} : memref<16x16xf32, #tpu.memory_space<vmem>>, vector<16xf32>,
    tpu.vector_store %arg8[%swap3A_582, %swap3A_583], %scan3A_408#19 {strides = array<i32>} : memref<16x16xf32, #tpu.memory_space<vmem>>, vector<16xf32>,
    %swap3A_585 = arith.constant 10 : i32
    %swap3A_586 = arith.index_cast %swap3A_585 : i32 to index
    %swap3A_587 = arith.constant 0 : index
    %swap3A_588 = tpu.vector_load %arg8[%swap3A_586, %swap3A_587] {strides = array<i32>} : memref<16x16xf32, #tpu.memory_space<vmem>>, vector<16xf32>,
    tpu.vector_store %arg8[%swap3A_586, %swap3A_587], %scan3A_408#21 {strides = array<i32>} : memref<16x16xf32, #tpu.memory_space<vmem>>, vector<16xf32>,
    %swap3A_589 = arith.constant 11 : i32
    %swap3A_590 = arith.index_cast %swap3A_589 : i32 to index
    %swap3A_591 = arith.constant 0 : index
    %swap3A_592 = tpu.vector_load %arg8[%swap3A_590, %swap3A_591] {strides = array<i32>} : memref<16x16xf32, #tpu.memory_space<vmem>>, vector<16xf32>,
    tpu.vector_store %arg8[%swap3A_590, %swap3A_591], %scan3A_408#23 {strides = array<i32>} : memref<16x16xf32, #tpu.memory_space<vmem>>, vector<16xf32>,
    %swap3A_593 = arith.constant 12 : i32
    %swap3A_594 = arith.index_cast %swap3A_593 : i32 to index
    %swap3A_595 = arith.constant 0 : index
    %swap3A_596 = tpu.vector_load %arg8[%swap3A_594, %swap3A_595] {strides = array<i32>} : memref<16x16xf32, #tpu.memory_space<vmem>>, vector<16xf32>,
    tpu.vector_store %arg8[%swap3A_594, %swap3A_595], %scan3A_408#25 {strides = array<i32>} : memref<16x16xf32, #tpu.memory_space<vmem>>, vector<16xf32>,
    %swap3A_597 = arith.constant 13 : i32
    %swap3A_598 = arith.index_cast %swap3A_597 : i32 to index
    %swap3A_599 = arith.constant 0 : index
    %swap3A_600 = tpu.vector_load %arg8[%swap3A_598, %swap3A_599] {strides = array<i32>} : memref<16x16xf32, #tpu.memory_space<vmem>>, vector<16xf32>,
    tpu.vector_store %arg8[%swap3A_598, %swap3A_599], %scan3A_408#27 {strides = array<i32>} : memref<16x16xf32, #tpu.memory_space<vmem>>, vector<16xf32>,
    %swap3A_601 = arith.constant 14 : i32
    %swap3A_602 = arith.index_cast %swap3A_601 : i32 to index
    %swap3A_603 = arith.constant 0 : index
    %swap3A_604 = tpu.vector_load %arg8[%swap3A_602, %swap3A_603] {strides = array<i32>} : memref<16x16xf32, #tpu.memory_space<vmem>>, vector<16xf32>,
    tpu.vector_store %arg8[%swap3A_602, %swap3A_603], %scan3A_408#29 {strides = array<i32>} : memref<16x16xf32, #tpu.memory_space<vmem>>, vector<16xf32>,
    %swap3A_605 = arith.constant 15 : i32
    %swap3A_606 = arith.index_cast %swap3A_605 : i32 to index
    %swap3A_607 = arith.constant 0 : index
    %swap3A_608 = tpu.vector_load %arg8[%swap3A_606, %swap3A_607] {strides = array<i32>} : memref<16x16xf32, #tpu.memory_space<vmem>>, vector<16xf32>,
    tpu.vector_store %arg8[%swap3A_606, %swap3A_607], %scan3A_408#31 {strides = array<i32>} : memref<16x16xf32, #tpu.memory_space<vmem>>, vector<16xf32>,
    %iota3A_609 = tpu.iota {dimensions = array<i32: 0>} : vector<16xi32>
    %broadcast_in_dim3A_610 = arith.constant 0.000000e+00 : f32
    %broadcast_in_dim3A_611 = vector.broadcast %broadcast_in_dim3A_610 : f32 to vector<16xf32>
    %broadcast_in_dim3A_612 = arith.constant 0 : i32
    %broadcast_in_dim3A_613 = vector.broadcast %broadcast_in_dim3A_612 : i32 to vector<16xi32>
    %gather3A_614 = tpu.vector_load_idx %arg8[%iota3A_609, %broadcast_in_dim3A_613] : memref<16x16xf32, #tpu.memory_space<vmem>>[vector<16xi32>, vector<16xi32>], vector<16xf32>,
    %add3A_615 = arith.addf %broadcast_in_dim3A_611, %gather3A_614 : vector<16xf32>
    %broadcast_in_dim3A_616 = arith.constant 1 : i32
    %broadcast_in_dim3A_617 = vector.broadcast %broadcast_in_dim3A_616 : i32 to vector<16xi32>
    %gather3A_618 = tpu.vector_load_idx %arg8[%iota3A_609, %broadcast_in_dim3A_617] : memref<16x16xf32, #tpu.memory_space<vmem>>[vector<16xi32>, vector<16xi32>], vector<16xf32>,
    %add3A_619 = arith.addf %add3A_615, %gather3A_618 : vector<16xf32>
    %broadcast_in_dim3A_620 = arith.constant 2 : i32
    %broadcast_in_dim3A_621 = vector.broadcast %broadcast_in_dim3A_620 : i32 to vector<16xi32>
    %gather3A_622 = tpu.vector_load_idx %arg8[%iota3A_609, %broadcast_in_dim3A_621] : memref<16x16xf32, #tpu.memory_space<vmem>>[vector<16xi32>, vector<16xi32>], vector<16xf32>,
    %add3A_623 = arith.addf %add3A_619, %gather3A_622 : vector<16xf32>
    %broadcast_in_dim3A_624 = arith.constant 3 : i32
    %broadcast_in_dim3A_625 = vector.broadcast %broadcast_in_dim3A_624 : i32 to vector<16xi32>
    %gather3A_626 = tpu.vector_load_idx %arg8[%iota3A_609, %broadcast_in_dim3A_625] : memref<16x16xf32, #tpu.memory_space<vmem>>[vector<16xi32>, vector<16xi32>], vector<16xf32>,
    %add3A_627 = arith.addf %add3A_623, %gather3A_626 : vector<16xf32>
    %broadcast_in_dim3A_628 = arith.constant 4 : i32
    %broadcast_in_dim3A_629 = vector.broadcast %broadcast_in_dim3A_628 : i32 to vector<16xi32>
    %gather3A_630 = tpu.vector_load_idx %arg8[%iota3A_609, %broadcast_in_dim3A_629] : memref<16x16xf32, #tpu.memory_space<vmem>>[vector<16xi32>, vector<16xi32>], vector<16xf32>,
    %add3A_631 = arith.addf %add3A_627, %gather3A_630 : vector<16xf32>
    %broadcast_in_dim3A_632 = arith.constant 5 : i32
    %broadcast_in_dim3A_633 = vector.broadcast %broadcast_in_dim3A_632 : i32 to vector<16xi32>
    %gather3A_634 = tpu.vector_load_idx %arg8[%iota3A_609, %broadcast_in_dim3A_633] : memref<16x16xf32, #tpu.memory_space<vmem>>[vector<16xi32>, vector<16xi32>], vector<16xf32>,
    %add3A_635 = arith.addf %add3A_631, %gather3A_634 : vector<16xf32>
    %broadcast_in_dim3A_636 = arith.constant 6 : i32
    %broadcast_in_dim3A_637 = vector.broadcast %broadcast_in_dim3A_636 : i32 to vector<16xi32>
    %gather3A_638 = tpu.vector_load_idx %arg8[%iota3A_609, %broadcast_in_dim3A_637] : memref<16x16xf32, #tpu.memory_space<vmem>>[vector<16xi32>, vector<16xi32>], vector<16xf32>,
    %add3A_639 = arith.addf %add3A_635, %gather3A_638 : vector<16xf32>
    %broadcast_in_dim3A_640 = arith.constant 7 : i32
    %broadcast_in_dim3A_641 = vector.broadcast %broadcast_in_dim3A_640 : i32 to vector<16xi32>
    %gather3A_642 = tpu.vector_load_idx %arg8[%iota3A_609, %broadcast_in_dim3A_641] : memref<16x16xf32, #tpu.memory_space<vmem>>[vector<16xi32>, vector<16xi32>], vector<16xf32>,
    %add3A_643 = arith.addf %add3A_639, %gather3A_642 : vector<16xf32>
    %broadcast_in_dim3A_644 = arith.constant 8 : i32
    %broadcast_in_dim3A_645 = vector.broadcast %broadcast_in_dim3A_644 : i32 to vector<16xi32>
    %gather3A_646 = tpu.vector_load_idx %arg8[%iota3A_609, %broadcast_in_dim3A_645] : memref<16x16xf32, #tpu.memory_space<vmem>>[vector<16xi32>, vector<16xi32>], vector<16xf32>,
    %add3A_647 = arith.addf %add3A_643, %gather3A_646 : vector<16xf32>
    %broadcast_in_dim3A_648 = arith.constant 9 : i32
    %broadcast_in_dim3A_649 = vector.broadcast %broadcast_in_dim3A_648 : i32 to vector<16xi32>
    %gather3A_650 = tpu.vector_load_idx %arg8[%iota3A_609, %broadcast_in_dim3A_649] : memref<16x16xf32, #tpu.memory_space<vmem>>[vector<16xi32>, vector<16xi32>], vector<16xf32>,
    %add3A_651 = arith.addf %add3A_647, %gather3A_650 : vector<16xf32>
    %broadcast_in_dim3A_652 = arith.constant 10 : i32
    %broadcast_in_dim3A_653 = vector.broadcast %broadcast_in_dim3A_652 : i32 to vector<16xi32>
    %gather3A_654 = tpu.vector_load_idx %arg8[%iota3A_609, %broadcast_in_dim3A_653] : memref<16x16xf32, #tpu.memory_space<vmem>>[vector<16xi32>, vector<16xi32>], vector<16xf32>,
    %add3A_655 = arith.addf %add3A_651, %gather3A_654 : vector<16xf32>
    %broadcast_in_dim3A_656 = arith.constant 11 : i32
    %broadcast_in_dim3A_657 = vector.broadcast %broadcast_in_dim3A_656 : i32 to vector<16xi32>
    %gather3A_658 = tpu.vector_load_idx %arg8[%iota3A_609, %broadcast_in_dim3A_657] : memref<16x16xf32, #tpu.memory_space<vmem>>[vector<16xi32>, vector<16xi32>], vector<16xf32>,
    %add3A_659 = arith.addf %add3A_655, %gather3A_658 : vector<16xf32>
    %broadcast_in_dim3A_660 = arith.constant 12 : i32
    %broadcast_in_dim3A_661 = vector.broadcast %broadcast_in_dim3A_660 : i32 to vector<16xi32>
    %gather3A_662 = tpu.vector_load_idx %arg8[%iota3A_609, %broadcast_in_dim3A_661] : memref<16x16xf32, #tpu.memory_space<vmem>>[vector<16xi32>, vector<16xi32>], vector<16xf32>,
    %add3A_663 = arith.addf %add3A_659, %gather3A_662 : vector<16xf32>
    %broadcast_in_dim3A_664 = arith.constant 13 : i32
    %broadcast_in_dim3A_665 = vector.broadcast %broadcast_in_dim3A_664 : i32 to vector<16xi32>
    %gather3A_666 = tpu.vector_load_idx %arg8[%iota3A_609, %broadcast_in_dim3A_665] : memref<16x16xf32, #tpu.memory_space<vmem>>[vector<16xi32>, vector<16xi32>], vector<16xf32>,
    %add3A_667 = arith.addf %add3A_663, %gather3A_666 : vector<16xf32>
    %broadcast_in_dim3A_668 = arith.constant 14 : i32
    %broadcast_in_dim3A_669 = vector.broadcast %broadcast_in_dim3A_668 : i32 to vector<16xi32>
    %gather3A_670 = tpu.vector_load_idx %arg8[%iota3A_609, %broadcast_in_dim3A_669] : memref<16x16xf32, #tpu.memory_space<vmem>>[vector<16xi32>, vector<16xi32>], vector<16xf32>,
    %add3A_671 = arith.addf %add3A_667, %gather3A_670 : vector<16xf32>
    %broadcast_in_dim3A_672 = arith.constant 15 : i32
    %broadcast_in_dim3A_673 = vector.broadcast %broadcast_in_dim3A_672 : i32 to vector<16xi32>
    %gather3A_674 = tpu.vector_load_idx %arg8[%iota3A_609, %broadcast_in_dim3A_673] : memref<16x16xf32, #tpu.memory_space<vmem>>[vector<16xi32>, vector<16xi32>], vector<16xf32>,
    %add3A_675 = arith.addf %add3A_671, %gather3A_674 : vector<16xf32>
    %swap3A_676 = arith.constant 3 : i32
    %swap3A_677 = arith.index_cast %swap3A_676 : i32 to index
    %swap3A_678 = arith.constant 0 : index
    %swap3A_679 = tpu.vector_load %arg7[%swap3A_677, %swap3A_678] {strides = array<i32>} : memref<8x16xf32, #tpu.memory_space<vmem>>, vector<16xf32>,
    tpu.vector_store %arg7[%swap3A_677, %swap3A_678], %add3A_675 {strides = array<i32>} : memref<8x16xf32, #tpu.memory_space<vmem>>, vector<16xf32>,
    %broadcast_in_dim3A_680 = arith.constant 0.000000e+00 : f32
    %broadcast_in_dim3A_681 = vector.broadcast %broadcast_in_dim3A_680 : f32 to vector<16xf32>
    %broadcast_in_dim3A_682 = arith.constant 0.000000e+00 : f32
    %broadcast_in_dim3A_683 = vector.broadcast %broadcast_in_dim3A_682 : f32 to vector<16xf32>
    %broadcast_in_dim3A_684 = arith.constant 0.000000e+00 : f32
    %broadcast_in_dim3A_685 = vector.broadcast %broadcast_in_dim3A_684 : f32 to vector<16xf32>
    %broadcast_in_dim3A_686 = arith.constant 0.000000e+00 : f32
    %broadcast_in_dim3A_687 = vector.broadcast %broadcast_in_dim3A_686 : f32 to vector<16xf32>
    %broadcast_in_dim3A_688 = arith.constant 0.000000e+00 : f32
    %broadcast_in_dim3A_689 = vector.broadcast %broadcast_in_dim3A_688 : f32 to vector<16xf32>
    %broadcast_in_dim3A_690 = arith.constant 0.000000e+00 : f32
    %broadcast_in_dim3A_691 = vector.broadcast %broadcast_in_dim3A_690 : f32 to vector<16xf32>
    %broadcast_in_dim3A_692 = arith.constant 0.000000e+00 : f32
    %broadcast_in_dim3A_693 = vector.broadcast %broadcast_in_dim3A_692 : f32 to vector<16xf32>
    %broadcast_in_dim3A_694 = arith.constant 0.000000e+00 : f32
    %broadcast_in_dim3A_695 = vector.broadcast %broadcast_in_dim3A_694 : f32 to vector<16xf32>
    %broadcast_in_dim3A_696 = arith.constant 0.000000e+00 : f32
    %broadcast_in_dim3A_697 = vector.broadcast %broadcast_in_dim3A_696 : f32 to vector<16xf32>
    %broadcast_in_dim3A_698 = arith.constant 0.000000e+00 : f32
    %broadcast_in_dim3A_699 = vector.broadcast %broadcast_in_dim3A_698 : f32 to vector<16xf32>
    %broadcast_in_dim3A_700 = arith.constant 0.000000e+00 : f32
    %broadcast_in_dim3A_701 = vector.broadcast %broadcast_in_dim3A_700 : f32 to vector<16xf32>
    %broadcast_in_dim3A_702 = arith.constant 0.000000e+00 : f32
    %broadcast_in_dim3A_703 = vector.broadcast %broadcast_in_dim3A_702 : f32 to vector<16xf32>
    %broadcast_in_dim3A_704 = arith.constant 0.000000e+00 : f32
    %broadcast_in_dim3A_705 = vector.broadcast %broadcast_in_dim3A_704 : f32 to vector<16xf32>
    %broadcast_in_dim3A_706 = arith.constant 0.000000e+00 : f32
    %broadcast_in_dim3A_707 = vector.broadcast %broadcast_in_dim3A_706 : f32 to vector<16xf32>
    %broadcast_in_dim3A_708 = arith.constant 0.000000e+00 : f32
    %broadcast_in_dim3A_709 = vector.broadcast %broadcast_in_dim3A_708 : f32 to vector<16xf32>
    %broadcast_in_dim3A_710 = arith.constant 0.000000e+00 : f32
    %broadcast_in_dim3A_711 = vector.broadcast %broadcast_in_dim3A_710 : f32 to vector<16xf32>
    %broadcast_in_dim3A_712 = arith.constant 0.000000e+00 : f32
    %broadcast_in_dim3A_713 = vector.broadcast %broadcast_in_dim3A_712 : f32 to vector<16xf32>
    %broadcast_in_dim3A_714 = arith.constant 0.000000e+00 : f32
    %broadcast_in_dim3A_715 = vector.broadcast %broadcast_in_dim3A_714 : f32 to vector<16xf32>
    %broadcast_in_dim3A_716 = arith.constant 0.000000e+00 : f32
    %broadcast_in_dim3A_717 = vector.broadcast %broadcast_in_dim3A_716 : f32 to vector<16xf32>
    %broadcast_in_dim3A_718 = arith.constant 0.000000e+00 : f32
    %broadcast_in_dim3A_719 = vector.broadcast %broadcast_in_dim3A_718 : f32 to vector<16xf32>
    %broadcast_in_dim3A_720 = arith.constant 0.000000e+00 : f32
    %broadcast_in_dim3A_721 = vector.broadcast %broadcast_in_dim3A_720 : f32 to vector<16xf32>
    %broadcast_in_dim3A_722 = arith.constant 0.000000e+00 : f32
    %broadcast_in_dim3A_723 = vector.broadcast %broadcast_in_dim3A_722 : f32 to vector<16xf32>
    %broadcast_in_dim3A_724 = arith.constant 0.000000e+00 : f32
    %broadcast_in_dim3A_725 = vector.broadcast %broadcast_in_dim3A_724 : f32 to vector<16xf32>
    %broadcast_in_dim3A_726 = arith.constant 0.000000e+00 : f32
    %broadcast_in_dim3A_727 = vector.broadcast %broadcast_in_dim3A_726 : f32 to vector<16xf32>
    %broadcast_in_dim3A_728 = arith.constant 0.000000e+00 : f32
    %broadcast_in_dim3A_729 = vector.broadcast %broadcast_in_dim3A_728 : f32 to vector<16xf32>
    %broadcast_in_dim3A_730 = arith.constant 0.000000e+00 : f32
    %broadcast_in_dim3A_731 = vector.broadcast %broadcast_in_dim3A_730 : f32 to vector<16xf32>
    %broadcast_in_dim3A_732 = arith.constant 0.000000e+00 : f32
    %broadcast_in_dim3A_733 = vector.broadcast %broadcast_in_dim3A_732 : f32 to vector<16xf32>
    %broadcast_in_dim3A_734 = arith.constant 0.000000e+00 : f32
    %broadcast_in_dim3A_735 = vector.broadcast %broadcast_in_dim3A_734 : f32 to vector<16xf32>
    %broadcast_in_dim3A_736 = arith.constant 0.000000e+00 : f32
    %broadcast_in_dim3A_737 = vector.broadcast %broadcast_in_dim3A_736 : f32 to vector<16xf32>
    %broadcast_in_dim3A_738 = arith.constant 0.000000e+00 : f32
    %broadcast_in_dim3A_739 = vector.broadcast %broadcast_in_dim3A_738 : f32 to vector<16xf32>
    %broadcast_in_dim3A_740 = arith.constant 0.000000e+00 : f32
    %broadcast_in_dim3A_741 = vector.broadcast %broadcast_in_dim3A_740 : f32 to vector<16xf32>
    %broadcast_in_dim3A_742 = arith.constant 0.000000e+00 : f32
    %broadcast_in_dim3A_743 = vector.broadcast %broadcast_in_dim3A_742 : f32 to vector<16xf32>
    %scan3A_744 = arith.constant 0 : i32
    %scan3A_745 = arith.constant 128 : i32
    %scan3A_746 = arith.addi %scan3A_744, %scan3A_745 : i32
    %scan3A_747 = arith.constant 1 : i32
    %scan3A_748:32 = scf.for %scan3A_1360 = %scan3A_744 to %scan3A_746 step %scan3A_747 iter_args(%scan3A_1361 = %broadcast_in_dim3A_681, %scan3A_1362 = %broadcast_in_dim3A_683, %scan3A_1363 = %broadcast_in_dim3A_685, %scan3A_1364 = %broadcast_in_dim3A_687, %scan3A_1365 = %broadcast_in_dim3A_689, %scan3A_1366 = %broadcast_in_dim3A_691, %scan3A_1367 = %broadcast_in_dim3A_693, %scan3A_1368 = %broadcast_in_dim3A_695, %scan3A_1369 = %broadcast_in_dim3A_697, %scan3A_1370 = %broadcast_in_dim3A_699, %scan3A_1371 = %broadcast_in_dim3A_701, %scan3A_1372 = %broadcast_in_dim3A_703, %scan3A_1373 = %broadcast_in_dim3A_705, %scan3A_1374 = %broadcast_in_dim3A_707, %scan3A_1375 = %broadcast_in_dim3A_709, %scan3A_1376 = %broadcast_in_dim3A_711, %scan3A_1377 = %broadcast_in_dim3A_713, %scan3A_1378 = %broadcast_in_dim3A_715, %scan3A_1379 = %broadcast_in_dim3A_717, %scan3A_1380 = %broadcast_in_dim3A_719, %scan3A_1381 = %broadcast_in_dim3A_721, %scan3A_1382 = %broadcast_in_dim3A_723, %scan3A_1383 = %broadcast_in_dim3A_725, %scan3A_1384 = %broadcast_in_dim3A_727, %scan3A_1385 = %broadcast_in_dim3A_729, %scan3A_1386 = %broadcast_in_dim3A_731, %scan3A_1387 = %broadcast_in_dim3A_733, %scan3A_1388 = %broadcast_in_dim3A_735, %scan3A_1389 = %broadcast_in_dim3A_737, %scan3A_1390 = %broadcast_in_dim3A_739, %scan3A_1391 = %broadcast_in_dim3A_741, %scan3A_1392 = %broadcast_in_dim3A_743) -> (vector<16xf32>, vector<16xf32>, vector<16xf32>, vector<16xf32>, vector<16xf32>, vector<16xf32>, vector<16xf32>, vector<16xf32>, vector<16xf32>, vector<16xf32>, vector<16xf32>, vector<16xf32>, vector<16xf32>, vector<16xf32>, vector<16xf32>, vector<16xf32>, vector<16xf32>, vector<16xf32>, vector<16xf32>, vector<16xf32>, vector<16xf32>, vector<16xf32>, vector<16xf32>, vector<16xf32>, vector<16xf32>, vector<16xf32>, vector<16xf32>, vector<16xf32>, vector<16xf32>, vector<16xf32>, vector<16xf32>, vector<16xf32>)  : i32 {
      %mul3A_1393 = arith.constant 16 : i32
      %mul3A_1394 = arith.muli %scan3A_1360, %mul3A_1393 : i32
      %get3A = arith.constant 4 : i32
      %get3A_1395 = arith.index_cast %get3A : i32 to index
      %get3A_1396 = arith.index_cast %mul3A_1394 : i32 to index
      %get3A_1397 = tpu.vector_load %arg6[%get3A_1395, %get3A_1396] {strides = array<i32>} : memref<8x2048xf32, #tpu.memory_space<vmem>>, vector<16xf32>,
      %mul3A_1398 = arith.constant 16 : i32
      %mul3A_1399 = arith.muli %scan3A_1360, %mul3A_1398 : i32
      %get3A_1400 = arith.constant 5 : i32
      %get3A_1401 = arith.index_cast %get3A_1400 : i32 to index
      %get3A_1402 = arith.index_cast %mul3A_1399 : i32 to index
      %get3A_1403 = tpu.vector_load %arg6[%get3A_1401, %get3A_1402] {strides = array<i32>} : memref<8x2048xf32, #tpu.memory_space<vmem>>, vector<16xf32>,
      %mul3A_1404 = arith.constant 16 : i32
      %mul3A_1405 = arith.muli %scan3A_1360, %mul3A_1404 : i32
      %get3A_1406 = arith.constant 0 : i32
      %get3A_1407 = arith.index_cast %get3A_1406 : i32 to index
      %get3A_1408 = arith.index_cast %mul3A_1405 : i32 to index
      %get3A_1409 = tpu.vector_load %arg5[%get3A_1407, %get3A_1408] {strides = array<i32>} : memref<16x2048xf32, #tpu.memory_space<vmem>>, vector<16xf32>,
      %mul3A_1410 = arith.mulf %get3A_1397, %get3A_1409 : vector<16xf32>
      %add3A_1411 = arith.addf %scan3A_1361, %mul3A_1410 : vector<16xf32>
      %mul3A_1412 = arith.mulf %get3A_1403, %get3A_1409 : vector<16xf32>
      %add3A_1413 = arith.addf %scan3A_1362, %mul3A_1412 : vector<16xf32>
      %mul3A_1414 = arith.constant 16 : i32
      %mul3A_1415 = arith.muli %scan3A_1360, %mul3A_1414 : i32
      %get3A_1416 = arith.constant 1 : i32
      %get3A_1417 = arith.index_cast %get3A_1416 : i32 to index
      %get3A_1418 = arith.index_cast %mul3A_1415 : i32 to index
      %get3A_1419 = tpu.vector_load %arg5[%get3A_1417, %get3A_1418] {strides = array<i32>} : memref<16x2048xf32, #tpu.memory_space<vmem>>, vector<16xf32>,
      %mul3A_1420 = arith.mulf %get3A_1397, %get3A_1419 : vector<16xf32>
      %add3A_1421 = arith.addf %scan3A_1363, %mul3A_1420 : vector<16xf32>
      %mul3A_1422 = arith.mulf %get3A_1403, %get3A_1419 : vector<16xf32>
      %add3A_1423 = arith.addf %scan3A_1364, %mul3A_1422 : vector<16xf32>
      %mul3A_1424 = arith.constant 16 : i32
      %mul3A_1425 = arith.muli %scan3A_1360, %mul3A_1424 : i32
      %get3A_1426 = arith.constant 2 : i32
      %get3A_1427 = arith.index_cast %get3A_1426 : i32 to index
      %get3A_1428 = arith.index_cast %mul3A_1425 : i32 to index
      %get3A_1429 = tpu.vector_load %arg5[%get3A_1427, %get3A_1428] {strides = array<i32>} : memref<16x2048xf32, #tpu.memory_space<vmem>>, vector<16xf32>,
      %mul3A_1430 = arith.mulf %get3A_1397, %get3A_1429 : vector<16xf32>
      %add3A_1431 = arith.addf %scan3A_1365, %mul3A_1430 : vector<16xf32>
      %mul3A_1432 = arith.mulf %get3A_1403, %get3A_1429 : vector<16xf32>
      %add3A_1433 = arith.addf %scan3A_1366, %mul3A_1432 : vector<16xf32>
      %mul3A_1434 = arith.constant 16 : i32
      %mul3A_1435 = arith.muli %scan3A_1360, %mul3A_1434 : i32
      %get3A_1436 = arith.constant 3 : i32
      %get3A_1437 = arith.index_cast %get3A_1436 : i32 to index
      %get3A_1438 = arith.index_cast %mul3A_1435 : i32 to index
      %get3A_1439 = tpu.vector_load %arg5[%get3A_1437, %get3A_1438] {strides = array<i32>} : memref<16x2048xf32, #tpu.memory_space<vmem>>, vector<16xf32>,
      %mul3A_1440 = arith.mulf %get3A_1397, %get3A_1439 : vector<16xf32>
      %add3A_1441 = arith.addf %scan3A_1367, %mul3A_1440 : vector<16xf32>
      %mul3A_1442 = arith.mulf %get3A_1403, %get3A_1439 : vector<16xf32>
      %add3A_1443 = arith.addf %scan3A_1368, %mul3A_1442 : vector<16xf32>
      %mul3A_1444 = arith.constant 16 : i32
      %mul3A_1445 = arith.muli %scan3A_1360, %mul3A_1444 : i32
      %get3A_1446 = arith.constant 4 : i32
      %get3A_1447 = arith.index_cast %get3A_1446 : i32 to index
      %get3A_1448 = arith.index_cast %mul3A_1445 : i32 to index
      %get3A_1449 = tpu.vector_load %arg5[%get3A_1447, %get3A_1448] {strides = array<i32>} : memref<16x2048xf32, #tpu.memory_space<vmem>>, vector<16xf32>,
      %mul3A_1450 = arith.mulf %get3A_1397, %get3A_1449 : vector<16xf32>
      %add3A_1451 = arith.addf %scan3A_1369, %mul3A_1450 : vector<16xf32>
      %mul3A_1452 = arith.mulf %get3A_1403, %get3A_1449 : vector<16xf32>
      %add3A_1453 = arith.addf %scan3A_1370, %mul3A_1452 : vector<16xf32>
      %mul3A_1454 = arith.constant 16 : i32
      %mul3A_1455 = arith.muli %scan3A_1360, %mul3A_1454 : i32
      %get3A_1456 = arith.constant 5 : i32
      %get3A_1457 = arith.index_cast %get3A_1456 : i32 to index
      %get3A_1458 = arith.index_cast %mul3A_1455 : i32 to index
      %get3A_1459 = tpu.vector_load %arg5[%get3A_1457, %get3A_1458] {strides = array<i32>} : memref<16x2048xf32, #tpu.memory_space<vmem>>, vector<16xf32>,
      %mul3A_1460 = arith.mulf %get3A_1397, %get3A_1459 : vector<16xf32>
      %add3A_1461 = arith.addf %scan3A_1371, %mul3A_1460 : vector<16xf32>
      %mul3A_1462 = arith.mulf %get3A_1403, %get3A_1459 : vector<16xf32>
      %add3A_1463 = arith.addf %scan3A_1372, %mul3A_1462 : vector<16xf32>
      %mul3A_1464 = arith.constant 16 : i32
      %mul3A_1465 = arith.muli %scan3A_1360, %mul3A_1464 : i32
      %get3A_1466 = arith.constant 6 : i32
      %get3A_1467 = arith.index_cast %get3A_1466 : i32 to index
      %get3A_1468 = arith.index_cast %mul3A_1465 : i32 to index
      %get3A_1469 = tpu.vector_load %arg5[%get3A_1467, %get3A_1468] {strides = array<i32>} : memref<16x2048xf32, #tpu.memory_space<vmem>>, vector<16xf32>,
      %mul3A_1470 = arith.mulf %get3A_1397, %get3A_1469 : vector<16xf32>
      %add3A_1471 = arith.addf %scan3A_1373, %mul3A_1470 : vector<16xf32>
      %mul3A_1472 = arith.mulf %get3A_1403, %get3A_1469 : vector<16xf32>
      %add3A_1473 = arith.addf %scan3A_1374, %mul3A_1472 : vector<16xf32>
      %mul3A_1474 = arith.constant 16 : i32
      %mul3A_1475 = arith.muli %scan3A_1360, %mul3A_1474 : i32
      %get3A_1476 = arith.constant 7 : i32
      %get3A_1477 = arith.index_cast %get3A_1476 : i32 to index
      %get3A_1478 = arith.index_cast %mul3A_1475 : i32 to index
      %get3A_1479 = tpu.vector_load %arg5[%get3A_1477, %get3A_1478] {strides = array<i32>} : memref<16x2048xf32, #tpu.memory_space<vmem>>, vector<16xf32>,
      %mul3A_1480 = arith.mulf %get3A_1397, %get3A_1479 : vector<16xf32>
      %add3A_1481 = arith.addf %scan3A_1375, %mul3A_1480 : vector<16xf32>
      %mul3A_1482 = arith.mulf %get3A_1403, %get3A_1479 : vector<16xf32>
      %add3A_1483 = arith.addf %scan3A_1376, %mul3A_1482 : vector<16xf32>
      %mul3A_1484 = arith.constant 16 : i32
      %mul3A_1485 = arith.muli %scan3A_1360, %mul3A_1484 : i32
      %get3A_1486 = arith.constant 8 : i32
      %get3A_1487 = arith.index_cast %get3A_1486 : i32 to index
      %get3A_1488 = arith.index_cast %mul3A_1485 : i32 to index
      %get3A_1489 = tpu.vector_load %arg5[%get3A_1487, %get3A_1488] {strides = array<i32>} : memref<16x2048xf32, #tpu.memory_space<vmem>>, vector<16xf32>,
      %mul3A_1490 = arith.mulf %get3A_1397, %get3A_1489 : vector<16xf32>
      %add3A_1491 = arith.addf %scan3A_1377, %mul3A_1490 : vector<16xf32>
      %mul3A_1492 = arith.mulf %get3A_1403, %get3A_1489 : vector<16xf32>
      %add3A_1493 = arith.addf %scan3A_1378, %mul3A_1492 : vector<16xf32>
      %mul3A_1494 = arith.constant 16 : i32
      %mul3A_1495 = arith.muli %scan3A_1360, %mul3A_1494 : i32
      %get3A_1496 = arith.constant 9 : i32
      %get3A_1497 = arith.index_cast %get3A_1496 : i32 to index
      %get3A_1498 = arith.index_cast %mul3A_1495 : i32 to index
      %get3A_1499 = tpu.vector_load %arg5[%get3A_1497, %get3A_1498] {strides = array<i32>} : memref<16x2048xf32, #tpu.memory_space<vmem>>, vector<16xf32>,
      %mul3A_1500 = arith.mulf %get3A_1397, %get3A_1499 : vector<16xf32>
      %add3A_1501 = arith.addf %scan3A_1379, %mul3A_1500 : vector<16xf32>
      %mul3A_1502 = arith.mulf %get3A_1403, %get3A_1499 : vector<16xf32>
      %add3A_1503 = arith.addf %scan3A_1380, %mul3A_1502 : vector<16xf32>
      %mul3A_1504 = arith.constant 16 : i32
      %mul3A_1505 = arith.muli %scan3A_1360, %mul3A_1504 : i32
      %get3A_1506 = arith.constant 10 : i32
      %get3A_1507 = arith.index_cast %get3A_1506 : i32 to index
      %get3A_1508 = arith.index_cast %mul3A_1505 : i32 to index
      %get3A_1509 = tpu.vector_load %arg5[%get3A_1507, %get3A_1508] {strides = array<i32>} : memref<16x2048xf32, #tpu.memory_space<vmem>>, vector<16xf32>,
      %mul3A_1510 = arith.mulf %get3A_1397, %get3A_1509 : vector<16xf32>
      %add3A_1511 = arith.addf %scan3A_1381, %mul3A_1510 : vector<16xf32>
      %mul3A_1512 = arith.mulf %get3A_1403, %get3A_1509 : vector<16xf32>
      %add3A_1513 = arith.addf %scan3A_1382, %mul3A_1512 : vector<16xf32>
      %mul3A_1514 = arith.constant 16 : i32
      %mul3A_1515 = arith.muli %scan3A_1360, %mul3A_1514 : i32
      %get3A_1516 = arith.constant 11 : i32
      %get3A_1517 = arith.index_cast %get3A_1516 : i32 to index
      %get3A_1518 = arith.index_cast %mul3A_1515 : i32 to index
      %get3A_1519 = tpu.vector_load %arg5[%get3A_1517, %get3A_1518] {strides = array<i32>} : memref<16x2048xf32, #tpu.memory_space<vmem>>, vector<16xf32>,
      %mul3A_1520 = arith.mulf %get3A_1397, %get3A_1519 : vector<16xf32>
      %add3A_1521 = arith.addf %scan3A_1383, %mul3A_1520 : vector<16xf32>
      %mul3A_1522 = arith.mulf %get3A_1403, %get3A_1519 : vector<16xf32>
      %add3A_1523 = arith.addf %scan3A_1384, %mul3A_1522 : vector<16xf32>
      %mul3A_1524 = arith.constant 16 : i32
      %mul3A_1525 = arith.muli %scan3A_1360, %mul3A_1524 : i32
      %get3A_1526 = arith.constant 12 : i32
      %get3A_1527 = arith.index_cast %get3A_1526 : i32 to index
      %get3A_1528 = arith.index_cast %mul3A_1525 : i32 to index
      %get3A_1529 = tpu.vector_load %arg5[%get3A_1527, %get3A_1528] {strides = array<i32>} : memref<16x2048xf32, #tpu.memory_space<vmem>>, vector<16xf32>,
      %mul3A_1530 = arith.mulf %get3A_1397, %get3A_1529 : vector<16xf32>
      %add3A_1531 = arith.addf %scan3A_1385, %mul3A_1530 : vector<16xf32>
      %mul3A_1532 = arith.mulf %get3A_1403, %get3A_1529 : vector<16xf32>
      %add3A_1533 = arith.addf %scan3A_1386, %mul3A_1532 : vector<16xf32>
      %mul3A_1534 = arith.constant 16 : i32
      %mul3A_1535 = arith.muli %scan3A_1360, %mul3A_1534 : i32
      %get3A_1536 = arith.constant 13 : i32
      %get3A_1537 = arith.index_cast %get3A_1536 : i32 to index
      %get3A_1538 = arith.index_cast %mul3A_1535 : i32 to index
      %get3A_1539 = tpu.vector_load %arg5[%get3A_1537, %get3A_1538] {strides = array<i32>} : memref<16x2048xf32, #tpu.memory_space<vmem>>, vector<16xf32>,
      %mul3A_1540 = arith.mulf %get3A_1397, %get3A_1539 : vector<16xf32>
      %add3A_1541 = arith.addf %scan3A_1387, %mul3A_1540 : vector<16xf32>
      %mul3A_1542 = arith.mulf %get3A_1403, %get3A_1539 : vector<16xf32>
      %add3A_1543 = arith.addf %scan3A_1388, %mul3A_1542 : vector<16xf32>
      %mul3A_1544 = arith.constant 16 : i32
      %mul3A_1545 = arith.muli %scan3A_1360, %mul3A_1544 : i32
      %get3A_1546 = arith.constant 14 : i32
      %get3A_1547 = arith.index_cast %get3A_1546 : i32 to index
      %get3A_1548 = arith.index_cast %mul3A_1545 : i32 to index
      %get3A_1549 = tpu.vector_load %arg5[%get3A_1547, %get3A_1548] {strides = array<i32>} : memref<16x2048xf32, #tpu.memory_space<vmem>>, vector<16xf32>,
      %mul3A_1550 = arith.mulf %get3A_1397, %get3A_1549 : vector<16xf32>
      %add3A_1551 = arith.addf %scan3A_1389, %mul3A_1550 : vector<16xf32>
      %mul3A_1552 = arith.mulf %get3A_1403, %get3A_1549 : vector<16xf32>
      %add3A_1553 = arith.addf %scan3A_1390, %mul3A_1552 : vector<16xf32>
      %mul3A_1554 = arith.constant 16 : i32
      %mul3A_1555 = arith.muli %scan3A_1360, %mul3A_1554 : i32
      %get3A_1556 = arith.constant 15 : i32
      %get3A_1557 = arith.index_cast %get3A_1556 : i32 to index
      %get3A_1558 = arith.index_cast %mul3A_1555 : i32 to index
      %get3A_1559 = tpu.vector_load %arg5[%get3A_1557, %get3A_1558] {strides = array<i32>} : memref<16x2048xf32, #tpu.memory_space<vmem>>, vector<16xf32>,
      %mul3A_1560 = arith.mulf %get3A_1397, %get3A_1559 : vector<16xf32>
      %add3A_1561 = arith.addf %scan3A_1391, %mul3A_1560 : vector<16xf32>
      %mul3A_1562 = arith.mulf %get3A_1403, %get3A_1559 : vector<16xf32>
      %add3A_1563 = arith.addf %scan3A_1392, %mul3A_1562 : vector<16xf32>
      scf.yield %add3A_1411, %add3A_1413, %add3A_1421, %add3A_1423, %add3A_1431, %add3A_1433, %add3A_1441, %add3A_1443, %add3A_1451, %add3A_1453, %add3A_1461, %add3A_1463, %add3A_1471, %add3A_1473, %add3A_1481, %add3A_1483, %add3A_1491, %add3A_1493, %add3A_1501, %add3A_1503, %add3A_1511, %add3A_1513, %add3A_1521, %add3A_1523, %add3A_1531, %add3A_1533, %add3A_1541, %add3A_1543, %add3A_1551, %add3A_1553, %add3A_1561, %add3A_1563 : vector<16xf32>, vector<16xf32>, vector<16xf32>, vector<16xf32>, vector<16xf32>, vector<16xf32>, vector<16xf32>, vector<16xf32>, vector<16xf32>, vector<16xf32>, vector<16xf32>, vector<16xf32>, vector<16xf32>, vector<16xf32>, vector<16xf32>, vector<16xf32>, vector<16xf32>, vector<16xf32>, vector<16xf32>, vector<16xf32>, vector<16xf32>, vector<16xf32>, vector<16xf32>, vector<16xf32>, vector<16xf32>, vector<16xf32>, vector<16xf32>, vector<16xf32>, vector<16xf32>, vector<16xf32>, vector<16xf32>, vector<16xf32>
    }
    %scan3A_749 = arith.constant 128 : i32
    %swap3A_750 = arith.constant 0 : i32
    %swap3A_751 = arith.index_cast %swap3A_750 : i32 to index
    %swap3A_752 = arith.constant 0 : index
    %swap3A_753 = tpu.vector_load %arg8[%swap3A_751, %swap3A_752] {strides = array<i32>} : memref<16x16xf32, #tpu.memory_space<vmem>>, vector<16xf32>,
    tpu.vector_store %arg8[%swap3A_751, %swap3A_752], %scan3A_748#0 {strides = array<i32>} : memref<16x16xf32, #tpu.memory_space<vmem>>, vector<16xf32>,
    %swap3A_754 = arith.constant 1 : i32
    %swap3A_755 = arith.index_cast %swap3A_754 : i32 to index
    %swap3A_756 = arith.constant 0 : index
    %swap3A_757 = tpu.vector_load %arg8[%swap3A_755, %swap3A_756] {strides = array<i32>} : memref<16x16xf32, #tpu.memory_space<vmem>>, vector<16xf32>,
    tpu.vector_store %arg8[%swap3A_755, %swap3A_756], %scan3A_748#2 {strides = array<i32>} : memref<16x16xf32, #tpu.memory_space<vmem>>, vector<16xf32>,
    %swap3A_758 = arith.constant 2 : i32
    %swap3A_759 = arith.index_cast %swap3A_758 : i32 to index
    %swap3A_760 = arith.constant 0 : index
    %swap3A_761 = tpu.vector_load %arg8[%swap3A_759, %swap3A_760] {strides = array<i32>} : memref<16x16xf32, #tpu.memory_space<vmem>>, vector<16xf32>,
    tpu.vector_store %arg8[%swap3A_759, %swap3A_760], %scan3A_748#4 {strides = array<i32>} : memref<16x16xf32, #tpu.memory_space<vmem>>, vector<16xf32>,
    %swap3A_762 = arith.constant 3 : i32
    %swap3A_763 = arith.index_cast %swap3A_762 : i32 to index
    %swap3A_764 = arith.constant 0 : index
    %swap3A_765 = tpu.vector_load %arg8[%swap3A_763, %swap3A_764] {strides = array<i32>} : memref<16x16xf32, #tpu.memory_space<vmem>>, vector<16xf32>,
    tpu.vector_store %arg8[%swap3A_763, %swap3A_764], %scan3A_748#6 {strides = array<i32>} : memref<16x16xf32, #tpu.memory_space<vmem>>, vector<16xf32>,
    %swap3A_766 = arith.constant 4 : i32
    %swap3A_767 = arith.index_cast %swap3A_766 : i32 to index
    %swap3A_768 = arith.constant 0 : index
    %swap3A_769 = tpu.vector_load %arg8[%swap3A_767, %swap3A_768] {strides = array<i32>} : memref<16x16xf32, #tpu.memory_space<vmem>>, vector<16xf32>,
    tpu.vector_store %arg8[%swap3A_767, %swap3A_768], %scan3A_748#8 {strides = array<i32>} : memref<16x16xf32, #tpu.memory_space<vmem>>, vector<16xf32>,
    %swap3A_770 = arith.constant 5 : i32
    %swap3A_771 = arith.index_cast %swap3A_770 : i32 to index
    %swap3A_772 = arith.constant 0 : index
    %swap3A_773 = tpu.vector_load %arg8[%swap3A_771, %swap3A_772] {strides = array<i32>} : memref<16x16xf32, #tpu.memory_space<vmem>>, vector<16xf32>,
    tpu.vector_store %arg8[%swap3A_771, %swap3A_772], %scan3A_748#10 {strides = array<i32>} : memref<16x16xf32, #tpu.memory_space<vmem>>, vector<16xf32>,
    %swap3A_774 = arith.constant 6 : i32
    %swap3A_775 = arith.index_cast %swap3A_774 : i32 to index
    %swap3A_776 = arith.constant 0 : index
    %swap3A_777 = tpu.vector_load %arg8[%swap3A_775, %swap3A_776] {strides = array<i32>} : memref<16x16xf32, #tpu.memory_space<vmem>>, vector<16xf32>,
    tpu.vector_store %arg8[%swap3A_775, %swap3A_776], %scan3A_748#12 {strides = array<i32>} : memref<16x16xf32, #tpu.memory_space<vmem>>, vector<16xf32>,
    %swap3A_778 = arith.constant 7 : i32
    %swap3A_779 = arith.index_cast %swap3A_778 : i32 to index
    %swap3A_780 = arith.constant 0 : index
    %swap3A_781 = tpu.vector_load %arg8[%swap3A_779, %swap3A_780] {strides = array<i32>} : memref<16x16xf32, #tpu.memory_space<vmem>>, vector<16xf32>,
    tpu.vector_store %arg8[%swap3A_779, %swap3A_780], %scan3A_748#14 {strides = array<i32>} : memref<16x16xf32, #tpu.memory_space<vmem>>, vector<16xf32>,
    %swap3A_782 = arith.constant 8 : i32
    %swap3A_783 = arith.index_cast %swap3A_782 : i32 to index
    %swap3A_784 = arith.constant 0 : index
    %swap3A_785 = tpu.vector_load %arg8[%swap3A_783, %swap3A_784] {strides = array<i32>} : memref<16x16xf32, #tpu.memory_space<vmem>>, vector<16xf32>,
    tpu.vector_store %arg8[%swap3A_783, %swap3A_784], %scan3A_748#16 {strides = array<i32>} : memref<16x16xf32, #tpu.memory_space<vmem>>, vector<16xf32>,
    %swap3A_786 = arith.constant 9 : i32
    %swap3A_787 = arith.index_cast %swap3A_786 : i32 to index
    %swap3A_788 = arith.constant 0 : index
    %swap3A_789 = tpu.vector_load %arg8[%swap3A_787, %swap3A_788] {strides = array<i32>} : memref<16x16xf32, #tpu.memory_space<vmem>>, vector<16xf32>,
    tpu.vector_store %arg8[%swap3A_787, %swap3A_788], %scan3A_748#18 {strides = array<i32>} : memref<16x16xf32, #tpu.memory_space<vmem>>, vector<16xf32>,
    %swap3A_790 = arith.constant 10 : i32
    %swap3A_791 = arith.index_cast %swap3A_790 : i32 to index
    %swap3A_792 = arith.constant 0 : index
    %swap3A_793 = tpu.vector_load %arg8[%swap3A_791, %swap3A_792] {strides = array<i32>} : memref<16x16xf32, #tpu.memory_space<vmem>>, vector<16xf32>,
    tpu.vector_store %arg8[%swap3A_791, %swap3A_792], %scan3A_748#20 {strides = array<i32>} : memref<16x16xf32, #tpu.memory_space<vmem>>, vector<16xf32>,
    %swap3A_794 = arith.constant 11 : i32
    %swap3A_795 = arith.index_cast %swap3A_794 : i32 to index
    %swap3A_796 = arith.constant 0 : index
    %swap3A_797 = tpu.vector_load %arg8[%swap3A_795, %swap3A_796] {strides = array<i32>} : memref<16x16xf32, #tpu.memory_space<vmem>>, vector<16xf32>,
    tpu.vector_store %arg8[%swap3A_795, %swap3A_796], %scan3A_748#22 {strides = array<i32>} : memref<16x16xf32, #tpu.memory_space<vmem>>, vector<16xf32>,
    %swap3A_798 = arith.constant 12 : i32
    %swap3A_799 = arith.index_cast %swap3A_798 : i32 to index
    %swap3A_800 = arith.constant 0 : index
    %swap3A_801 = tpu.vector_load %arg8[%swap3A_799, %swap3A_800] {strides = array<i32>} : memref<16x16xf32, #tpu.memory_space<vmem>>, vector<16xf32>,
    tpu.vector_store %arg8[%swap3A_799, %swap3A_800], %scan3A_748#24 {strides = array<i32>} : memref<16x16xf32, #tpu.memory_space<vmem>>, vector<16xf32>,
    %swap3A_802 = arith.constant 13 : i32
    %swap3A_803 = arith.index_cast %swap3A_802 : i32 to index
    %swap3A_804 = arith.constant 0 : index
    %swap3A_805 = tpu.vector_load %arg8[%swap3A_803, %swap3A_804] {strides = array<i32>} : memref<16x16xf32, #tpu.memory_space<vmem>>, vector<16xf32>,
    tpu.vector_store %arg8[%swap3A_803, %swap3A_804], %scan3A_748#26 {strides = array<i32>} : memref<16x16xf32, #tpu.memory_space<vmem>>, vector<16xf32>,
    %swap3A_806 = arith.constant 14 : i32
    %swap3A_807 = arith.index_cast %swap3A_806 : i32 to index
    %swap3A_808 = arith.constant 0 : index
    %swap3A_809 = tpu.vector_load %arg8[%swap3A_807, %swap3A_808] {strides = array<i32>} : memref<16x16xf32, #tpu.memory_space<vmem>>, vector<16xf32>,
    tpu.vector_store %arg8[%swap3A_807, %swap3A_808], %scan3A_748#28 {strides = array<i32>} : memref<16x16xf32, #tpu.memory_space<vmem>>, vector<16xf32>,
    %swap3A_810 = arith.constant 15 : i32
    %swap3A_811 = arith.index_cast %swap3A_810 : i32 to index
    %swap3A_812 = arith.constant 0 : index
    %swap3A_813 = tpu.vector_load %arg8[%swap3A_811, %swap3A_812] {strides = array<i32>} : memref<16x16xf32, #tpu.memory_space<vmem>>, vector<16xf32>,
    tpu.vector_store %arg8[%swap3A_811, %swap3A_812], %scan3A_748#30 {strides = array<i32>} : memref<16x16xf32, #tpu.memory_space<vmem>>, vector<16xf32>,
    %iota3A_814 = tpu.iota {dimensions = array<i32: 0>} : vector<16xi32>
    %broadcast_in_dim3A_815 = arith.constant 0.000000e+00 : f32
    %broadcast_in_dim3A_816 = vector.broadcast %broadcast_in_dim3A_815 : f32 to vector<16xf32>
    %broadcast_in_dim3A_817 = arith.constant 0 : i32
    %broadcast_in_dim3A_818 = vector.broadcast %broadcast_in_dim3A_817 : i32 to vector<16xi32>
    %gather3A_819 = tpu.vector_load_idx %arg8[%iota3A_814, %broadcast_in_dim3A_818] : memref<16x16xf32, #tpu.memory_space<vmem>>[vector<16xi32>, vector<16xi32>], vector<16xf32>,
    %add3A_820 = arith.addf %broadcast_in_dim3A_816, %gather3A_819 : vector<16xf32>
    %broadcast_in_dim3A_821 = arith.constant 1 : i32
    %broadcast_in_dim3A_822 = vector.broadcast %broadcast_in_dim3A_821 : i32 to vector<16xi32>
    %gather3A_823 = tpu.vector_load_idx %arg8[%iota3A_814, %broadcast_in_dim3A_822] : memref<16x16xf32, #tpu.memory_space<vmem>>[vector<16xi32>, vector<16xi32>], vector<16xf32>,
    %add3A_824 = arith.addf %add3A_820, %gather3A_823 : vector<16xf32>
    %broadcast_in_dim3A_825 = arith.constant 2 : i32
    %broadcast_in_dim3A_826 = vector.broadcast %broadcast_in_dim3A_825 : i32 to vector<16xi32>
    %gather3A_827 = tpu.vector_load_idx %arg8[%iota3A_814, %broadcast_in_dim3A_826] : memref<16x16xf32, #tpu.memory_space<vmem>>[vector<16xi32>, vector<16xi32>], vector<16xf32>,
    %add3A_828 = arith.addf %add3A_824, %gather3A_827 : vector<16xf32>
    %broadcast_in_dim3A_829 = arith.constant 3 : i32
    %broadcast_in_dim3A_830 = vector.broadcast %broadcast_in_dim3A_829 : i32 to vector<16xi32>
    %gather3A_831 = tpu.vector_load_idx %arg8[%iota3A_814, %broadcast_in_dim3A_830] : memref<16x16xf32, #tpu.memory_space<vmem>>[vector<16xi32>, vector<16xi32>], vector<16xf32>,
    %add3A_832 = arith.addf %add3A_828, %gather3A_831 : vector<16xf32>
    %broadcast_in_dim3A_833 = arith.constant 4 : i32
    %broadcast_in_dim3A_834 = vector.broadcast %broadcast_in_dim3A_833 : i32 to vector<16xi32>
    %gather3A_835 = tpu.vector_load_idx %arg8[%iota3A_814, %broadcast_in_dim3A_834] : memref<16x16xf32, #tpu.memory_space<vmem>>[vector<16xi32>, vector<16xi32>], vector<16xf32>,
    %add3A_836 = arith.addf %add3A_832, %gather3A_835 : vector<16xf32>
    %broadcast_in_dim3A_837 = arith.constant 5 : i32
    %broadcast_in_dim3A_838 = vector.broadcast %broadcast_in_dim3A_837 : i32 to vector<16xi32>
    %gather3A_839 = tpu.vector_load_idx %arg8[%iota3A_814, %broadcast_in_dim3A_838] : memref<16x16xf32, #tpu.memory_space<vmem>>[vector<16xi32>, vector<16xi32>], vector<16xf32>,
    %add3A_840 = arith.addf %add3A_836, %gather3A_839 : vector<16xf32>
    %broadcast_in_dim3A_841 = arith.constant 6 : i32
    %broadcast_in_dim3A_842 = vector.broadcast %broadcast_in_dim3A_841 : i32 to vector<16xi32>
    %gather3A_843 = tpu.vector_load_idx %arg8[%iota3A_814, %broadcast_in_dim3A_842] : memref<16x16xf32, #tpu.memory_space<vmem>>[vector<16xi32>, vector<16xi32>], vector<16xf32>,
    %add3A_844 = arith.addf %add3A_840, %gather3A_843 : vector<16xf32>
    %broadcast_in_dim3A_845 = arith.constant 7 : i32
    %broadcast_in_dim3A_846 = vector.broadcast %broadcast_in_dim3A_845 : i32 to vector<16xi32>
    %gather3A_847 = tpu.vector_load_idx %arg8[%iota3A_814, %broadcast_in_dim3A_846] : memref<16x16xf32, #tpu.memory_space<vmem>>[vector<16xi32>, vector<16xi32>], vector<16xf32>,
    %add3A_848 = arith.addf %add3A_844, %gather3A_847 : vector<16xf32>
    %broadcast_in_dim3A_849 = arith.constant 8 : i32
    %broadcast_in_dim3A_850 = vector.broadcast %broadcast_in_dim3A_849 : i32 to vector<16xi32>
    %gather3A_851 = tpu.vector_load_idx %arg8[%iota3A_814, %broadcast_in_dim3A_850] : memref<16x16xf32, #tpu.memory_space<vmem>>[vector<16xi32>, vector<16xi32>], vector<16xf32>,
    %add3A_852 = arith.addf %add3A_848, %gather3A_851 : vector<16xf32>
    %broadcast_in_dim3A_853 = arith.constant 9 : i32
    %broadcast_in_dim3A_854 = vector.broadcast %broadcast_in_dim3A_853 : i32 to vector<16xi32>
    %gather3A_855 = tpu.vector_load_idx %arg8[%iota3A_814, %broadcast_in_dim3A_854] : memref<16x16xf32, #tpu.memory_space<vmem>>[vector<16xi32>, vector<16xi32>], vector<16xf32>,
    %add3A_856 = arith.addf %add3A_852, %gather3A_855 : vector<16xf32>
    %broadcast_in_dim3A_857 = arith.constant 10 : i32
    %broadcast_in_dim3A_858 = vector.broadcast %broadcast_in_dim3A_857 : i32 to vector<16xi32>
    %gather3A_859 = tpu.vector_load_idx %arg8[%iota3A_814, %broadcast_in_dim3A_858] : memref<16x16xf32, #tpu.memory_space<vmem>>[vector<16xi32>, vector<16xi32>], vector<16xf32>,
    %add3A_860 = arith.addf %add3A_856, %gather3A_859 : vector<16xf32>
    %broadcast_in_dim3A_861 = arith.constant 11 : i32
    %broadcast_in_dim3A_862 = vector.broadcast %broadcast_in_dim3A_861 : i32 to vector<16xi32>
    %gather3A_863 = tpu.vector_load_idx %arg8[%iota3A_814, %broadcast_in_dim3A_862] : memref<16x16xf32, #tpu.memory_space<vmem>>[vector<16xi32>, vector<16xi32>], vector<16xf32>,
    %add3A_864 = arith.addf %add3A_860, %gather3A_863 : vector<16xf32>
    %broadcast_in_dim3A_865 = arith.constant 12 : i32
    %broadcast_in_dim3A_866 = vector.broadcast %broadcast_in_dim3A_865 : i32 to vector<16xi32>
    %gather3A_867 = tpu.vector_load_idx %arg8[%iota3A_814, %broadcast_in_dim3A_866] : memref<16x16xf32, #tpu.memory_space<vmem>>[vector<16xi32>, vector<16xi32>], vector<16xf32>,
    %add3A_868 = arith.addf %add3A_864, %gather3A_867 : vector<16xf32>
    %broadcast_in_dim3A_869 = arith.constant 13 : i32
    %broadcast_in_dim3A_870 = vector.broadcast %broadcast_in_dim3A_869 : i32 to vector<16xi32>
    %gather3A_871 = tpu.vector_load_idx %arg8[%iota3A_814, %broadcast_in_dim3A_870] : memref<16x16xf32, #tpu.memory_space<vmem>>[vector<16xi32>, vector<16xi32>], vector<16xf32>,
    %add3A_872 = arith.addf %add3A_868, %gather3A_871 : vector<16xf32>
    %broadcast_in_dim3A_873 = arith.constant 14 : i32
    %broadcast_in_dim3A_874 = vector.broadcast %broadcast_in_dim3A_873 : i32 to vector<16xi32>
    %gather3A_875 = tpu.vector_load_idx %arg8[%iota3A_814, %broadcast_in_dim3A_874] : memref<16x16xf32, #tpu.memory_space<vmem>>[vector<16xi32>, vector<16xi32>], vector<16xf32>,
    %add3A_876 = arith.addf %add3A_872, %gather3A_875 : vector<16xf32>
    %broadcast_in_dim3A_877 = arith.constant 15 : i32
    %broadcast_in_dim3A_878 = vector.broadcast %broadcast_in_dim3A_877 : i32 to vector<16xi32>
    %gather3A_879 = tpu.vector_load_idx %arg8[%iota3A_814, %broadcast_in_dim3A_878] : memref<16x16xf32, #tpu.memory_space<vmem>>[vector<16xi32>, vector<16xi32>], vector<16xf32>,
    %add3A_880 = arith.addf %add3A_876, %gather3A_879 : vector<16xf32>
    %swap3A_881 = arith.constant 4 : i32
    %swap3A_882 = arith.index_cast %swap3A_881 : i32 to index
    %swap3A_883 = arith.constant 0 : index
    %swap3A_884 = tpu.vector_load %arg7[%swap3A_882, %swap3A_883] {strides = array<i32>} : memref<8x16xf32, #tpu.memory_space<vmem>>, vector<16xf32>,
    tpu.vector_store %arg7[%swap3A_882, %swap3A_883], %add3A_880 {strides = array<i32>} : memref<8x16xf32, #tpu.memory_space<vmem>>, vector<16xf32>,
    %swap3A_885 = arith.constant 0 : i32
    %swap3A_886 = arith.index_cast %swap3A_885 : i32 to index
    %swap3A_887 = arith.constant 0 : index
    %swap3A_888 = tpu.vector_load %arg8[%swap3A_886, %swap3A_887] {strides = array<i32>} : memref<16x16xf32, #tpu.memory_space<vmem>>, vector<16xf32>,
    tpu.vector_store %arg8[%swap3A_886, %swap3A_887], %scan3A_748#1 {strides = array<i32>} : memref<16x16xf32, #tpu.memory_space<vmem>>, vector<16xf32>,
    %swap3A_889 = arith.constant 1 : i32
    %swap3A_890 = arith.index_cast %swap3A_889 : i32 to index
    %swap3A_891 = arith.constant 0 : index
    %swap3A_892 = tpu.vector_load %arg8[%swap3A_890, %swap3A_891] {strides = array<i32>} : memref<16x16xf32, #tpu.memory_space<vmem>>, vector<16xf32>,
    tpu.vector_store %arg8[%swap3A_890, %swap3A_891], %scan3A_748#3 {strides = array<i32>} : memref<16x16xf32, #tpu.memory_space<vmem>>, vector<16xf32>,
    %swap3A_893 = arith.constant 2 : i32
    %swap3A_894 = arith.index_cast %swap3A_893 : i32 to index
    %swap3A_895 = arith.constant 0 : index
    %swap3A_896 = tpu.vector_load %arg8[%swap3A_894, %swap3A_895] {strides = array<i32>} : memref<16x16xf32, #tpu.memory_space<vmem>>, vector<16xf32>,
    tpu.vector_store %arg8[%swap3A_894, %swap3A_895], %scan3A_748#5 {strides = array<i32>} : memref<16x16xf32, #tpu.memory_space<vmem>>, vector<16xf32>,
    %swap3A_897 = arith.constant 3 : i32
    %swap3A_898 = arith.index_cast %swap3A_897 : i32 to index
    %swap3A_899 = arith.constant 0 : index
    %swap3A_900 = tpu.vector_load %arg8[%swap3A_898, %swap3A_899] {strides = array<i32>} : memref<16x16xf32, #tpu.memory_space<vmem>>, vector<16xf32>,
    tpu.vector_store %arg8[%swap3A_898, %swap3A_899], %scan3A_748#7 {strides = array<i32>} : memref<16x16xf32, #tpu.memory_space<vmem>>, vector<16xf32>,
    %swap3A_901 = arith.constant 4 : i32
    %swap3A_902 = arith.index_cast %swap3A_901 : i32 to index
    %swap3A_903 = arith.constant 0 : index
    %swap3A_904 = tpu.vector_load %arg8[%swap3A_902, %swap3A_903] {strides = array<i32>} : memref<16x16xf32, #tpu.memory_space<vmem>>, vector<16xf32>,
    tpu.vector_store %arg8[%swap3A_902, %swap3A_903], %scan3A_748#9 {strides = array<i32>} : memref<16x16xf32, #tpu.memory_space<vmem>>, vector<16xf32>,
    %swap3A_905 = arith.constant 5 : i32
    %swap3A_906 = arith.index_cast %swap3A_905 : i32 to index
    %swap3A_907 = arith.constant 0 : index
    %swap3A_908 = tpu.vector_load %arg8[%swap3A_906, %swap3A_907] {strides = array<i32>} : memref<16x16xf32, #tpu.memory_space<vmem>>, vector<16xf32>,
    tpu.vector_store %arg8[%swap3A_906, %swap3A_907], %scan3A_748#11 {strides = array<i32>} : memref<16x16xf32, #tpu.memory_space<vmem>>, vector<16xf32>,
    %swap3A_909 = arith.constant 6 : i32
    %swap3A_910 = arith.index_cast %swap3A_909 : i32 to index
    %swap3A_911 = arith.constant 0 : index
    %swap3A_912 = tpu.vector_load %arg8[%swap3A_910, %swap3A_911] {strides = array<i32>} : memref<16x16xf32, #tpu.memory_space<vmem>>, vector<16xf32>,
    tpu.vector_store %arg8[%swap3A_910, %swap3A_911], %scan3A_748#13 {strides = array<i32>} : memref<16x16xf32, #tpu.memory_space<vmem>>, vector<16xf32>,
    %swap3A_913 = arith.constant 7 : i32
    %swap3A_914 = arith.index_cast %swap3A_913 : i32 to index
    %swap3A_915 = arith.constant 0 : index
    %swap3A_916 = tpu.vector_load %arg8[%swap3A_914, %swap3A_915] {strides = array<i32>} : memref<16x16xf32, #tpu.memory_space<vmem>>, vector<16xf32>,
    tpu.vector_store %arg8[%swap3A_914, %swap3A_915], %scan3A_748#15 {strides = array<i32>} : memref<16x16xf32, #tpu.memory_space<vmem>>, vector<16xf32>,
    %swap3A_917 = arith.constant 8 : i32
    %swap3A_918 = arith.index_cast %swap3A_917 : i32 to index
    %swap3A_919 = arith.constant 0 : index
    %swap3A_920 = tpu.vector_load %arg8[%swap3A_918, %swap3A_919] {strides = array<i32>} : memref<16x16xf32, #tpu.memory_space<vmem>>, vector<16xf32>,
    tpu.vector_store %arg8[%swap3A_918, %swap3A_919], %scan3A_748#17 {strides = array<i32>} : memref<16x16xf32, #tpu.memory_space<vmem>>, vector<16xf32>,
    %swap3A_921 = arith.constant 9 : i32
    %swap3A_922 = arith.index_cast %swap3A_921 : i32 to index
    %swap3A_923 = arith.constant 0 : index
    %swap3A_924 = tpu.vector_load %arg8[%swap3A_922, %swap3A_923] {strides = array<i32>} : memref<16x16xf32, #tpu.memory_space<vmem>>, vector<16xf32>,
    tpu.vector_store %arg8[%swap3A_922, %swap3A_923], %scan3A_748#19 {strides = array<i32>} : memref<16x16xf32, #tpu.memory_space<vmem>>, vector<16xf32>,
    %swap3A_925 = arith.constant 10 : i32
    %swap3A_926 = arith.index_cast %swap3A_925 : i32 to index
    %swap3A_927 = arith.constant 0 : index
    %swap3A_928 = tpu.vector_load %arg8[%swap3A_926, %swap3A_927] {strides = array<i32>} : memref<16x16xf32, #tpu.memory_space<vmem>>, vector<16xf32>,
    tpu.vector_store %arg8[%swap3A_926, %swap3A_927], %scan3A_748#21 {strides = array<i32>} : memref<16x16xf32, #tpu.memory_space<vmem>>, vector<16xf32>,
    %swap3A_929 = arith.constant 11 : i32
    %swap3A_930 = arith.index_cast %swap3A_929 : i32 to index
    %swap3A_931 = arith.constant 0 : index
    %swap3A_932 = tpu.vector_load %arg8[%swap3A_930, %swap3A_931] {strides = array<i32>} : memref<16x16xf32, #tpu.memory_space<vmem>>, vector<16xf32>,
    tpu.vector_store %arg8[%swap3A_930, %swap3A_931], %scan3A_748#23 {strides = array<i32>} : memref<16x16xf32, #tpu.memory_space<vmem>>, vector<16xf32>,
    %swap3A_933 = arith.constant 12 : i32
    %swap3A_934 = arith.index_cast %swap3A_933 : i32 to index
    %swap3A_935 = arith.constant 0 : index
    %swap3A_936 = tpu.vector_load %arg8[%swap3A_934, %swap3A_935] {strides = array<i32>} : memref<16x16xf32, #tpu.memory_space<vmem>>, vector<16xf32>,
    tpu.vector_store %arg8[%swap3A_934, %swap3A_935], %scan3A_748#25 {strides = array<i32>} : memref<16x16xf32, #tpu.memory_space<vmem>>, vector<16xf32>,
    %swap3A_937 = arith.constant 13 : i32
    %swap3A_938 = arith.index_cast %swap3A_937 : i32 to index
    %swap3A_939 = arith.constant 0 : index
    %swap3A_940 = tpu.vector_load %arg8[%swap3A_938, %swap3A_939] {strides = array<i32>} : memref<16x16xf32, #tpu.memory_space<vmem>>, vector<16xf32>,
    tpu.vector_store %arg8[%swap3A_938, %swap3A_939], %scan3A_748#27 {strides = array<i32>} : memref<16x16xf32, #tpu.memory_space<vmem>>, vector<16xf32>,
    %swap3A_941 = arith.constant 14 : i32
    %swap3A_942 = arith.index_cast %swap3A_941 : i32 to index
    %swap3A_943 = arith.constant 0 : index
    %swap3A_944 = tpu.vector_load %arg8[%swap3A_942, %swap3A_943] {strides = array<i32>} : memref<16x16xf32, #tpu.memory_space<vmem>>, vector<16xf32>,
    tpu.vector_store %arg8[%swap3A_942, %swap3A_943], %scan3A_748#29 {strides = array<i32>} : memref<16x16xf32, #tpu.memory_space<vmem>>, vector<16xf32>,
    %swap3A_945 = arith.constant 15 : i32
    %swap3A_946 = arith.index_cast %swap3A_945 : i32 to index
    %swap3A_947 = arith.constant 0 : index
    %swap3A_948 = tpu.vector_load %arg8[%swap3A_946, %swap3A_947] {strides = array<i32>} : memref<16x16xf32, #tpu.memory_space<vmem>>, vector<16xf32>,
    tpu.vector_store %arg8[%swap3A_946, %swap3A_947], %scan3A_748#31 {strides = array<i32>} : memref<16x16xf32, #tpu.memory_space<vmem>>, vector<16xf32>,
    %iota3A_949 = tpu.iota {dimensions = array<i32: 0>} : vector<16xi32>
    %broadcast_in_dim3A_950 = arith.constant 0.000000e+00 : f32
    %broadcast_in_dim3A_951 = vector.broadcast %broadcast_in_dim3A_950 : f32 to vector<16xf32>
    %broadcast_in_dim3A_952 = arith.constant 0 : i32
    %broadcast_in_dim3A_953 = vector.broadcast %broadcast_in_dim3A_952 : i32 to vector<16xi32>
    %gather3A_954 = tpu.vector_load_idx %arg8[%iota3A_949, %broadcast_in_dim3A_953] : memref<16x16xf32, #tpu.memory_space<vmem>>[vector<16xi32>, vector<16xi32>], vector<16xf32>,
    %add3A_955 = arith.addf %broadcast_in_dim3A_951, %gather3A_954 : vector<16xf32>
    %broadcast_in_dim3A_956 = arith.constant 1 : i32
    %broadcast_in_dim3A_957 = vector.broadcast %broadcast_in_dim3A_956 : i32 to vector<16xi32>
    %gather3A_958 = tpu.vector_load_idx %arg8[%iota3A_949, %broadcast_in_dim3A_957] : memref<16x16xf32, #tpu.memory_space<vmem>>[vector<16xi32>, vector<16xi32>], vector<16xf32>,
    %add3A_959 = arith.addf %add3A_955, %gather3A_958 : vector<16xf32>
    %broadcast_in_dim3A_960 = arith.constant 2 : i32
    %broadcast_in_dim3A_961 = vector.broadcast %broadcast_in_dim3A_960 : i32 to vector<16xi32>
    %gather3A_962 = tpu.vector_load_idx %arg8[%iota3A_949, %broadcast_in_dim3A_961] : memref<16x16xf32, #tpu.memory_space<vmem>>[vector<16xi32>, vector<16xi32>], vector<16xf32>,
    %add3A_963 = arith.addf %add3A_959, %gather3A_962 : vector<16xf32>
    %broadcast_in_dim3A_964 = arith.constant 3 : i32
    %broadcast_in_dim3A_965 = vector.broadcast %broadcast_in_dim3A_964 : i32 to vector<16xi32>
    %gather3A_966 = tpu.vector_load_idx %arg8[%iota3A_949, %broadcast_in_dim3A_965] : memref<16x16xf32, #tpu.memory_space<vmem>>[vector<16xi32>, vector<16xi32>], vector<16xf32>,
    %add3A_967 = arith.addf %add3A_963, %gather3A_966 : vector<16xf32>
    %broadcast_in_dim3A_968 = arith.constant 4 : i32
    %broadcast_in_dim3A_969 = vector.broadcast %broadcast_in_dim3A_968 : i32 to vector<16xi32>
    %gather3A_970 = tpu.vector_load_idx %arg8[%iota3A_949, %broadcast_in_dim3A_969] : memref<16x16xf32, #tpu.memory_space<vmem>>[vector<16xi32>, vector<16xi32>], vector<16xf32>,
    %add3A_971 = arith.addf %add3A_967, %gather3A_970 : vector<16xf32>
    %broadcast_in_dim3A_972 = arith.constant 5 : i32
    %broadcast_in_dim3A_973 = vector.broadcast %broadcast_in_dim3A_972 : i32 to vector<16xi32>
    %gather3A_974 = tpu.vector_load_idx %arg8[%iota3A_949, %broadcast_in_dim3A_973] : memref<16x16xf32, #tpu.memory_space<vmem>>[vector<16xi32>, vector<16xi32>], vector<16xf32>,
    %add3A_975 = arith.addf %add3A_971, %gather3A_974 : vector<16xf32>
    %broadcast_in_dim3A_976 = arith.constant 6 : i32
    %broadcast_in_dim3A_977 = vector.broadcast %broadcast_in_dim3A_976 : i32 to vector<16xi32>
    %gather3A_978 = tpu.vector_load_idx %arg8[%iota3A_949, %broadcast_in_dim3A_977] : memref<16x16xf32, #tpu.memory_space<vmem>>[vector<16xi32>, vector<16xi32>], vector<16xf32>,
    %add3A_979 = arith.addf %add3A_975, %gather3A_978 : vector<16xf32>
    %broadcast_in_dim3A_980 = arith.constant 7 : i32
    %broadcast_in_dim3A_981 = vector.broadcast %broadcast_in_dim3A_980 : i32 to vector<16xi32>
    %gather3A_982 = tpu.vector_load_idx %arg8[%iota3A_949, %broadcast_in_dim3A_981] : memref<16x16xf32, #tpu.memory_space<vmem>>[vector<16xi32>, vector<16xi32>], vector<16xf32>,
    %add3A_983 = arith.addf %add3A_979, %gather3A_982 : vector<16xf32>
    %broadcast_in_dim3A_984 = arith.constant 8 : i32
    %broadcast_in_dim3A_985 = vector.broadcast %broadcast_in_dim3A_984 : i32 to vector<16xi32>
    %gather3A_986 = tpu.vector_load_idx %arg8[%iota3A_949, %broadcast_in_dim3A_985] : memref<16x16xf32, #tpu.memory_space<vmem>>[vector<16xi32>, vector<16xi32>], vector<16xf32>,
    %add3A_987 = arith.addf %add3A_983, %gather3A_986 : vector<16xf32>
    %broadcast_in_dim3A_988 = arith.constant 9 : i32
    %broadcast_in_dim3A_989 = vector.broadcast %broadcast_in_dim3A_988 : i32 to vector<16xi32>
    %gather3A_990 = tpu.vector_load_idx %arg8[%iota3A_949, %broadcast_in_dim3A_989] : memref<16x16xf32, #tpu.memory_space<vmem>>[vector<16xi32>, vector<16xi32>], vector<16xf32>,
    %add3A_991 = arith.addf %add3A_987, %gather3A_990 : vector<16xf32>
    %broadcast_in_dim3A_992 = arith.constant 10 : i32
    %broadcast_in_dim3A_993 = vector.broadcast %broadcast_in_dim3A_992 : i32 to vector<16xi32>
    %gather3A_994 = tpu.vector_load_idx %arg8[%iota3A_949, %broadcast_in_dim3A_993] : memref<16x16xf32, #tpu.memory_space<vmem>>[vector<16xi32>, vector<16xi32>], vector<16xf32>,
    %add3A_995 = arith.addf %add3A_991, %gather3A_994 : vector<16xf32>
    %broadcast_in_dim3A_996 = arith.constant 11 : i32
    %broadcast_in_dim3A_997 = vector.broadcast %broadcast_in_dim3A_996 : i32 to vector<16xi32>
    %gather3A_998 = tpu.vector_load_idx %arg8[%iota3A_949, %broadcast_in_dim3A_997] : memref<16x16xf32, #tpu.memory_space<vmem>>[vector<16xi32>, vector<16xi32>], vector<16xf32>,
    %add3A_999 = arith.addf %add3A_995, %gather3A_998 : vector<16xf32>
    %broadcast_in_dim3A_1000 = arith.constant 12 : i32
    %broadcast_in_dim3A_1001 = vector.broadcast %broadcast_in_dim3A_1000 : i32 to vector<16xi32>
    %gather3A_1002 = tpu.vector_load_idx %arg8[%iota3A_949, %broadcast_in_dim3A_1001] : memref<16x16xf32, #tpu.memory_space<vmem>>[vector<16xi32>, vector<16xi32>], vector<16xf32>,
    %add3A_1003 = arith.addf %add3A_999, %gather3A_1002 : vector<16xf32>
    %broadcast_in_dim3A_1004 = arith.constant 13 : i32
    %broadcast_in_dim3A_1005 = vector.broadcast %broadcast_in_dim3A_1004 : i32 to vector<16xi32>
    %gather3A_1006 = tpu.vector_load_idx %arg8[%iota3A_949, %broadcast_in_dim3A_1005] : memref<16x16xf32, #tpu.memory_space<vmem>>[vector<16xi32>, vector<16xi32>], vector<16xf32>,
    %add3A_1007 = arith.addf %add3A_1003, %gather3A_1006 : vector<16xf32>
    %broadcast_in_dim3A_1008 = arith.constant 14 : i32
    %broadcast_in_dim3A_1009 = vector.broadcast %broadcast_in_dim3A_1008 : i32 to vector<16xi32>
    %gather3A_1010 = tpu.vector_load_idx %arg8[%iota3A_949, %broadcast_in_dim3A_1009] : memref<16x16xf32, #tpu.memory_space<vmem>>[vector<16xi32>, vector<16xi32>], vector<16xf32>,
    %add3A_1011 = arith.addf %add3A_1007, %gather3A_1010 : vector<16xf32>
    %broadcast_in_dim3A_1012 = arith.constant 15 : i32
    %broadcast_in_dim3A_1013 = vector.broadcast %broadcast_in_dim3A_1012 : i32 to vector<16xi32>
    %gather3A_1014 = tpu.vector_load_idx %arg8[%iota3A_949, %broadcast_in_dim3A_1013] : memref<16x16xf32, #tpu.memory_space<vmem>>[vector<16xi32>, vector<16xi32>], vector<16xf32>,
    %add3A_1015 = arith.addf %add3A_1011, %gather3A_1014 : vector<16xf32>
    %swap3A_1016 = arith.constant 5 : i32
    %swap3A_1017 = arith.index_cast %swap3A_1016 : i32 to index
    %swap3A_1018 = arith.constant 0 : index
    %swap3A_1019 = tpu.vector_load %arg7[%swap3A_1017, %swap3A_1018] {strides = array<i32>} : memref<8x16xf32, #tpu.memory_space<vmem>>, vector<16xf32>,
    tpu.vector_store %arg7[%swap3A_1017, %swap3A_1018], %add3A_1015 {strides = array<i32>} : memref<8x16xf32, #tpu.memory_space<vmem>>, vector<16xf32>,
    %broadcast_in_dim3A_1020 = arith.constant 0.000000e+00 : f32
    %broadcast_in_dim3A_1021 = vector.broadcast %broadcast_in_dim3A_1020 : f32 to vector<16xf32>
    %broadcast_in_dim3A_1022 = arith.constant 0.000000e+00 : f32
    %broadcast_in_dim3A_1023 = vector.broadcast %broadcast_in_dim3A_1022 : f32 to vector<16xf32>
    %broadcast_in_dim3A_1024 = arith.constant 0.000000e+00 : f32
    %broadcast_in_dim3A_1025 = vector.broadcast %broadcast_in_dim3A_1024 : f32 to vector<16xf32>
    %broadcast_in_dim3A_1026 = arith.constant 0.000000e+00 : f32
    %broadcast_in_dim3A_1027 = vector.broadcast %broadcast_in_dim3A_1026 : f32 to vector<16xf32>
    %broadcast_in_dim3A_1028 = arith.constant 0.000000e+00 : f32
    %broadcast_in_dim3A_1029 = vector.broadcast %broadcast_in_dim3A_1028 : f32 to vector<16xf32>
    %broadcast_in_dim3A_1030 = arith.constant 0.000000e+00 : f32
    %broadcast_in_dim3A_1031 = vector.broadcast %broadcast_in_dim3A_1030 : f32 to vector<16xf32>
    %broadcast_in_dim3A_1032 = arith.constant 0.000000e+00 : f32
    %broadcast_in_dim3A_1033 = vector.broadcast %broadcast_in_dim3A_1032 : f32 to vector<16xf32>
    %broadcast_in_dim3A_1034 = arith.constant 0.000000e+00 : f32
    %broadcast_in_dim3A_1035 = vector.broadcast %broadcast_in_dim3A_1034 : f32 to vector<16xf32>
    %broadcast_in_dim3A_1036 = arith.constant 0.000000e+00 : f32
    %broadcast_in_dim3A_1037 = vector.broadcast %broadcast_in_dim3A_1036 : f32 to vector<16xf32>
    %broadcast_in_dim3A_1038 = arith.constant 0.000000e+00 : f32
    %broadcast_in_dim3A_1039 = vector.broadcast %broadcast_in_dim3A_1038 : f32 to vector<16xf32>
    %broadcast_in_dim3A_1040 = arith.constant 0.000000e+00 : f32
    %broadcast_in_dim3A_1041 = vector.broadcast %broadcast_in_dim3A_1040 : f32 to vector<16xf32>
    %broadcast_in_dim3A_1042 = arith.constant 0.000000e+00 : f32
    %broadcast_in_dim3A_1043 = vector.broadcast %broadcast_in_dim3A_1042 : f32 to vector<16xf32>
    %broadcast_in_dim3A_1044 = arith.constant 0.000000e+00 : f32
    %broadcast_in_dim3A_1045 = vector.broadcast %broadcast_in_dim3A_1044 : f32 to vector<16xf32>
    %broadcast_in_dim3A_1046 = arith.constant 0.000000e+00 : f32
    %broadcast_in_dim3A_1047 = vector.broadcast %broadcast_in_dim3A_1046 : f32 to vector<16xf32>
    %broadcast_in_dim3A_1048 = arith.constant 0.000000e+00 : f32
    %broadcast_in_dim3A_1049 = vector.broadcast %broadcast_in_dim3A_1048 : f32 to vector<16xf32>
    %broadcast_in_dim3A_1050 = arith.constant 0.000000e+00 : f32
    %broadcast_in_dim3A_1051 = vector.broadcast %broadcast_in_dim3A_1050 : f32 to vector<16xf32>
    %broadcast_in_dim3A_1052 = arith.constant 0.000000e+00 : f32
    %broadcast_in_dim3A_1053 = vector.broadcast %broadcast_in_dim3A_1052 : f32 to vector<16xf32>
    %broadcast_in_dim3A_1054 = arith.constant 0.000000e+00 : f32
    %broadcast_in_dim3A_1055 = vector.broadcast %broadcast_in_dim3A_1054 : f32 to vector<16xf32>
    %broadcast_in_dim3A_1056 = arith.constant 0.000000e+00 : f32
    %broadcast_in_dim3A_1057 = vector.broadcast %broadcast_in_dim3A_1056 : f32 to vector<16xf32>
    %broadcast_in_dim3A_1058 = arith.constant 0.000000e+00 : f32
    %broadcast_in_dim3A_1059 = vector.broadcast %broadcast_in_dim3A_1058 : f32 to vector<16xf32>
    %broadcast_in_dim3A_1060 = arith.constant 0.000000e+00 : f32
    %broadcast_in_dim3A_1061 = vector.broadcast %broadcast_in_dim3A_1060 : f32 to vector<16xf32>
    %broadcast_in_dim3A_1062 = arith.constant 0.000000e+00 : f32
    %broadcast_in_dim3A_1063 = vector.broadcast %broadcast_in_dim3A_1062 : f32 to vector<16xf32>
    %broadcast_in_dim3A_1064 = arith.constant 0.000000e+00 : f32
    %broadcast_in_dim3A_1065 = vector.broadcast %broadcast_in_dim3A_1064 : f32 to vector<16xf32>
    %broadcast_in_dim3A_1066 = arith.constant 0.000000e+00 : f32
    %broadcast_in_dim3A_1067 = vector.broadcast %broadcast_in_dim3A_1066 : f32 to vector<16xf32>
    %broadcast_in_dim3A_1068 = arith.constant 0.000000e+00 : f32
    %broadcast_in_dim3A_1069 = vector.broadcast %broadcast_in_dim3A_1068 : f32 to vector<16xf32>
    %broadcast_in_dim3A_1070 = arith.constant 0.000000e+00 : f32
    %broadcast_in_dim3A_1071 = vector.broadcast %broadcast_in_dim3A_1070 : f32 to vector<16xf32>
    %broadcast_in_dim3A_1072 = arith.constant 0.000000e+00 : f32
    %broadcast_in_dim3A_1073 = vector.broadcast %broadcast_in_dim3A_1072 : f32 to vector<16xf32>
    %broadcast_in_dim3A_1074 = arith.constant 0.000000e+00 : f32
    %broadcast_in_dim3A_1075 = vector.broadcast %broadcast_in_dim3A_1074 : f32 to vector<16xf32>
    %broadcast_in_dim3A_1076 = arith.constant 0.000000e+00 : f32
    %broadcast_in_dim3A_1077 = vector.broadcast %broadcast_in_dim3A_1076 : f32 to vector<16xf32>
    %broadcast_in_dim3A_1078 = arith.constant 0.000000e+00 : f32
    %broadcast_in_dim3A_1079 = vector.broadcast %broadcast_in_dim3A_1078 : f32 to vector<16xf32>
    %broadcast_in_dim3A_1080 = arith.constant 0.000000e+00 : f32
    %broadcast_in_dim3A_1081 = vector.broadcast %broadcast_in_dim3A_1080 : f32 to vector<16xf32>
    %broadcast_in_dim3A_1082 = arith.constant 0.000000e+00 : f32
    %broadcast_in_dim3A_1083 = vector.broadcast %broadcast_in_dim3A_1082 : f32 to vector<16xf32>
    %scan3A_1084 = arith.constant 0 : i32
    %scan3A_1085 = arith.constant 128 : i32
    %scan3A_1086 = arith.addi %scan3A_1084, %scan3A_1085 : i32
    %scan3A_1087 = arith.constant 1 : i32
    %scan3A_1088:32 = scf.for %scan3A_1360 = %scan3A_1084 to %scan3A_1086 step %scan3A_1087 iter_args(%scan3A_1361 = %broadcast_in_dim3A_1021, %scan3A_1362 = %broadcast_in_dim3A_1023, %scan3A_1363 = %broadcast_in_dim3A_1025, %scan3A_1364 = %broadcast_in_dim3A_1027, %scan3A_1365 = %broadcast_in_dim3A_1029, %scan3A_1366 = %broadcast_in_dim3A_1031, %scan3A_1367 = %broadcast_in_dim3A_1033, %scan3A_1368 = %broadcast_in_dim3A_1035, %scan3A_1369 = %broadcast_in_dim3A_1037, %scan3A_1370 = %broadcast_in_dim3A_1039, %scan3A_1371 = %broadcast_in_dim3A_1041, %scan3A_1372 = %broadcast_in_dim3A_1043, %scan3A_1373 = %broadcast_in_dim3A_1045, %scan3A_1374 = %broadcast_in_dim3A_1047, %scan3A_1375 = %broadcast_in_dim3A_1049, %scan3A_1376 = %broadcast_in_dim3A_1051, %scan3A_1377 = %broadcast_in_dim3A_1053, %scan3A_1378 = %broadcast_in_dim3A_1055, %scan3A_1379 = %broadcast_in_dim3A_1057, %scan3A_1380 = %broadcast_in_dim3A_1059, %scan3A_1381 = %broadcast_in_dim3A_1061, %scan3A_1382 = %broadcast_in_dim3A_1063, %scan3A_1383 = %broadcast_in_dim3A_1065, %scan3A_1384 = %broadcast_in_dim3A_1067, %scan3A_1385 = %broadcast_in_dim3A_1069, %scan3A_1386 = %broadcast_in_dim3A_1071, %scan3A_1387 = %broadcast_in_dim3A_1073, %scan3A_1388 = %broadcast_in_dim3A_1075, %scan3A_1389 = %broadcast_in_dim3A_1077, %scan3A_1390 = %broadcast_in_dim3A_1079, %scan3A_1391 = %broadcast_in_dim3A_1081, %scan3A_1392 = %broadcast_in_dim3A_1083) -> (vector<16xf32>, vector<16xf32>, vector<16xf32>, vector<16xf32>, vector<16xf32>, vector<16xf32>, vector<16xf32>, vector<16xf32>, vector<16xf32>, vector<16xf32>, vector<16xf32>, vector<16xf32>, vector<16xf32>, vector<16xf32>, vector<16xf32>, vector<16xf32>, vector<16xf32>, vector<16xf32>, vector<16xf32>, vector<16xf32>, vector<16xf32>, vector<16xf32>, vector<16xf32>, vector<16xf32>, vector<16xf32>, vector<16xf32>, vector<16xf32>, vector<16xf32>, vector<16xf32>, vector<16xf32>, vector<16xf32>, vector<16xf32>)  : i32 {
      %mul3A_1393 = arith.constant 16 : i32
      %mul3A_1394 = arith.muli %scan3A_1360, %mul3A_1393 : i32
      %get3A = arith.constant 6 : i32
      %get3A_1395 = arith.index_cast %get3A : i32 to index
      %get3A_1396 = arith.index_cast %mul3A_1394 : i32 to index
      %get3A_1397 = tpu.vector_load %arg6[%get3A_1395, %get3A_1396] {strides = array<i32>} : memref<8x2048xf32, #tpu.memory_space<vmem>>, vector<16xf32>,
      %mul3A_1398 = arith.constant 16 : i32
      %mul3A_1399 = arith.muli %scan3A_1360, %mul3A_1398 : i32
      %get3A_1400 = arith.constant 7 : i32
      %get3A_1401 = arith.index_cast %get3A_1400 : i32 to index
      %get3A_1402 = arith.index_cast %mul3A_1399 : i32 to index
      %get3A_1403 = tpu.vector_load %arg6[%get3A_1401, %get3A_1402] {strides = array<i32>} : memref<8x2048xf32, #tpu.memory_space<vmem>>, vector<16xf32>,
      %mul3A_1404 = arith.constant 16 : i32
      %mul3A_1405 = arith.muli %scan3A_1360, %mul3A_1404 : i32
      %get3A_1406 = arith.constant 0 : i32
      %get3A_1407 = arith.index_cast %get3A_1406 : i32 to index
      %get3A_1408 = arith.index_cast %mul3A_1405 : i32 to index
      %get3A_1409 = tpu.vector_load %arg5[%get3A_1407, %get3A_1408] {strides = array<i32>} : memref<16x2048xf32, #tpu.memory_space<vmem>>, vector<16xf32>,
      %mul3A_1410 = arith.mulf %get3A_1397, %get3A_1409 : vector<16xf32>
      %add3A_1411 = arith.addf %scan3A_1361, %mul3A_1410 : vector<16xf32>
      %mul3A_1412 = arith.mulf %get3A_1403, %get3A_1409 : vector<16xf32>
      %add3A_1413 = arith.addf %scan3A_1362, %mul3A_1412 : vector<16xf32>
      %mul3A_1414 = arith.constant 16 : i32
      %mul3A_1415 = arith.muli %scan3A_1360, %mul3A_1414 : i32
      %get3A_1416 = arith.constant 1 : i32
      %get3A_1417 = arith.index_cast %get3A_1416 : i32 to index
      %get3A_1418 = arith.index_cast %mul3A_1415 : i32 to index
      %get3A_1419 = tpu.vector_load %arg5[%get3A_1417, %get3A_1418] {strides = array<i32>} : memref<16x2048xf32, #tpu.memory_space<vmem>>, vector<16xf32>,
      %mul3A_1420 = arith.mulf %get3A_1397, %get3A_1419 : vector<16xf32>
      %add3A_1421 = arith.addf %scan3A_1363, %mul3A_1420 : vector<16xf32>
      %mul3A_1422 = arith.mulf %get3A_1403, %get3A_1419 : vector<16xf32>
      %add3A_1423 = arith.addf %scan3A_1364, %mul3A_1422 : vector<16xf32>
      %mul3A_1424 = arith.constant 16 : i32
      %mul3A_1425 = arith.muli %scan3A_1360, %mul3A_1424 : i32
      %get3A_1426 = arith.constant 2 : i32
      %get3A_1427 = arith.index_cast %get3A_1426 : i32 to index
      %get3A_1428 = arith.index_cast %mul3A_1425 : i32 to index
      %get3A_1429 = tpu.vector_load %arg5[%get3A_1427, %get3A_1428] {strides = array<i32>} : memref<16x2048xf32, #tpu.memory_space<vmem>>, vector<16xf32>,
      %mul3A_1430 = arith.mulf %get3A_1397, %get3A_1429 : vector<16xf32>
      %add3A_1431 = arith.addf %scan3A_1365, %mul3A_1430 : vector<16xf32>
      %mul3A_1432 = arith.mulf %get3A_1403, %get3A_1429 : vector<16xf32>
      %add3A_1433 = arith.addf %scan3A_1366, %mul3A_1432 : vector<16xf32>
      %mul3A_1434 = arith.constant 16 : i32
      %mul3A_1435 = arith.muli %scan3A_1360, %mul3A_1434 : i32
      %get3A_1436 = arith.constant 3 : i32
      %get3A_1437 = arith.index_cast %get3A_1436 : i32 to index
      %get3A_1438 = arith.index_cast %mul3A_1435 : i32 to index
      %get3A_1439 = tpu.vector_load %arg5[%get3A_1437, %get3A_1438] {strides = array<i32>} : memref<16x2048xf32, #tpu.memory_space<vmem>>, vector<16xf32>,
      %mul3A_1440 = arith.mulf %get3A_1397, %get3A_1439 : vector<16xf32>
      %add3A_1441 = arith.addf %scan3A_1367, %mul3A_1440 : vector<16xf32>
      %mul3A_1442 = arith.mulf %get3A_1403, %get3A_1439 : vector<16xf32>
      %add3A_1443 = arith.addf %scan3A_1368, %mul3A_1442 : vector<16xf32>
      %mul3A_1444 = arith.constant 16 : i32
      %mul3A_1445 = arith.muli %scan3A_1360, %mul3A_1444 : i32
      %get3A_1446 = arith.constant 4 : i32
      %get3A_1447 = arith.index_cast %get3A_1446 : i32 to index
      %get3A_1448 = arith.index_cast %mul3A_1445 : i32 to index
      %get3A_1449 = tpu.vector_load %arg5[%get3A_1447, %get3A_1448] {strides = array<i32>} : memref<16x2048xf32, #tpu.memory_space<vmem>>, vector<16xf32>,
      %mul3A_1450 = arith.mulf %get3A_1397, %get3A_1449 : vector<16xf32>
      %add3A_1451 = arith.addf %scan3A_1369, %mul3A_1450 : vector<16xf32>
      %mul3A_1452 = arith.mulf %get3A_1403, %get3A_1449 : vector<16xf32>
      %add3A_1453 = arith.addf %scan3A_1370, %mul3A_1452 : vector<16xf32>
      %mul3A_1454 = arith.constant 16 : i32
      %mul3A_1455 = arith.muli %scan3A_1360, %mul3A_1454 : i32
      %get3A_1456 = arith.constant 5 : i32
      %get3A_1457 = arith.index_cast %get3A_1456 : i32 to index
      %get3A_1458 = arith.index_cast %mul3A_1455 : i32 to index
      %get3A_1459 = tpu.vector_load %arg5[%get3A_1457, %get3A_1458] {strides = array<i32>} : memref<16x2048xf32, #tpu.memory_space<vmem>>, vector<16xf32>,
      %mul3A_1460 = arith.mulf %get3A_1397, %get3A_1459 : vector<16xf32>
      %add3A_1461 = arith.addf %scan3A_1371, %mul3A_1460 : vector<16xf32>
      %mul3A_1462 = arith.mulf %get3A_1403, %get3A_1459 : vector<16xf32>
      %add3A_1463 = arith.addf %scan3A_1372, %mul3A_1462 : vector<16xf32>
      %mul3A_1464 = arith.constant 16 : i32
      %mul3A_1465 = arith.muli %scan3A_1360, %mul3A_1464 : i32
      %get3A_1466 = arith.constant 6 : i32
      %get3A_1467 = arith.index_cast %get3A_1466 : i32 to index
      %get3A_1468 = arith.index_cast %mul3A_1465 : i32 to index
      %get3A_1469 = tpu.vector_load %arg5[%get3A_1467, %get3A_1468] {strides = array<i32>} : memref<16x2048xf32, #tpu.memory_space<vmem>>, vector<16xf32>,
      %mul3A_1470 = arith.mulf %get3A_1397, %get3A_1469 : vector<16xf32>
      %add3A_1471 = arith.addf %scan3A_1373, %mul3A_1470 : vector<16xf32>
      %mul3A_1472 = arith.mulf %get3A_1403, %get3A_1469 : vector<16xf32>
      %add3A_1473 = arith.addf %scan3A_1374, %mul3A_1472 : vector<16xf32>
      %mul3A_1474 = arith.constant 16 : i32
      %mul3A_1475 = arith.muli %scan3A_1360, %mul3A_1474 : i32
      %get3A_1476 = arith.constant 7 : i32
      %get3A_1477 = arith.index_cast %get3A_1476 : i32 to index
      %get3A_1478 = arith.index_cast %mul3A_1475 : i32 to index
      %get3A_1479 = tpu.vector_load %arg5[%get3A_1477, %get3A_1478] {strides = array<i32>} : memref<16x2048xf32, #tpu.memory_space<vmem>>, vector<16xf32>,
      %mul3A_1480 = arith.mulf %get3A_1397, %get3A_1479 : vector<16xf32>
      %add3A_1481 = arith.addf %scan3A_1375, %mul3A_1480 : vector<16xf32>
      %mul3A_1482 = arith.mulf %get3A_1403, %get3A_1479 : vector<16xf32>
      %add3A_1483 = arith.addf %scan3A_1376, %mul3A_1482 : vector<16xf32>
      %mul3A_1484 = arith.constant 16 : i32
      %mul3A_1485 = arith.muli %scan3A_1360, %mul3A_1484 : i32
      %get3A_1486 = arith.constant 8 : i32
      %get3A_1487 = arith.index_cast %get3A_1486 : i32 to index
      %get3A_1488 = arith.index_cast %mul3A_1485 : i32 to index
      %get3A_1489 = tpu.vector_load %arg5[%get3A_1487, %get3A_1488] {strides = array<i32>} : memref<16x2048xf32, #tpu.memory_space<vmem>>, vector<16xf32>,
      %mul3A_1490 = arith.mulf %get3A_1397, %get3A_1489 : vector<16xf32>
      %add3A_1491 = arith.addf %scan3A_1377, %mul3A_1490 : vector<16xf32>
      %mul3A_1492 = arith.mulf %get3A_1403, %get3A_1489 : vector<16xf32>
      %add3A_1493 = arith.addf %scan3A_1378, %mul3A_1492 : vector<16xf32>
      %mul3A_1494 = arith.constant 16 : i32
      %mul3A_1495 = arith.muli %scan3A_1360, %mul3A_1494 : i32
      %get3A_1496 = arith.constant 9 : i32
      %get3A_1497 = arith.index_cast %get3A_1496 : i32 to index
      %get3A_1498 = arith.index_cast %mul3A_1495 : i32 to index
      %get3A_1499 = tpu.vector_load %arg5[%get3A_1497, %get3A_1498] {strides = array<i32>} : memref<16x2048xf32, #tpu.memory_space<vmem>>, vector<16xf32>,
      %mul3A_1500 = arith.mulf %get3A_1397, %get3A_1499 : vector<16xf32>
      %add3A_1501 = arith.addf %scan3A_1379, %mul3A_1500 : vector<16xf32>
      %mul3A_1502 = arith.mulf %get3A_1403, %get3A_1499 : vector<16xf32>
      %add3A_1503 = arith.addf %scan3A_1380, %mul3A_1502 : vector<16xf32>
      %mul3A_1504 = arith.constant 16 : i32
      %mul3A_1505 = arith.muli %scan3A_1360, %mul3A_1504 : i32
      %get3A_1506 = arith.constant 10 : i32
      %get3A_1507 = arith.index_cast %get3A_1506 : i32 to index
      %get3A_1508 = arith.index_cast %mul3A_1505 : i32 to index
      %get3A_1509 = tpu.vector_load %arg5[%get3A_1507, %get3A_1508] {strides = array<i32>} : memref<16x2048xf32, #tpu.memory_space<vmem>>, vector<16xf32>,
      %mul3A_1510 = arith.mulf %get3A_1397, %get3A_1509 : vector<16xf32>
      %add3A_1511 = arith.addf %scan3A_1381, %mul3A_1510 : vector<16xf32>
      %mul3A_1512 = arith.mulf %get3A_1403, %get3A_1509 : vector<16xf32>
      %add3A_1513 = arith.addf %scan3A_1382, %mul3A_1512 : vector<16xf32>
      %mul3A_1514 = arith.constant 16 : i32
      %mul3A_1515 = arith.muli %scan3A_1360, %mul3A_1514 : i32
      %get3A_1516 = arith.constant 11 : i32
      %get3A_1517 = arith.index_cast %get3A_1516 : i32 to index
      %get3A_1518 = arith.index_cast %mul3A_1515 : i32 to index
      %get3A_1519 = tpu.vector_load %arg5[%get3A_1517, %get3A_1518] {strides = array<i32>} : memref<16x2048xf32, #tpu.memory_space<vmem>>, vector<16xf32>,
      %mul3A_1520 = arith.mulf %get3A_1397, %get3A_1519 : vector<16xf32>
      %add3A_1521 = arith.addf %scan3A_1383, %mul3A_1520 : vector<16xf32>
      %mul3A_1522 = arith.mulf %get3A_1403, %get3A_1519 : vector<16xf32>
      %add3A_1523 = arith.addf %scan3A_1384, %mul3A_1522 : vector<16xf32>
      %mul3A_1524 = arith.constant 16 : i32
      %mul3A_1525 = arith.muli %scan3A_1360, %mul3A_1524 : i32
      %get3A_1526 = arith.constant 12 : i32
      %get3A_1527 = arith.index_cast %get3A_1526 : i32 to index
      %get3A_1528 = arith.index_cast %mul3A_1525 : i32 to index
      %get3A_1529 = tpu.vector_load %arg5[%get3A_1527, %get3A_1528] {strides = array<i32>} : memref<16x2048xf32, #tpu.memory_space<vmem>>, vector<16xf32>,
      %mul3A_1530 = arith.mulf %get3A_1397, %get3A_1529 : vector<16xf32>
      %add3A_1531 = arith.addf %scan3A_1385, %mul3A_1530 : vector<16xf32>
      %mul3A_1532 = arith.mulf %get3A_1403, %get3A_1529 : vector<16xf32>
      %add3A_1533 = arith.addf %scan3A_1386, %mul3A_1532 : vector<16xf32>
      %mul3A_1534 = arith.constant 16 : i32
      %mul3A_1535 = arith.muli %scan3A_1360, %mul3A_1534 : i32
      %get3A_1536 = arith.constant 13 : i32
      %get3A_1537 = arith.index_cast %get3A_1536 : i32 to index
      %get3A_1538 = arith.index_cast %mul3A_1535 : i32 to index
      %get3A_1539 = tpu.vector_load %arg5[%get3A_1537, %get3A_1538] {strides = array<i32>} : memref<16x2048xf32, #tpu.memory_space<vmem>>, vector<16xf32>,
      %mul3A_1540 = arith.mulf %get3A_1397, %get3A_1539 : vector<16xf32>
      %add3A_1541 = arith.addf %scan3A_1387, %mul3A_1540 : vector<16xf32>
      %mul3A_1542 = arith.mulf %get3A_1403, %get3A_1539 : vector<16xf32>
      %add3A_1543 = arith.addf %scan3A_1388, %mul3A_1542 : vector<16xf32>
      %mul3A_1544 = arith.constant 16 : i32
      %mul3A_1545 = arith.muli %scan3A_1360, %mul3A_1544 : i32
      %get3A_1546 = arith.constant 14 : i32
      %get3A_1547 = arith.index_cast %get3A_1546 : i32 to index
      %get3A_1548 = arith.index_cast %mul3A_1545 : i32 to index
      %get3A_1549 = tpu.vector_load %arg5[%get3A_1547, %get3A_1548] {strides = array<i32>} : memref<16x2048xf32, #tpu.memory_space<vmem>>, vector<16xf32>,
      %mul3A_1550 = arith.mulf %get3A_1397, %get3A_1549 : vector<16xf32>
      %add3A_1551 = arith.addf %scan3A_1389, %mul3A_1550 : vector<16xf32>
      %mul3A_1552 = arith.mulf %get3A_1403, %get3A_1549 : vector<16xf32>
      %add3A_1553 = arith.addf %scan3A_1390, %mul3A_1552 : vector<16xf32>
      %mul3A_1554 = arith.constant 16 : i32
      %mul3A_1555 = arith.muli %scan3A_1360, %mul3A_1554 : i32
      %get3A_1556 = arith.constant 15 : i32
      %get3A_1557 = arith.index_cast %get3A_1556 : i32 to index
      %get3A_1558 = arith.index_cast %mul3A_1555 : i32 to index
      %get3A_1559 = tpu.vector_load %arg5[%get3A_1557, %get3A_1558] {strides = array<i32>} : memref<16x2048xf32, #tpu.memory_space<vmem>>, vector<16xf32>,
      %mul3A_1560 = arith.mulf %get3A_1397, %get3A_1559 : vector<16xf32>
      %add3A_1561 = arith.addf %scan3A_1391, %mul3A_1560 : vector<16xf32>
      %mul3A_1562 = arith.mulf %get3A_1403, %get3A_1559 : vector<16xf32>
      %add3A_1563 = arith.addf %scan3A_1392, %mul3A_1562 : vector<16xf32>
      scf.yield %add3A_1411, %add3A_1413, %add3A_1421, %add3A_1423, %add3A_1431, %add3A_1433, %add3A_1441, %add3A_1443, %add3A_1451, %add3A_1453, %add3A_1461, %add3A_1463, %add3A_1471, %add3A_1473, %add3A_1481, %add3A_1483, %add3A_1491, %add3A_1493, %add3A_1501, %add3A_1503, %add3A_1511, %add3A_1513, %add3A_1521, %add3A_1523, %add3A_1531, %add3A_1533, %add3A_1541, %add3A_1543, %add3A_1551, %add3A_1553, %add3A_1561, %add3A_1563 : vector<16xf32>, vector<16xf32>, vector<16xf32>, vector<16xf32>, vector<16xf32>, vector<16xf32>, vector<16xf32>, vector<16xf32>, vector<16xf32>, vector<16xf32>, vector<16xf32>, vector<16xf32>, vector<16xf32>, vector<16xf32>, vector<16xf32>, vector<16xf32>, vector<16xf32>, vector<16xf32>, vector<16xf32>, vector<16xf32>, vector<16xf32>, vector<16xf32>, vector<16xf32>, vector<16xf32>, vector<16xf32>, vector<16xf32>, vector<16xf32>, vector<16xf32>, vector<16xf32>, vector<16xf32>, vector<16xf32>, vector<16xf32>
    }
    %scan3A_1089 = arith.constant 128 : i32
    %swap3A_1090 = arith.constant 0 : i32
    %swap3A_1091 = arith.index_cast %swap3A_1090 : i32 to index
    %swap3A_1092 = arith.constant 0 : index
    %swap3A_1093 = tpu.vector_load %arg8[%swap3A_1091, %swap3A_1092] {strides = array<i32>} : memref<16x16xf32, #tpu.memory_space<vmem>>, vector<16xf32>,
    tpu.vector_store %arg8[%swap3A_1091, %swap3A_1092], %scan3A_1088#0 {strides = array<i32>} : memref<16x16xf32, #tpu.memory_space<vmem>>, vector<16xf32>,
    %swap3A_1094 = arith.constant 1 : i32
    %swap3A_1095 = arith.index_cast %swap3A_1094 : i32 to index
    %swap3A_1096 = arith.constant 0 : index
    %swap3A_1097 = tpu.vector_load %arg8[%swap3A_1095, %swap3A_1096] {strides = array<i32>} : memref<16x16xf32, #tpu.memory_space<vmem>>, vector<16xf32>,
    tpu.vector_store %arg8[%swap3A_1095, %swap3A_1096], %scan3A_1088#2 {strides = array<i32>} : memref<16x16xf32, #tpu.memory_space<vmem>>, vector<16xf32>,
    %swap3A_1098 = arith.constant 2 : i32
    %swap3A_1099 = arith.index_cast %swap3A_1098 : i32 to index
    %swap3A_1100 = arith.constant 0 : index
    %swap3A_1101 = tpu.vector_load %arg8[%swap3A_1099, %swap3A_1100] {strides = array<i32>} : memref<16x16xf32, #tpu.memory_space<vmem>>, vector<16xf32>,
    tpu.vector_store %arg8[%swap3A_1099, %swap3A_1100], %scan3A_1088#4 {strides = array<i32>} : memref<16x16xf32, #tpu.memory_space<vmem>>, vector<16xf32>,
    %swap3A_1102 = arith.constant 3 : i32
    %swap3A_1103 = arith.index_cast %swap3A_1102 : i32 to index
    %swap3A_1104 = arith.constant 0 : index
    %swap3A_1105 = tpu.vector_load %arg8[%swap3A_1103, %swap3A_1104] {strides = array<i32>} : memref<16x16xf32, #tpu.memory_space<vmem>>, vector<16xf32>,
    tpu.vector_store %arg8[%swap3A_1103, %swap3A_1104], %scan3A_1088#6 {strides = array<i32>} : memref<16x16xf32, #tpu.memory_space<vmem>>, vector<16xf32>,
    %swap3A_1106 = arith.constant 4 : i32
    %swap3A_1107 = arith.index_cast %swap3A_1106 : i32 to index
    %swap3A_1108 = arith.constant 0 : index
    %swap3A_1109 = tpu.vector_load %arg8[%swap3A_1107, %swap3A_1108] {strides = array<i32>} : memref<16x16xf32, #tpu.memory_space<vmem>>, vector<16xf32>,
    tpu.vector_store %arg8[%swap3A_1107, %swap3A_1108], %scan3A_1088#8 {strides = array<i32>} : memref<16x16xf32, #tpu.memory_space<vmem>>, vector<16xf32>,
    %swap3A_1110 = arith.constant 5 : i32
    %swap3A_1111 = arith.index_cast %swap3A_1110 : i32 to index
    %swap3A_1112 = arith.constant 0 : index
    %swap3A_1113 = tpu.vector_load %arg8[%swap3A_1111, %swap3A_1112] {strides = array<i32>} : memref<16x16xf32, #tpu.memory_space<vmem>>, vector<16xf32>,
    tpu.vector_store %arg8[%swap3A_1111, %swap3A_1112], %scan3A_1088#10 {strides = array<i32>} : memref<16x16xf32, #tpu.memory_space<vmem>>, vector<16xf32>,
    %swap3A_1114 = arith.constant 6 : i32
    %swap3A_1115 = arith.index_cast %swap3A_1114 : i32 to index
    %swap3A_1116 = arith.constant 0 : index
    %swap3A_1117 = tpu.vector_load %arg8[%swap3A_1115, %swap3A_1116] {strides = array<i32>} : memref<16x16xf32, #tpu.memory_space<vmem>>, vector<16xf32>,
    tpu.vector_store %arg8[%swap3A_1115, %swap3A_1116], %scan3A_1088#12 {strides = array<i32>} : memref<16x16xf32, #tpu.memory_space<vmem>>, vector<16xf32>,
    %swap3A_1118 = arith.constant 7 : i32
    %swap3A_1119 = arith.index_cast %swap3A_1118 : i32 to index
    %swap3A_1120 = arith.constant 0 : index
    %swap3A_1121 = tpu.vector_load %arg8[%swap3A_1119, %swap3A_1120] {strides = array<i32>} : memref<16x16xf32, #tpu.memory_space<vmem>>, vector<16xf32>,
    tpu.vector_store %arg8[%swap3A_1119, %swap3A_1120], %scan3A_1088#14 {strides = array<i32>} : memref<16x16xf32, #tpu.memory_space<vmem>>, vector<16xf32>,
    %swap3A_1122 = arith.constant 8 : i32
    %swap3A_1123 = arith.index_cast %swap3A_1122 : i32 to index
    %swap3A_1124 = arith.constant 0 : index
    %swap3A_1125 = tpu.vector_load %arg8[%swap3A_1123, %swap3A_1124] {strides = array<i32>} : memref<16x16xf32, #tpu.memory_space<vmem>>, vector<16xf32>,
    tpu.vector_store %arg8[%swap3A_1123, %swap3A_1124], %scan3A_1088#16 {strides = array<i32>} : memref<16x16xf32, #tpu.memory_space<vmem>>, vector<16xf32>,
    %swap3A_1126 = arith.constant 9 : i32
    %swap3A_1127 = arith.index_cast %swap3A_1126 : i32 to index
    %swap3A_1128 = arith.constant 0 : index
    %swap3A_1129 = tpu.vector_load %arg8[%swap3A_1127, %swap3A_1128] {strides = array<i32>} : memref<16x16xf32, #tpu.memory_space<vmem>>, vector<16xf32>,
    tpu.vector_store %arg8[%swap3A_1127, %swap3A_1128], %scan3A_1088#18 {strides = array<i32>} : memref<16x16xf32, #tpu.memory_space<vmem>>, vector<16xf32>,
    %swap3A_1130 = arith.constant 10 : i32
    %swap3A_1131 = arith.index_cast %swap3A_1130 : i32 to index
    %swap3A_1132 = arith.constant 0 : index
    %swap3A_1133 = tpu.vector_load %arg8[%swap3A_1131, %swap3A_1132] {strides = array<i32>} : memref<16x16xf32, #tpu.memory_space<vmem>>, vector<16xf32>,
    tpu.vector_store %arg8[%swap3A_1131, %swap3A_1132], %scan3A_1088#20 {strides = array<i32>} : memref<16x16xf32, #tpu.memory_space<vmem>>, vector<16xf32>,
    %swap3A_1134 = arith.constant 11 : i32
    %swap3A_1135 = arith.index_cast %swap3A_1134 : i32 to index
    %swap3A_1136 = arith.constant 0 : index
    %swap3A_1137 = tpu.vector_load %arg8[%swap3A_1135, %swap3A_1136] {strides = array<i32>} : memref<16x16xf32, #tpu.memory_space<vmem>>, vector<16xf32>,
    tpu.vector_store %arg8[%swap3A_1135, %swap3A_1136], %scan3A_1088#22 {strides = array<i32>} : memref<16x16xf32, #tpu.memory_space<vmem>>, vector<16xf32>,
    %swap3A_1138 = arith.constant 12 : i32
    %swap3A_1139 = arith.index_cast %swap3A_1138 : i32 to index
    %swap3A_1140 = arith.constant 0 : index
    %swap3A_1141 = tpu.vector_load %arg8[%swap3A_1139, %swap3A_1140] {strides = array<i32>} : memref<16x16xf32, #tpu.memory_space<vmem>>, vector<16xf32>,
    tpu.vector_store %arg8[%swap3A_1139, %swap3A_1140], %scan3A_1088#24 {strides = array<i32>} : memref<16x16xf32, #tpu.memory_space<vmem>>, vector<16xf32>,
    %swap3A_1142 = arith.constant 13 : i32
    %swap3A_1143 = arith.index_cast %swap3A_1142 : i32 to index
    %swap3A_1144 = arith.constant 0 : index
    %swap3A_1145 = tpu.vector_load %arg8[%swap3A_1143, %swap3A_1144] {strides = array<i32>} : memref<16x16xf32, #tpu.memory_space<vmem>>, vector<16xf32>,
    tpu.vector_store %arg8[%swap3A_1143, %swap3A_1144], %scan3A_1088#26 {strides = array<i32>} : memref<16x16xf32, #tpu.memory_space<vmem>>, vector<16xf32>,
    %swap3A_1146 = arith.constant 14 : i32
    %swap3A_1147 = arith.index_cast %swap3A_1146 : i32 to index
    %swap3A_1148 = arith.constant 0 : index
    %swap3A_1149 = tpu.vector_load %arg8[%swap3A_1147, %swap3A_1148] {strides = array<i32>} : memref<16x16xf32, #tpu.memory_space<vmem>>, vector<16xf32>,
    tpu.vector_store %arg8[%swap3A_1147, %swap3A_1148], %scan3A_1088#28 {strides = array<i32>} : memref<16x16xf32, #tpu.memory_space<vmem>>, vector<16xf32>,
    %swap3A_1150 = arith.constant 15 : i32
    %swap3A_1151 = arith.index_cast %swap3A_1150 : i32 to index
    %swap3A_1152 = arith.constant 0 : index
    %swap3A_1153 = tpu.vector_load %arg8[%swap3A_1151, %swap3A_1152] {strides = array<i32>} : memref<16x16xf32, #tpu.memory_space<vmem>>, vector<16xf32>,
    tpu.vector_store %arg8[%swap3A_1151, %swap3A_1152], %scan3A_1088#30 {strides = array<i32>} : memref<16x16xf32, #tpu.memory_space<vmem>>, vector<16xf32>,
    %iota3A_1154 = tpu.iota {dimensions = array<i32: 0>} : vector<16xi32>
    %broadcast_in_dim3A_1155 = arith.constant 0.000000e+00 : f32
    %broadcast_in_dim3A_1156 = vector.broadcast %broadcast_in_dim3A_1155 : f32 to vector<16xf32>
    %broadcast_in_dim3A_1157 = arith.constant 0 : i32
    %broadcast_in_dim3A_1158 = vector.broadcast %broadcast_in_dim3A_1157 : i32 to vector<16xi32>
    %gather3A_1159 = tpu.vector_load_idx %arg8[%iota3A_1154, %broadcast_in_dim3A_1158] : memref<16x16xf32, #tpu.memory_space<vmem>>[vector<16xi32>, vector<16xi32>], vector<16xf32>,
    %add3A_1160 = arith.addf %broadcast_in_dim3A_1156, %gather3A_1159 : vector<16xf32>
    %broadcast_in_dim3A_1161 = arith.constant 1 : i32
    %broadcast_in_dim3A_1162 = vector.broadcast %broadcast_in_dim3A_1161 : i32 to vector<16xi32>
    %gather3A_1163 = tpu.vector_load_idx %arg8[%iota3A_1154, %broadcast_in_dim3A_1162] : memref<16x16xf32, #tpu.memory_space<vmem>>[vector<16xi32>, vector<16xi32>], vector<16xf32>,
    %add3A_1164 = arith.addf %add3A_1160, %gather3A_1163 : vector<16xf32>
    %broadcast_in_dim3A_1165 = arith.constant 2 : i32
    %broadcast_in_dim3A_1166 = vector.broadcast %broadcast_in_dim3A_1165 : i32 to vector<16xi32>
    %gather3A_1167 = tpu.vector_load_idx %arg8[%iota3A_1154, %broadcast_in_dim3A_1166] : memref<16x16xf32, #tpu.memory_space<vmem>>[vector<16xi32>, vector<16xi32>], vector<16xf32>,
    %add3A_1168 = arith.addf %add3A_1164, %gather3A_1167 : vector<16xf32>
    %broadcast_in_dim3A_1169 = arith.constant 3 : i32
    %broadcast_in_dim3A_1170 = vector.broadcast %broadcast_in_dim3A_1169 : i32 to vector<16xi32>
    %gather3A_1171 = tpu.vector_load_idx %arg8[%iota3A_1154, %broadcast_in_dim3A_1170] : memref<16x16xf32, #tpu.memory_space<vmem>>[vector<16xi32>, vector<16xi32>], vector<16xf32>,
    %add3A_1172 = arith.addf %add3A_1168, %gather3A_1171 : vector<16xf32>
    %broadcast_in_dim3A_1173 = arith.constant 4 : i32
    %broadcast_in_dim3A_1174 = vector.broadcast %broadcast_in_dim3A_1173 : i32 to vector<16xi32>
    %gather3A_1175 = tpu.vector_load_idx %arg8[%iota3A_1154, %broadcast_in_dim3A_1174] : memref<16x16xf32, #tpu.memory_space<vmem>>[vector<16xi32>, vector<16xi32>], vector<16xf32>,
    %add3A_1176 = arith.addf %add3A_1172, %gather3A_1175 : vector<16xf32>
    %broadcast_in_dim3A_1177 = arith.constant 5 : i32
    %broadcast_in_dim3A_1178 = vector.broadcast %broadcast_in_dim3A_1177 : i32 to vector<16xi32>
    %gather3A_1179 = tpu.vector_load_idx %arg8[%iota3A_1154, %broadcast_in_dim3A_1178] : memref<16x16xf32, #tpu.memory_space<vmem>>[vector<16xi32>, vector<16xi32>], vector<16xf32>,
    %add3A_1180 = arith.addf %add3A_1176, %gather3A_1179 : vector<16xf32>
    %broadcast_in_dim3A_1181 = arith.constant 6 : i32
    %broadcast_in_dim3A_1182 = vector.broadcast %broadcast_in_dim3A_1181 : i32 to vector<16xi32>
    %gather3A_1183 = tpu.vector_load_idx %arg8[%iota3A_1154, %broadcast_in_dim3A_1182] : memref<16x16xf32, #tpu.memory_space<vmem>>[vector<16xi32>, vector<16xi32>], vector<16xf32>,
    %add3A_1184 = arith.addf %add3A_1180, %gather3A_1183 : vector<16xf32>
    %broadcast_in_dim3A_1185 = arith.constant 7 : i32
    %broadcast_in_dim3A_1186 = vector.broadcast %broadcast_in_dim3A_1185 : i32 to vector<16xi32>
    %gather3A_1187 = tpu.vector_load_idx %arg8[%iota3A_1154, %broadcast_in_dim3A_1186] : memref<16x16xf32, #tpu.memory_space<vmem>>[vector<16xi32>, vector<16xi32>], vector<16xf32>,
    %add3A_1188 = arith.addf %add3A_1184, %gather3A_1187 : vector<16xf32>
    %broadcast_in_dim3A_1189 = arith.constant 8 : i32
    %broadcast_in_dim3A_1190 = vector.broadcast %broadcast_in_dim3A_1189 : i32 to vector<16xi32>
    %gather3A_1191 = tpu.vector_load_idx %arg8[%iota3A_1154, %broadcast_in_dim3A_1190] : memref<16x16xf32, #tpu.memory_space<vmem>>[vector<16xi32>, vector<16xi32>], vector<16xf32>,
    %add3A_1192 = arith.addf %add3A_1188, %gather3A_1191 : vector<16xf32>
    %broadcast_in_dim3A_1193 = arith.constant 9 : i32
    %broadcast_in_dim3A_1194 = vector.broadcast %broadcast_in_dim3A_1193 : i32 to vector<16xi32>
    %gather3A_1195 = tpu.vector_load_idx %arg8[%iota3A_1154, %broadcast_in_dim3A_1194] : memref<16x16xf32, #tpu.memory_space<vmem>>[vector<16xi32>, vector<16xi32>], vector<16xf32>,
    %add3A_1196 = arith.addf %add3A_1192, %gather3A_1195 : vector<16xf32>
    %broadcast_in_dim3A_1197 = arith.constant 10 : i32
    %broadcast_in_dim3A_1198 = vector.broadcast %broadcast_in_dim3A_1197 : i32 to vector<16xi32>
    %gather3A_1199 = tpu.vector_load_idx %arg8[%iota3A_1154, %broadcast_in_dim3A_1198] : memref<16x16xf32, #tpu.memory_space<vmem>>[vector<16xi32>, vector<16xi32>], vector<16xf32>,
    %add3A_1200 = arith.addf %add3A_1196, %gather3A_1199 : vector<16xf32>
    %broadcast_in_dim3A_1201 = arith.constant 11 : i32
    %broadcast_in_dim3A_1202 = vector.broadcast %broadcast_in_dim3A_1201 : i32 to vector<16xi32>
    %gather3A_1203 = tpu.vector_load_idx %arg8[%iota3A_1154, %broadcast_in_dim3A_1202] : memref<16x16xf32, #tpu.memory_space<vmem>>[vector<16xi32>, vector<16xi32>], vector<16xf32>,
    %add3A_1204 = arith.addf %add3A_1200, %gather3A_1203 : vector<16xf32>
    %broadcast_in_dim3A_1205 = arith.constant 12 : i32
    %broadcast_in_dim3A_1206 = vector.broadcast %broadcast_in_dim3A_1205 : i32 to vector<16xi32>
    %gather3A_1207 = tpu.vector_load_idx %arg8[%iota3A_1154, %broadcast_in_dim3A_1206] : memref<16x16xf32, #tpu.memory_space<vmem>>[vector<16xi32>, vector<16xi32>], vector<16xf32>,
    %add3A_1208 = arith.addf %add3A_1204, %gather3A_1207 : vector<16xf32>
    %broadcast_in_dim3A_1209 = arith.constant 13 : i32
    %broadcast_in_dim3A_1210 = vector.broadcast %broadcast_in_dim3A_1209 : i32 to vector<16xi32>
    %gather3A_1211 = tpu.vector_load_idx %arg8[%iota3A_1154, %broadcast_in_dim3A_1210] : memref<16x16xf32, #tpu.memory_space<vmem>>[vector<16xi32>, vector<16xi32>], vector<16xf32>,
    %add3A_1212 = arith.addf %add3A_1208, %gather3A_1211 : vector<16xf32>
    %broadcast_in_dim3A_1213 = arith.constant 14 : i32
    %broadcast_in_dim3A_1214 = vector.broadcast %broadcast_in_dim3A_1213 : i32 to vector<16xi32>
    %gather3A_1215 = tpu.vector_load_idx %arg8[%iota3A_1154, %broadcast_in_dim3A_1214] : memref<16x16xf32, #tpu.memory_space<vmem>>[vector<16xi32>, vector<16xi32>], vector<16xf32>,
    %add3A_1216 = arith.addf %add3A_1212, %gather3A_1215 : vector<16xf32>
    %broadcast_in_dim3A_1217 = arith.constant 15 : i32
    %broadcast_in_dim3A_1218 = vector.broadcast %broadcast_in_dim3A_1217 : i32 to vector<16xi32>
    %gather3A_1219 = tpu.vector_load_idx %arg8[%iota3A_1154, %broadcast_in_dim3A_1218] : memref<16x16xf32, #tpu.memory_space<vmem>>[vector<16xi32>, vector<16xi32>], vector<16xf32>,
    %add3A_1220 = arith.addf %add3A_1216, %gather3A_1219 : vector<16xf32>
    %swap3A_1221 = arith.constant 6 : i32
    %swap3A_1222 = arith.index_cast %swap3A_1221 : i32 to index
    %swap3A_1223 = arith.constant 0 : index
    %swap3A_1224 = tpu.vector_load %arg7[%swap3A_1222, %swap3A_1223] {strides = array<i32>} : memref<8x16xf32, #tpu.memory_space<vmem>>, vector<16xf32>,
    tpu.vector_store %arg7[%swap3A_1222, %swap3A_1223], %add3A_1220 {strides = array<i32>} : memref<8x16xf32, #tpu.memory_space<vmem>>, vector<16xf32>,
    %swap3A_1225 = arith.constant 0 : i32
    %swap3A_1226 = arith.index_cast %swap3A_1225 : i32 to index
    %swap3A_1227 = arith.constant 0 : index
    %swap3A_1228 = tpu.vector_load %arg8[%swap3A_1226, %swap3A_1227] {strides = array<i32>} : memref<16x16xf32, #tpu.memory_space<vmem>>, vector<16xf32>,
    tpu.vector_store %arg8[%swap3A_1226, %swap3A_1227], %scan3A_1088#1 {strides = array<i32>} : memref<16x16xf32, #tpu.memory_space<vmem>>, vector<16xf32>,
    %swap3A_1229 = arith.constant 1 : i32
    %swap3A_1230 = arith.index_cast %swap3A_1229 : i32 to index
    %swap3A_1231 = arith.constant 0 : index
    %swap3A_1232 = tpu.vector_load %arg8[%swap3A_1230, %swap3A_1231] {strides = array<i32>} : memref<16x16xf32, #tpu.memory_space<vmem>>, vector<16xf32>,
    tpu.vector_store %arg8[%swap3A_1230, %swap3A_1231], %scan3A_1088#3 {strides = array<i32>} : memref<16x16xf32, #tpu.memory_space<vmem>>, vector<16xf32>,
    %swap3A_1233 = arith.constant 2 : i32
    %swap3A_1234 = arith.index_cast %swap3A_1233 : i32 to index
    %swap3A_1235 = arith.constant 0 : index
    %swap3A_1236 = tpu.vector_load %arg8[%swap3A_1234, %swap3A_1235] {strides = array<i32>} : memref<16x16xf32, #tpu.memory_space<vmem>>, vector<16xf32>,
    tpu.vector_store %arg8[%swap3A_1234, %swap3A_1235], %scan3A_1088#5 {strides = array<i32>} : memref<16x16xf32, #tpu.memory_space<vmem>>, vector<16xf32>,
    %swap3A_1237 = arith.constant 3 : i32
    %swap3A_1238 = arith.index_cast %swap3A_1237 : i32 to index
    %swap3A_1239 = arith.constant 0 : index
    %swap3A_1240 = tpu.vector_load %arg8[%swap3A_1238, %swap3A_1239] {strides = array<i32>} : memref<16x16xf32, #tpu.memory_space<vmem>>, vector<16xf32>,
    tpu.vector_store %arg8[%swap3A_1238, %swap3A_1239], %scan3A_1088#7 {strides = array<i32>} : memref<16x16xf32, #tpu.memory_space<vmem>>, vector<16xf32>,
    %swap3A_1241 = arith.constant 4 : i32
    %swap3A_1242 = arith.index_cast %swap3A_1241 : i32 to index
    %swap3A_1243 = arith.constant 0 : index
    %swap3A_1244 = tpu.vector_load %arg8[%swap3A_1242, %swap3A_1243] {strides = array<i32>} : memref<16x16xf32, #tpu.memory_space<vmem>>, vector<16xf32>,
    tpu.vector_store %arg8[%swap3A_1242, %swap3A_1243], %scan3A_1088#9 {strides = array<i32>} : memref<16x16xf32, #tpu.memory_space<vmem>>, vector<16xf32>,
    %swap3A_1245 = arith.constant 5 : i32
    %swap3A_1246 = arith.index_cast %swap3A_1245 : i32 to index
    %swap3A_1247 = arith.constant 0 : index
    %swap3A_1248 = tpu.vector_load %arg8[%swap3A_1246, %swap3A_1247] {strides = array<i32>} : memref<16x16xf32, #tpu.memory_space<vmem>>, vector<16xf32>,
    tpu.vector_store %arg8[%swap3A_1246, %swap3A_1247], %scan3A_1088#11 {strides = array<i32>} : memref<16x16xf32, #tpu.memory_space<vmem>>, vector<16xf32>,
    %swap3A_1249 = arith.constant 6 : i32
    %swap3A_1250 = arith.index_cast %swap3A_1249 : i32 to index
    %swap3A_1251 = arith.constant 0 : index
    %swap3A_1252 = tpu.vector_load %arg8[%swap3A_1250, %swap3A_1251] {strides = array<i32>} : memref<16x16xf32, #tpu.memory_space<vmem>>, vector<16xf32>,
    tpu.vector_store %arg8[%swap3A_1250, %swap3A_1251], %scan3A_1088#13 {strides = array<i32>} : memref<16x16xf32, #tpu.memory_space<vmem>>, vector<16xf32>,
    %swap3A_1253 = arith.constant 7 : i32
    %swap3A_1254 = arith.index_cast %swap3A_1253 : i32 to index
    %swap3A_1255 = arith.constant 0 : index
    %swap3A_1256 = tpu.vector_load %arg8[%swap3A_1254, %swap3A_1255] {strides = array<i32>} : memref<16x16xf32, #tpu.memory_space<vmem>>, vector<16xf32>,
    tpu.vector_store %arg8[%swap3A_1254, %swap3A_1255], %scan3A_1088#15 {strides = array<i32>} : memref<16x16xf32, #tpu.memory_space<vmem>>, vector<16xf32>,
    %swap3A_1257 = arith.constant 8 : i32
    %swap3A_1258 = arith.index_cast %swap3A_1257 : i32 to index
    %swap3A_1259 = arith.constant 0 : index
    %swap3A_1260 = tpu.vector_load %arg8[%swap3A_1258, %swap3A_1259] {strides = array<i32>} : memref<16x16xf32, #tpu.memory_space<vmem>>, vector<16xf32>,
    tpu.vector_store %arg8[%swap3A_1258, %swap3A_1259], %scan3A_1088#17 {strides = array<i32>} : memref<16x16xf32, #tpu.memory_space<vmem>>, vector<16xf32>,
    %swap3A_1261 = arith.constant 9 : i32
    %swap3A_1262 = arith.index_cast %swap3A_1261 : i32 to index
    %swap3A_1263 = arith.constant 0 : index
    %swap3A_1264 = tpu.vector_load %arg8[%swap3A_1262, %swap3A_1263] {strides = array<i32>} : memref<16x16xf32, #tpu.memory_space<vmem>>, vector<16xf32>,
    tpu.vector_store %arg8[%swap3A_1262, %swap3A_1263], %scan3A_1088#19 {strides = array<i32>} : memref<16x16xf32, #tpu.memory_space<vmem>>, vector<16xf32>,
    %swap3A_1265 = arith.constant 10 : i32
    %swap3A_1266 = arith.index_cast %swap3A_1265 : i32 to index
    %swap3A_1267 = arith.constant 0 : index
    %swap3A_1268 = tpu.vector_load %arg8[%swap3A_1266, %swap3A_1267] {strides = array<i32>} : memref<16x16xf32, #tpu.memory_space<vmem>>, vector<16xf32>,
    tpu.vector_store %arg8[%swap3A_1266, %swap3A_1267], %scan3A_1088#21 {strides = array<i32>} : memref<16x16xf32, #tpu.memory_space<vmem>>, vector<16xf32>,
    %swap3A_1269 = arith.constant 11 : i32
    %swap3A_1270 = arith.index_cast %swap3A_1269 : i32 to index
    %swap3A_1271 = arith.constant 0 : index
    %swap3A_1272 = tpu.vector_load %arg8[%swap3A_1270, %swap3A_1271] {strides = array<i32>} : memref<16x16xf32, #tpu.memory_space<vmem>>, vector<16xf32>,
    tpu.vector_store %arg8[%swap3A_1270, %swap3A_1271], %scan3A_1088#23 {strides = array<i32>} : memref<16x16xf32, #tpu.memory_space<vmem>>, vector<16xf32>,
    %swap3A_1273 = arith.constant 12 : i32
    %swap3A_1274 = arith.index_cast %swap3A_1273 : i32 to index
    %swap3A_1275 = arith.constant 0 : index
    %swap3A_1276 = tpu.vector_load %arg8[%swap3A_1274, %swap3A_1275] {strides = array<i32>} : memref<16x16xf32, #tpu.memory_space<vmem>>, vector<16xf32>,
    tpu.vector_store %arg8[%swap3A_1274, %swap3A_1275], %scan3A_1088#25 {strides = array<i32>} : memref<16x16xf32, #tpu.memory_space<vmem>>, vector<16xf32>,
    %swap3A_1277 = arith.constant 13 : i32
    %swap3A_1278 = arith.index_cast %swap3A_1277 : i32 to index
    %swap3A_1279 = arith.constant 0 : index
    %swap3A_1280 = tpu.vector_load %arg8[%swap3A_1278, %swap3A_1279] {strides = array<i32>} : memref<16x16xf32, #tpu.memory_space<vmem>>, vector<16xf32>,
    tpu.vector_store %arg8[%swap3A_1278, %swap3A_1279], %scan3A_1088#27 {strides = array<i32>} : memref<16x16xf32, #tpu.memory_space<vmem>>, vector<16xf32>,
    %swap3A_1281 = arith.constant 14 : i32
    %swap3A_1282 = arith.index_cast %swap3A_1281 : i32 to index
    %swap3A_1283 = arith.constant 0 : index
    %swap3A_1284 = tpu.vector_load %arg8[%swap3A_1282, %swap3A_1283] {strides = array<i32>} : memref<16x16xf32, #tpu.memory_space<vmem>>, vector<16xf32>,
    tpu.vector_store %arg8[%swap3A_1282, %swap3A_1283], %scan3A_1088#29 {strides = array<i32>} : memref<16x16xf32, #tpu.memory_space<vmem>>, vector<16xf32>,
    %swap3A_1285 = arith.constant 15 : i32
    %swap3A_1286 = arith.index_cast %swap3A_1285 : i32 to index
    %swap3A_1287 = arith.constant 0 : index
    %swap3A_1288 = tpu.vector_load %arg8[%swap3A_1286, %swap3A_1287] {strides = array<i32>} : memref<16x16xf32, #tpu.memory_space<vmem>>, vector<16xf32>,
    tpu.vector_store %arg8[%swap3A_1286, %swap3A_1287], %scan3A_1088#31 {strides = array<i32>} : memref<16x16xf32, #tpu.memory_space<vmem>>, vector<16xf32>,
    %iota3A_1289 = tpu.iota {dimensions = array<i32: 0>} : vector<16xi32>
    %broadcast_in_dim3A_1290 = arith.constant 0.000000e+00 : f32
    %broadcast_in_dim3A_1291 = vector.broadcast %broadcast_in_dim3A_1290 : f32 to vector<16xf32>
    %broadcast_in_dim3A_1292 = arith.constant 0 : i32
    %broadcast_in_dim3A_1293 = vector.broadcast %broadcast_in_dim3A_1292 : i32 to vector<16xi32>
    %gather3A_1294 = tpu.vector_load_idx %arg8[%iota3A_1289, %broadcast_in_dim3A_1293] : memref<16x16xf32, #tpu.memory_space<vmem>>[vector<16xi32>, vector<16xi32>], vector<16xf32>,
    %add3A_1295 = arith.addf %broadcast_in_dim3A_1291, %gather3A_1294 : vector<16xf32>
    %broadcast_in_dim3A_1296 = arith.constant 1 : i32
    %broadcast_in_dim3A_1297 = vector.broadcast %broadcast_in_dim3A_1296 : i32 to vector<16xi32>
    %gather3A_1298 = tpu.vector_load_idx %arg8[%iota3A_1289, %broadcast_in_dim3A_1297] : memref<16x16xf32, #tpu.memory_space<vmem>>[vector<16xi32>, vector<16xi32>], vector<16xf32>,
    %add3A_1299 = arith.addf %add3A_1295, %gather3A_1298 : vector<16xf32>
    %broadcast_in_dim3A_1300 = arith.constant 2 : i32
    %broadcast_in_dim3A_1301 = vector.broadcast %broadcast_in_dim3A_1300 : i32 to vector<16xi32>
    %gather3A_1302 = tpu.vector_load_idx %arg8[%iota3A_1289, %broadcast_in_dim3A_1301] : memref<16x16xf32, #tpu.memory_space<vmem>>[vector<16xi32>, vector<16xi32>], vector<16xf32>,
    %add3A_1303 = arith.addf %add3A_1299, %gather3A_1302 : vector<16xf32>
    %broadcast_in_dim3A_1304 = arith.constant 3 : i32
    %broadcast_in_dim3A_1305 = vector.broadcast %broadcast_in_dim3A_1304 : i32 to vector<16xi32>
    %gather3A_1306 = tpu.vector_load_idx %arg8[%iota3A_1289, %broadcast_in_dim3A_1305] : memref<16x16xf32, #tpu.memory_space<vmem>>[vector<16xi32>, vector<16xi32>], vector<16xf32>,
    %add3A_1307 = arith.addf %add3A_1303, %gather3A_1306 : vector<16xf32>
    %broadcast_in_dim3A_1308 = arith.constant 4 : i32
    %broadcast_in_dim3A_1309 = vector.broadcast %broadcast_in_dim3A_1308 : i32 to vector<16xi32>
    %gather3A_1310 = tpu.vector_load_idx %arg8[%iota3A_1289, %broadcast_in_dim3A_1309] : memref<16x16xf32, #tpu.memory_space<vmem>>[vector<16xi32>, vector<16xi32>], vector<16xf32>,
    %add3A_1311 = arith.addf %add3A_1307, %gather3A_1310 : vector<16xf32>
    %broadcast_in_dim3A_1312 = arith.constant 5 : i32
    %broadcast_in_dim3A_1313 = vector.broadcast %broadcast_in_dim3A_1312 : i32 to vector<16xi32>
    %gather3A_1314 = tpu.vector_load_idx %arg8[%iota3A_1289, %broadcast_in_dim3A_1313] : memref<16x16xf32, #tpu.memory_space<vmem>>[vector<16xi32>, vector<16xi32>], vector<16xf32>,
    %add3A_1315 = arith.addf %add3A_1311, %gather3A_1314 : vector<16xf32>
    %broadcast_in_dim3A_1316 = arith.constant 6 : i32
    %broadcast_in_dim3A_1317 = vector.broadcast %broadcast_in_dim3A_1316 : i32 to vector<16xi32>
    %gather3A_1318 = tpu.vector_load_idx %arg8[%iota3A_1289, %broadcast_in_dim3A_1317] : memref<16x16xf32, #tpu.memory_space<vmem>>[vector<16xi32>, vector<16xi32>], vector<16xf32>,
    %add3A_1319 = arith.addf %add3A_1315, %gather3A_1318 : vector<16xf32>
    %broadcast_in_dim3A_1320 = arith.constant 7 : i32
    %broadcast_in_dim3A_1321 = vector.broadcast %broadcast_in_dim3A_1320 : i32 to vector<16xi32>
    %gather3A_1322 = tpu.vector_load_idx %arg8[%iota3A_1289, %broadcast_in_dim3A_1321] : memref<16x16xf32, #tpu.memory_space<vmem>>[vector<16xi32>, vector<16xi32>], vector<16xf32>,
    %add3A_1323 = arith.addf %add3A_1319, %gather3A_1322 : vector<16xf32>
    %broadcast_in_dim3A_1324 = arith.constant 8 : i32
    %broadcast_in_dim3A_1325 = vector.broadcast %broadcast_in_dim3A_1324 : i32 to vector<16xi32>
    %gather3A_1326 = tpu.vector_load_idx %arg8[%iota3A_1289, %broadcast_in_dim3A_1325] : memref<16x16xf32, #tpu.memory_space<vmem>>[vector<16xi32>, vector<16xi32>], vector<16xf32>,
    %add3A_1327 = arith.addf %add3A_1323, %gather3A_1326 : vector<16xf32>
    %broadcast_in_dim3A_1328 = arith.constant 9 : i32
    %broadcast_in_dim3A_1329 = vector.broadcast %broadcast_in_dim3A_1328 : i32 to vector<16xi32>
    %gather3A_1330 = tpu.vector_load_idx %arg8[%iota3A_1289, %broadcast_in_dim3A_1329] : memref<16x16xf32, #tpu.memory_space<vmem>>[vector<16xi32>, vector<16xi32>], vector<16xf32>,
    %add3A_1331 = arith.addf %add3A_1327, %gather3A_1330 : vector<16xf32>
    %broadcast_in_dim3A_1332 = arith.constant 10 : i32
    %broadcast_in_dim3A_1333 = vector.broadcast %broadcast_in_dim3A_1332 : i32 to vector<16xi32>
    %gather3A_1334 = tpu.vector_load_idx %arg8[%iota3A_1289, %broadcast_in_dim3A_1333] : memref<16x16xf32, #tpu.memory_space<vmem>>[vector<16xi32>, vector<16xi32>], vector<16xf32>,
    %add3A_1335 = arith.addf %add3A_1331, %gather3A_1334 : vector<16xf32>
    %broadcast_in_dim3A_1336 = arith.constant 11 : i32
    %broadcast_in_dim3A_1337 = vector.broadcast %broadcast_in_dim3A_1336 : i32 to vector<16xi32>
    %gather3A_1338 = tpu.vector_load_idx %arg8[%iota3A_1289, %broadcast_in_dim3A_1337] : memref<16x16xf32, #tpu.memory_space<vmem>>[vector<16xi32>, vector<16xi32>], vector<16xf32>,
    %add3A_1339 = arith.addf %add3A_1335, %gather3A_1338 : vector<16xf32>
    %broadcast_in_dim3A_1340 = arith.constant 12 : i32
    %broadcast_in_dim3A_1341 = vector.broadcast %broadcast_in_dim3A_1340 : i32 to vector<16xi32>
    %gather3A_1342 = tpu.vector_load_idx %arg8[%iota3A_1289, %broadcast_in_dim3A_1341] : memref<16x16xf32, #tpu.memory_space<vmem>>[vector<16xi32>, vector<16xi32>], vector<16xf32>,
    %add3A_1343 = arith.addf %add3A_1339, %gather3A_1342 : vector<16xf32>
    %broadcast_in_dim3A_1344 = arith.constant 13 : i32
    %broadcast_in_dim3A_1345 = vector.broadcast %broadcast_in_dim3A_1344 : i32 to vector<16xi32>
    %gather3A_1346 = tpu.vector_load_idx %arg8[%iota3A_1289, %broadcast_in_dim3A_1345] : memref<16x16xf32, #tpu.memory_space<vmem>>[vector<16xi32>, vector<16xi32>], vector<16xf32>,
    %add3A_1347 = arith.addf %add3A_1343, %gather3A_1346 : vector<16xf32>
    %broadcast_in_dim3A_1348 = arith.constant 14 : i32
    %broadcast_in_dim3A_1349 = vector.broadcast %broadcast_in_dim3A_1348 : i32 to vector<16xi32>
    %gather3A_1350 = tpu.vector_load_idx %arg8[%iota3A_1289, %broadcast_in_dim3A_1349] : memref<16x16xf32, #tpu.memory_space<vmem>>[vector<16xi32>, vector<16xi32>], vector<16xf32>,
    %add3A_1351 = arith.addf %add3A_1347, %gather3A_1350 : vector<16xf32>
    %broadcast_in_dim3A_1352 = arith.constant 15 : i32
    %broadcast_in_dim3A_1353 = vector.broadcast %broadcast_in_dim3A_1352 : i32 to vector<16xi32>
    %gather3A_1354 = tpu.vector_load_idx %arg8[%iota3A_1289, %broadcast_in_dim3A_1353] : memref<16x16xf32, #tpu.memory_space<vmem>>[vector<16xi32>, vector<16xi32>], vector<16xf32>,
    %add3A_1355 = arith.addf %add3A_1351, %gather3A_1354 : vector<16xf32>
    %swap3A_1356 = arith.constant 7 : i32
    %swap3A_1357 = arith.index_cast %swap3A_1356 : i32 to index
    %swap3A_1358 = arith.constant 0 : index
    %swap3A_1359 = tpu.vector_load %arg7[%swap3A_1357, %swap3A_1358] {strides = array<i32>} : memref<8x16xf32, #tpu.memory_space<vmem>>, vector<16xf32>,
    tpu.vector_store %arg7[%swap3A_1357, %swap3A_1358], %add3A_1355 {strides = array<i32>} : memref<8x16xf32, #tpu.memory_space<vmem>>, vector<16xf32>,
    "tpu.region"() ({
      %run_scoped3A = tpu.sem_alloc : memref<!tpu.dma_semaphore, #tpu.memory_space<semaphore_mem>>
      %dma_start3A = arith.constant 0 : i32
      %dma_start3A_1360 = tpu.memref_slice %arg4[%mul3A_2, %dma_start3A] : memref<256x16xf32, #tpu.memory_space<hbm>> -> memref<8x16xf32, #tpu.memory_space<hbm>>
      %dma_start3A_1361 = arith.constant 0 : i32
      %dma_start3A_1362 = tpu.memref_slice %arg4[%mul3A_2, %dma_start3A_1361] : memref<256x16xf32, #tpu.memory_space<hbm>> -> memref<8x16xf32, #tpu.memory_space<hbm>>
      tpu.enqueue_dma source(%arg7 : memref<8x16xf32, #tpu.memory_space<vmem>>) target(%dma_start3A_1362 : memref<8x16xf32, #tpu.memory_space<hbm>>) target_semaphore(%run_scoped3A : memref<!tpu.dma_semaphore, #tpu.memory_space<semaphore_mem>>)
      %dma_wait3A = arith.constant 0 : i32
      %dma_wait3A_1363 = tpu.memref_slice %arg4[%mul3A_2, %dma_wait3A] : memref<256x16xf32, #tpu.memory_space<hbm>> -> memref<8x16xf32, #tpu.memory_space<hbm>>
      %dma_wait3A_1364 = arith.constant 0 : i32
      %dma_wait3A_1365 = tpu.memref_slice %arg4[%mul3A_2, %dma_wait3A_1364] : memref<256x16xf32, #tpu.memory_space<hbm>> -> memref<8x16xf32, #tpu.memory_space<hbm>>
      tpu.wait_dma2 semaphore(%run_scoped3A : memref<!tpu.dma_semaphore, #tpu.memory_space<semaphore_mem>>) src(%arg7 : memref<8x16xf32, #tpu.memory_space<vmem>>) dst(%dma_wait3A_1365 : memref<8x16xf32, #tpu.memory_space<hbm>>)
      tpu.yield
    }) : () -> ()
    return
  }
}

module attributes {stable_mosaic.version = 14 : i64} {
  func.func @_mm_kernel(%arg0: i32, %arg1: memref<896x2048xf32, #tpu.memory_space<vmem>>, %arg2: memref<2048x16xf32, #tpu.memory_space<vmem>>, %arg3: memref<896x16xf32, #tpu.memory_space<vmem>>) attributes {dimension_semantics = [#tpu.dimension_semantics<arbitrary>], iteration_bounds = array<i64: 2>, scalar_prefetch = 0 : i64, scratch_operands = 0 : i64, tpu.core_type = #tpu.core_type<tc>, window_params = [{transform_indices = @transform_0, window_bounds = array<i64: 896, 2048>}, {pipeline_mode = #tpu.pipeline_mode<synchronous>, transform_indices = @transform_1, window_bounds = array<i64: 2048, 16>}, {transform_indices = @transform_2, window_bounds = array<i64: 896, 16>}]} {
    %get3A = arith.constant 0 : index
    %get3A_0 = arith.constant 0 : index
    %get3A_1 = vector.load %arg1[%get3A, %get3A_0] : memref<896x2048xf32, #tpu.memory_space<vmem>>, vector<896x2048xf32>
    %get3A_2 = arith.constant 0 : index
    %get3A_3 = arith.constant 0 : index
    %get3A_4 = vector.load %arg2[%get3A_2, %get3A_3] : memref<2048x16xf32, #tpu.memory_space<vmem>>, vector<2048x16xf32>
    %dot_general3A = arith.constant dense<0.000000e+00> : vector<896x16xf32>
    %dot_general3A_5 = tpu.matmul %get3A_1, %get3A_4, %dot_general3A {dimension_numbers = #tpu.dot_dimension_numbers<[1], [0], [0], [1], [0, 0, 1, 1], [], []>, transpose_lhs_hint = false} : vector<896x2048xf32>, vector<2048x16xf32>, vector<896x16xf32> -> vector<896x16xf32>
    %swap3A = arith.constant 0 : index
    %swap3A_6 = arith.constant 0 : index
    %swap3A_7 = vector.load %arg3[%swap3A, %swap3A_6] : memref<896x16xf32, #tpu.memory_space<vmem>>, vector<896x16xf32>
    tpu.vector_store %arg3[%swap3A, %swap3A_6], %dot_general3A_5 {strides = array<i32>} : memref<896x16xf32, #tpu.memory_space<vmem>>, vector<896x16xf32>,
    return
  }
  func.func @transform_0(%arg0: i32) -> (i32, i32) {
    %c0_i32 = arith.constant 0 : i32
    %c0_i32_0 = arith.constant 0 : i32
    return %arg0, %c0_i32 : i32, i32
  }
  func.func @transform_1(%arg0: i32) -> (i32, i32) {
    %c0_i32 = arith.constant 0 : i32
    %c0_i32_0 = arith.constant 0 : i32
    %c0_i32_1 = arith.constant 0 : i32
    return %c0_i32, %c0_i32_0 : i32, i32
  }
  func.func @transform_2(%arg0: i32) -> (i32, i32) {
    %c0_i32 = arith.constant 0 : i32
    %c0_i32_0 = arith.constant 0 : i32
    return %arg0, %c0_i32 : i32, i32
  }
}

</mosaic_0001>

<sc_bundles>
// kernel: kernel.4.cloned.1.call-start
scs
__scs_entry_jumppad:
0x0: {  	(pc) =	sbr.rel $0x88, $3  }
0x1: {  	(tag) =	ssettag $0x0;
	lr =	simm.s32 $0x1  }
0x2: {  	[smem:$0x3F9F] =	sst lr;
	_ =	strace $0xD0000000  }
0x3: {  	_ = 	snop  }
0x4: {  	_ = 	snop  }
0x5: {  	_ = 	snop  }
0x6: {  	_ = 	snop  }
0x7: {  	_ = 	snop  }
__scs_overlays_trampoline_lowered:
0x8: {  	[smem:$0x3FAE] =	sst s0  }
0x9: {  	[smem:$0x3FAF] =	sst s1  }
0xa: {  	[smem:$0x3FB0] =	sst s2  }
0xb: {  	[smem:$0x3FB1] =	sst s3  }
0xc: {  	[smem:$0x3FB2] =	sst s4  }
0xd: {  	[smem:$0x3FB3] =	sst s5  }
0xe: {  	[smem:$0x3FB4] =	sst s6  }
0xf: {  	[smem:$0x3FB5] =	sst s7  }
0x10: {  	[smem:$0x3FB6] =	sst s8  }
0x11: {  	[smem:$0x3FB7] =	sst s9;
	s0 =	simm.s32 @!p0 $0x0  }
0x12: {  	s1 =	sld [smem:$0x3F9D];
	s0 =	simm.s32 @p0 $0x1  }
0x13: {  	[smem:$0x3FB8] =	sst s0;
	s0 =	simm.s32 @!p1 $0x0  }
0x14: {  	s2 =	sld [smem:$0x3F9C];
	s0 =	simm.s32 @p1 $0x1  }
0x15: {  	[smem:$0x3FB9] =	sst s0;
	s0 =	simm.s32 @!p2 $0x0  }
0x16: {  	s3 =	sld [smem:$0x3FDB];
	s0 =	simm.s32 @p2 $0x1  }
0x17: {  	s4 =	simm.s32 $0x1BF5;
	[smem:$0x3FBB] =	sst s0  }
0x18: {  	s0 =	sld [smem:$0x3F9E];
	_ =	swait.ge [sflag:s4], $0x0  }
0x19: {  	s7 =	sld [smem:$0x3F9F]  }
0x1a: {  	s8 =	sadd.s32 $0xFFFFE003, lr  }
0x1b: {  	s9 =	sadd.s32 $0xFFFFFEF7, lr;
	s5 =	simm.s32 $0xFFFFFFFF;
	p2 =	slt.u32 s8, $0xFFFFF086  }
0x1c: {  	p1 =	slt.u32 s9, $0xF7A;
	s5 =	simm.s32 @!p2 $0x0  }
0x1d: {  	s5 =	simm.s32 @p1 $0x1;
	p0 =	seq.s32 s7, s2  }
0x1e: {  	s7 =	smul.u32 @!p0 $0xF7A, s2;
	p2 =	seq.s32 @!p0 s5, $0x0  }
0x1f: {  	s9 =	smul.u32 $0xF7A, s1;
	s8 =	simm.s32 @!p0 $0x1BF5;
	p2 =	por !p2, p0  }
0x20: {  	[sflag:s8] =	ssyncset.s32 @!p0 $0xFFFFF086;
	s6 =	sadd.s32 @!p0 s3, s7;
	s7 =	simm.s32 @!p0 $0x108  }
0x21: {  	s3 =	sadd.s32 s3, s9;
	s6 =	sadd.s32 @!p0 $0x88, s6;
	s7 =	simm.s32 @p2 $0x1082  }
0x22: {  	[simem:s7], [sflag:s8] =	dma.local @!p0 [hbm:s6], $0xF7A  }
0x23: {  	s9 =	sor.u32 $0xD0000000, s2;
	s6 =	simm.s32 $0x108;
	_ =	swait.ge @!p0 [sflag:s8], $0x0  }
0x24: {  	s3 =	sadd.s32 $0x88, s3;
	s6 =	simm.s32 @!p1 $0x1082;
	[sflag:s4] =	ssyncset.s32 $0xFFFFF086  }
0x25: {  	[simem:s6], [sflag:s4] =	dma.local [hbm:s3], $0xF7A  }
0x26: {  	[smem:$0x3F9F] =	sst s1;
	(tag) =	ssettag s2;
	_ =	strace s9  }
0x27: {  	s1 =	sld [smem:$0x3FAF]  }
0x28: {  	s2 =	sld [smem:$0x3FB0]  }
0x29: {  	s4 =	sld [smem:$0x3FB2]  }
0x2a: {  	p0 =	seq.s32 s5, $0x0;
	s5 =	sld [smem:$0x3FB3]  }
0x2b: {  	s6 =	sld [smem:$0x3FB4]  }
0x2c: {  	s7 =	sld [smem:$0x3FB5]  }
0x2d: {  	s3 =	simm.s32 $0x108;
	s8 =	sld [smem:$0x3FB6]  }
0x2e: {  	s3 =	simm.s32 @!p0 $0x1082;
	s9 =	sld [smem:$0x3FB7]  }
0x2f: {  	lr =	sadd.s32 s0, s3;
	s0 =	sld [smem:$0x3FAE]  }
0x30: {  	s3 =	sld [smem:$0x3FB1]  }
0x31: {  	[smem:$0x3FBA] =	sst s10  }
0x32: {  	s10 =	sld [smem:$0x3FB8];
	_ =	sdelay $0x3  }
0x33: {  	p0 =	seq.s32 s10, $0x1;
	s10 =	sld [smem:$0x3FBA];
	_ =	sdelay $0x3  }
0x34: {  	[smem:$0x3FBA] =	sst s10  }
0x35: {  	s10 =	sld [smem:$0x3FB9];
	_ =	sdelay $0x3  }
0x36: {  	p1 =	seq.s32 s10, $0x1;
	s10 =	sld [smem:$0x3FBA];
	_ =	sdelay $0x3  }
0x37: {  	[smem:$0x3FBA] =	sst s10  }
0x38: {  	s10 =	sld [smem:$0x3FBB]  }
0x39: {  	_ = 	snop;
	(pc) =	sbr.ind lr, $3  }
0x3a: {  	_ = 	snop  }
0x3b: {  	_ = 	snop  }
0x3c: {  	p2 =	seq.s32 s10, $0x1;
	s10 =	sld [smem:$0x3FBA]  }
0x3d: {  	_ =	shalt  }
0x3e: {  	_ =	shalt  }
0x3f: {  	_ =	shalt  }
0x40: {  	_ =	shalt  }
0x41: {  	_ =	shalt  }
0x42: {  	_ =	shalt  }
0x43: {  	_ =	shalt  }
0x44: {  	_ =	shalt  }
0x45: {  	_ =	shalt  }
0x46: {  	_ =	shalt  }
0x47: {  	_ =	shalt  }
0x48: {  	_ =	shalt  }
0x49: {  	_ =	shalt  }
0x4a: {  	_ =	shalt  }
0x4b: {  	_ =	shalt  }
0x4c: {  	_ =	shalt  }
0x4d: {  	_ =	shalt  }
0x4e: {  	_ =	shalt  }
0x4f: {  	_ =	shalt  }
0x50: {  	_ =	shalt  }
0x51: {  	_ =	shalt  }
0x52: {  	_ =	shalt  }
0x53: {  	_ =	shalt  }
0x54: {  	_ =	shalt  }
0x55: {  	_ =	shalt  }
0x56: {  	_ =	shalt  }
0x57: {  	_ =	shalt  }
0x58: {  	_ =	shalt  }
0x59: {  	_ =	shalt  }
0x5a: {  	_ =	shalt  }
0x5b: {  	_ =	shalt  }
0x5c: {  	_ =	shalt  }
0x5d: {  	_ =	shalt  }
0x5e: {  	_ =	shalt  }
0x5f: {  	_ =	shalt  }
0x60: {  	_ =	shalt  }
0x61: {  	_ =	shalt  }
0x62: {  	_ =	shalt  }
0x63: {  	_ =	shalt  }
0x64: {  	_ =	shalt  }
0x65: {  	_ =	shalt  }
0x66: {  	_ =	shalt  }
0x67: {  	_ =	shalt  }
0x68: {  	_ =	shalt  }
0x69: {  	_ =	shalt  }
0x6a: {  	_ =	shalt  }
0x6b: {  	_ =	shalt  }
0x6c: {  	_ =	shalt  }
0x6d: {  	_ =	shalt  }
0x6e: {  	_ =	shalt  }
0x6f: {  	_ =	shalt  }
0x70: {  	_ =	shalt  }
0x71: {  	_ =	shalt  }
0x72: {  	_ =	shalt  }
0x73: {  	_ =	shalt  }
0x74: {  	_ =	shalt  }
0x75: {  	_ =	shalt  }
0x76: {  	_ =	shalt  }
0x77: {  	_ =	shalt  }
0x78: {  	_ =	shalt  }
0x79: {  	_ =	shalt  }
0x7a: {  	_ =	shalt  }
0x7b: {  	_ =	shalt  }
0x7c: {  	_ =	shalt  }
0x7d: {  	_ =	shalt  }
0x7e: {  	_ =	shalt  }
0x7f: {  	_ =	shalt  }
0x80: {  	_ =	shalt  }
0x81: {  	_ =	shalt  }
0x82: {  	_ =	shalt  }
0x83: {  	_ =	shalt  }
0x84: {  	_ =	shalt  }
0x85: {  	_ =	shalt  }
0x86: {  	_ =	shalt  }
0x87: {  	_ =	shalt  }
.Lfunc_end0:
.L_simem_size_0:
called_computation_lowered:
.L_overlay_start_0:
0x88: {  	s2 =	sld [smem:$0x3FD9]  }
0x89: {  	s3 =	sld [smem:$0x3FFE];
	_ =	sdelay $0x1  }
0x8a: {  	s1 =	srdreg.scid  }
0x8b: {  	s0 =	sand.u32 $0x1, s1  }
0x8c: {  	s18 =	sshll.u32 s0, $0xA;
	s2 =	sadd.s32 s3, s2  }
0x8d: {  	s2 =	sadd.s32 s2, s18  }
0x8e: {  	[smem:$0x3FC6] =	sst s2  }
0x8f: {  	_ = 	snop  }
0x90: {  	s2 =	sld [smem:$0x3FC9]  }
0x91: {  	s19 =	sld [smem:$0x3FC8]  }
0x92: {  	s4 =	sld [smem:$0x3FD0];
	(tm) =	ssettm $0x1  }
0x93: {  	s5 =	sld [smem:$0x3FFB];
	_ =	sdelay $0x3  }
0x94: {  	_ =	strace s5  }
0x95: {  	s5 =	sld [smem:$0x3FFC];
	_ =	sdelay $0x3  }
0x96: {  	_ =	strace s5  }
0x97: {  	s5 =	sld [smem:$0x3FFD];
	_ =	sdelay $0x3  }
0x98: {  	_ =	strace s5  }
0x99: {  	_ =	strace $0x8FFFFFFF  }
0x9a: {  	s20 =	sld [smem:$0x3FDB];
	_ =	sdelay $0x1  }
0x9b: {  	s6 =	simm.s32 $_scs_section_size  }
0x9c: {  	s7 =	simm.s32 $_size__tile_overlayer_lowered;
	s8 =	simm.s32 $_tile_overlayer_lowered  }
0x9d: {  	s23 =	simm.s32 $0x1BFF;
	s22 =	sshll.u32 s8, $0x1;
	s5 =	sadd.s32 s6, s20  }
0x9e: {  	s9 =	simm.s32 $0x0;
	s21 =	sshll.u32 s7, $0x1;
	s7 =	sadd.s32 s22, s5  }
0x9f: {  	[timem:s9], [sflag:s23] =	dma.local [hbm:s7], s21  }
0xa0: {  	_ =	swait.ge [sflag:s23], s21  }
0xa1: {  	s6 =	ssub.s32 $0x0, s21;
	[sflag:s23] =	ssyncset.done $0x0  }
0xa2: {  	[sflag:s23] =	ssyncadd.s32 s6;
	_ =	sdelay $0x1  }
0xa3: {  	s24 =	simm.s32 $0x1B8B  }
0xa4: {  	_ =	swait.ge [sflag:s24], $0x1  }
0xa5: {  	[sflag:s24] =	ssyncset.done $0x0  }
0xa6: {  	s25 =	simm.s32 $0x1B8E;
	[sflag:s24] =	ssyncadd.s32 $0xFFFFFFFF  }
0xa7: {  	s26 =	simm.s32 $execute0_lowered;
	[smem:$0x3FD2] =	sst s25  }
0xa8: {  	s6 =	sshll.u32 s26, $0x1;
	_ =	strace $0x80000046;
	[dreg:$0x1] =	wrdreg $0xFFFFFFFF  }
0xa9: {  	s28 =	simm.s32 $_size_execute0_lowered;
	s5 =	sadd.s32 s5, s6;
	[dreg:$0x0] =	wrdreg $0x0  }
0xaa: {  	s6 =	sshll.u32 s28, $0x1;
	[dreg:$0x2] =	wrdreg s5  }
0xab: {  	[dreg:$0x3] =	wrdreg s6  }
0xac: {  	[dreg:$0x4] =	wrdreg $0xC0  }
0xad: {  	_ =	task [dreg:s9], $0x5FFFF  }
0xae: {  	[dreg:$0x1] =	wrdreg $0xFFFFFFFF  }
0xaf: {  	[dreg:$0x0] =	wrdreg $0x60  }
0xb0: {  	[dreg:$0x2] =	wrdreg s2  }
0xb1: {  	[dreg:$0x3] =	wrdreg s19  }
0xb2: {  	[dreg:$0x4] =	wrdreg s4  }
0xb3: {  	[dreg:$0x5] =	wrdreg $0x9  }
0xb4: {  	_ =	task.clear_ibuf [dreg:s9], $0x6FFFF;
	_ =	strace $0x90000046  }
0xb5: {  	s29 =	simm.s32 $0x9;
	_ =	strace $0x80000048  }
0xb6: {  	_ =	swait.ge [sflag:s29], $0x1  }
0xb7: {  	[sflag:s29] =	ssyncadd.s32 $0xFFFFFFFF  }
0xb8: {  	_ =	strace $0x90000048  }
0xb9: {  	_ =	sfence  }
0xba: {  	s30 =	sld [smem:$0x0];
	_ =	sdelay $0x2  }
0xbb: {  	s31 =	sshll.u32 s1, $0xD;
	s1 =	sshrl.u32 s1, $0x2  }
0xbc: {  	s3 =	sand.u32 $0x4000, s31;
	s1 =	sadd.s32 s1, s30  }
0xbd: {  	s0 =	sor.u32 s3, s0;
	s1 =	sshll.u32 s1, $0x11  }
0xbe: {  	s0 =	sor.u32 s1, s0  }
0xbf: {  	s0 =	sadd.s32 $0x8F2B, s0  }
0xc0: {  	[sflag:s0] =	ssyncadd.remote.s32 $0x1  }
0xc1: {  	_ =	sfence.sel $0xFFFF  }
0xc2: {  	[dreg:$0x0] =	wrdreg $0xFFFFFFFF;
	(pc) =	sbr.abs _section_cstart, $3  }
0xc3: {  	[dreg:$0x1] =	wrdreg $0xFFFFFFFF  }
0xc4: {  	_ =	task.clear_ibuf [dreg:s9], $0x2FFFF;
	_ =	strace $0x9FFFFFFF  }
0xc5: {  	(tm) =	ssettm $0x7FFFFFFF  }
tec
execute0_lowered:
.L_overlay_start_1:
0x0: {  	(tag) =	ssettag $0x1  }
0x1: {  	s1 =	rddreg [dreg:$0x0];
	v0 =	vlaneseq.u32  }
0x2: {  	s4 =	rddreg [dreg:$0x1];
	s3 =	srdreg.scid;
	v0 =	vmul.u32 $0x80, v0  }
0x3: {  	s5 =	rddreg [dreg:$0x2];
	s6 =	sand.u32 $0x1, s3;
	s3 =	simm.s32 $0x0  }
0x4: {  	[smem:$0x7FF] =	sst s3;
	v1 =	vor.u32 $0x2, v0  }
0x5: {  	s0 =	rddreg [dreg:$0x3];
	_ =	strace $0x80000047;
	v11 =	vor.u32 $0x1, v0;
	[tilespmem:$0x1FF50] =	vst v1  }
0x6: {  	v1 =	vor.u32 $0x3, v0;
	[tilespmem:$0x1FFF0] =	vst v11  }
0x7: {  	[tilespmem:$0x1FF60] =	vst v1;
	v1 =	vor.u32 $0x4, v0  }
0x8: {  	[tilespmem:$0x1FF70] =	vst v1;
	v1 =	vor.u32 $0x5, v0  }
0x9: {  	s2 =	stileid.u32;
	[tilespmem:$0x1FF80] =	vst v1;
	v1 =	vor.u32 $0x6, v0  }
0xa: {  	s7 =	sshll.u32 s2, $0x4;
	s8 =	sshll.u32 s6, $0x3;
	[tilespmem:$0x1FF90] =	vst v1;
	v1 =	vor.u32 $0x7, v0  }
0xb: {  	s10 =	simm.s32 $0xC000;
	s6 =	ssub.s32 $0x2, s6;
	s7 =	sor.u32 s8, s7;
	[tilespmem:$0x1FFA0] =	vst v1;
	v1 =	vor.u32 $0x8, v0  }
0xc: {  	s11 =	simm.s32 $0x0;
	s9 =	sshrl.u32 s6, $0x1;
	s8 =	sshll.u32 s7, $0x8;
	[tilespmem:$0x1FFB0] =	vst v1;
	v1 =	vor.u32 $0x9, v0  }
0xd: {  	s7 =	sshll.u32 s7, $0x4;
	s6 =	ssub.s32 s6, s9;
	s9 =	simm.s32 $0xC400;
	[tilespmem:$0x1FFC0] =	vst v1;
	v1 =	vor.u32 $0xA, v0  }
0xe: {  	s4 =	sadd.s32 s8, s4;
	s5 =	sadd.s32 s5, s7;
	s6 =	smax.u32 s6, $0x1;
	[tilespmem:$0x1FFD0] =	vst v1;
	v1 =	vor.u32 $0xB, v0  }
0xf: {  	v12 =	vor.u32 $0xC, v0;
	s7 =	simm.s32 $0x1;
	s8 =	simm.s32 $0x8000;
	s4 =	sadd.s32 $0x70000, s4;
	[tilespmem:$0x1FFE0] =	vst v1  }
.LBB2_1:
0x10: {  	[tilespmem:s3], [sflag:$0x1] =	stream.linear.gather [hbm4b:s1+s3], $0x8000, $0x38;
	[tilespmem:$0xCC00] =	vst v63  }
0x11: {  	_ =	swait.ge [sflag:s7], $0x8000  }
0x12: {  	[sflag:s7] =	ssyncset.done $0x0  }
0x13: {  	[sflag:s7] =	ssyncadd.s32 $0xFFFF8000  }
0x14: {  	[tilespmem:s8], [sflag:$0x1] =	stream.linear.gather [hbm4b:s4+s3], $0x4000, $0x38;
	[tilespmem:$0xCC00] =	vst v63  }
0x15: {  	_ =	swait.ge [sflag:s7], $0x4000  }
0x16: {  	s12 =	sand.u32 $0x70, s3;
	s13 =	sand.u32 $0x3C00, s3;
	[sflag:s7] =	ssyncset.done $0x0  }
0x17: {  	s14 =	sand.u32 $0x7, s3;
	s12 =	sor.u32 s12, s13;
	[sflag:s7] =	ssyncadd.s32 $0xFFFFC000  }
0x18: {  	s31 =	sshll.u32 s14, $0x4;
	v39 =	vld [tilespmem:s12+$0x280]  }
0x19: {  	s13 =	sadd.s32 $0x0, s31;
	v41 =	vld [tilespmem:s12+$0x300]  }
0x1a: {  	s13 =	sor.u32 $0x380, s13;
	v1 =	vld [tilespmem:s12+$0x4380]  }
0x1b: {  	v46 =	vld [tilespmem:s13+$0x0]  }
0x1c: {  	v2 =	vld [tilespmem:s12+$0x0]  }
0x1d: {  	v18 =	vld [tilespmem:s12+$0x8080]  }
0x1e: {  	v13 =	vimm.f32 $0.0e+00;
	v26 =	vimm.f32 $0.0e+00;
	v14 =	vld [tilespmem:s12+$0x8000]  }
0x1f: {  	v38 =	vimm.f32 $0.0e+00;
	v25 =	vimm.f32 $0.0e+00;
	v29 =	vimm.f32 $0.0e+00;
	v3 =	vld [tilespmem:s12+$0x180]  }
0x20: {  	v21 =	vimm.f32 $0.0e+00;
	v44 =	vimm.f32 $0.0e+00;
	v22 =	vimm.f32 $0.0e+00;
	v51 =	vld [tilespmem:s12+$0x4080]  }
0x21: {  	v49 =	vimm.f32 $0.0e+00;
	v53 =	vimm.f32 $0.0e+00;
	v28 =	vimm.f32 $0.0e+00;
	v50 =	vld [tilespmem:s12+$0x200]  }
0x22: {  	v59 =	vimm.f32 $0.0e+00;
	v31 =	vimm.f32 $0.0e+00;
	v27 =	vimm.f32 $0.0e+00;
	v15 =	vld [tilespmem:s12+$0x4300]  }
0x23: {  	v47 =	vimm.f32 $0.0e+00;
	v35 =	vld [tilespmem:s12+$0x4280];
	v4 =	vmul.f32 v46, v18;
	v5 =	vmul.f32 v1, v18  }
0x24: {  	v33 =	vimm.f32 $0.0e+00;
	v37 =	vld [tilespmem:s12+$0x100];
	v6 =	vmul.f32 v2, v18;
	v36 =	vmul.f32 v41, v18  }
0x25: {  	v52 =	vimm.f32 $0.0e+00;
	v16 =	vmul.f32 v3, v14;
	v20 =	vmul.f32 v39, v18  }
0x26: {  	v57 =	vimm.f32 $0.0e+00;
	v17 =	vmul.f32 v51, v18;
	v48 =	vmul.f32 v50, v18  }
0x27: {  	v55 =	vimm.f32 $0.0e+00;
	v43 =	vmul.f32 v3, v18;
	v3 =	vmul.f32 v15, v18  }
0x28: {  	v54 =	vimm.f32 $0.0e+00;
	v61 =	vmul.f32 v1, v14;
	v60 =	vmul.f32 v2, v14  }
0x29: {  	v30 =	vimm.f32 $0.0e+00;
	v34 =	vld [tilespmem:s12+$0x80];
	v58 =	vmul.f32 v37, v14;
	v62 =	vmul.f32 v35, v14  }
0x2a: {  	v32 =	vld [tilespmem:s12+$0x4000];
	v1 =	vimm.f32 $0.0e+00;
	v19 =	vadd.f32 v4, v13;
	v40 =	vadd.f32 v16, v13  }
0x2b: {  	v42 =	vld [tilespmem:s12+$0x4200];
	v2 =	vimm.f32 $0.0e+00;
	v24 =	vadd.f32 v6, v13;
	v17 =	vadd.f32 v17, v13  }
0x2c: {  	v45 =	vld [tilespmem:s12+$0x4180];
	v16 =	vadd.f32 v5, v13;
	v23 =	vadd.f32 v20, v13;
	v4 =	vmul.f32 v15, v14  }
0x2d: {  	s16 =	simm.s32 $0x10;
	v56 =	vld [tilespmem:s12+$0x4100];
	s12 =	simm.s32 $0x80;
	s13 =	simm.s32 $0x1;
	v20 =	vadd.f32 v3, v13;
	v15 =	vimm.f32 $0.0e+00;
	v3 =	vimm.f32 $0.0e+00  }
.LBB2_2:
0x2e: {  	s14 =	sand.u32 $0x7, s13  }
0x2f: {  	s15 =	sand.u32 $0x70, s16;
	s17 =	sand.u32 $0x3C00, s12;
	v5 =	vmul.f32 v39, v14;
	v6 =	vmul.f32 v41, v14;
	v13 =	vadd.f32 v4, v13;
	s18 =	smov.u32 s16  }
0x30: {  	v26 =	vadd.f32 v48, v26;
	v4 =	vmul.f32 v46, v14;
	s18 =	sshll.u32 s14, $0x4;
	s15 =	sor.u32 s15, s17;
	s14 =	sadd.s32 $0x10, s16;
	v38 =	vadd.f32 v62, v38  }
0x31: {  	p0 =	sne.s32 s16, $0x7F0;
	v25 =	vadd.f32 v36, v25;
	v35 =	vmul.f32 v35, v18;
	s17 =	sadd.s32 s18, s12;
	v39 =	vld [tilespmem:s15+$0x280];
	v36 =	vmul.f32 v42, v18  }
0x32: {  	v48 =	vmul.f32 v51, v14;
	v15 =	vadd.f32 v61, v15;
	v41 =	vld [tilespmem:s15+$0x300];
	s16 =	sor.u32 $0x380, s17;
	v46 =	vmul.f32 v45, v14  }
0x33: {  	v29 =	vadd.f32 v43, v29;
	v21 =	vadd.f32 v35, v21;
	v51 =	vld [tilespmem:s15+$0x80];
	v43 =	vmul.f32 v56, v18  }
0x34: {  	v62 =	vmul.f32 v32, v18;
	v35 =	vmul.f32 v34, v14;
	v61 =	vld [tilespmem:s15+$0x4380];
	v44 =	vadd.f32 v46, v44  }
0x35: {  	v37 =	vmul.f32 v37, v18;
	v56 =	vmul.f32 v56, v14;
	v22 =	vadd.f32 v36, v22;
	v46 =	vld [tilespmem:s16+$0x0]  }
0x36: {  	v7 =	vmul.f32 v50, v14;
	v49 =	vadd.f32 v4, v49;
	v4 =	vmul.f32 v42, v14;
	v63 =	vld [tilespmem:s15+$0x0]  }
0x37: {  	v42 =	vmul.f32 v34, v18;
	v53 =	vadd.f32 v6, v53;
	v28 =	vadd.f32 v62, v28;
	v36 =	vld [tilespmem:s15+$0x8080]  }
0x38: {  	v31 =	vadd.f32 v37, v31;
	v59 =	vadd.f32 v35, v59;
	v35 =	vmul.f32 v45, v18;
	v6 =	vld [tilespmem:s15+$0x8000];
	v34 =	vmovc v51  }
0x39: {  	v14 =	vmul.f32 v32, v14;
	v47 =	vadd.f32 v4, v47;
	v27 =	vadd.f32 v43, v27;
	v45 =	vld [tilespmem:s15+$0x180]  }
0x3a: {  	v52 =	vadd.f32 v48, v52;
	v33 =	vadd.f32 v42, v33;
	v51 =	vld [tilespmem:s15+$0x4080]  }
0x3b: {  	v57 =	vadd.f32 v5, v57;
	v55 =	vadd.f32 v14, v55;
	v50 =	vld [tilespmem:s15+$0x200]  }
0x3c: {  	v54 =	vadd.f32 v56, v54;
	v4 =	vmul.f32 v46, v36;
	v32 =	vld [tilespmem:s15+$0x4000];
	v5 =	vmul.f32 v61, v36;
	v18 =	vmovc v36  }
0x3d: {  	v30 =	vadd.f32 v35, v30;
	v42 =	vmul.f32 v63, v18;
	v36 =	vmul.f32 v41, v18;
	v56 =	vld [tilespmem:s15+$0x4300];
	v14 =	vmovc v6  }
0x3e: {  	v3 =	vadd.f32 v60, v3;
	v62 =	vmul.f32 v39, v18;
	v6 =	vmul.f32 v45, v14;
	v35 =	vld [tilespmem:s15+$0x4280]  }
0x3f: {  	v1 =	vadd.f32 v7, v1;
	v19 =	vadd.f32 v4, v19;
	v37 =	vld [tilespmem:s15+$0x100];
	v4 =	vmul.f32 v51, v18  }
.Ltmp0:
0x40: {  	v2 =	vadd.f32 v58, v2;
	v40 =	vadd.f32 v6, v40;
	v48 =	vmul.f32 v50, v18;
	(pc) =	sbr.rel @p0 .LBB2_2-.Ltmp0, $4  }
0x41: {  	v43 =	vmul.f32 v45, v18;
	v24 =	vadd.f32 v42, v24;
	v17 =	vadd.f32 v4, v17  }
0x42: {  	v61 =	vmul.f32 v61, v14;
	v16 =	vadd.f32 v5, v16;
	v42 =	vld [tilespmem:s15+$0x4200];
	v6 =	vmul.f32 v56, v18  }
0x43: {  	v60 =	vmul.f32 v63, v14;
	v23 =	vadd.f32 v62, v23;
	v4 =	vmul.f32 v56, v14;
	v45 =	vld [tilespmem:s15+$0x4180]  }
0x44: {  	s13 =	sadd.s32 $0x1, s13;
	s12 =	sadd.s32 $0x80, s12;
	s16 =	smov.u32 s14;
	v62 =	vmul.f32 v35, v14;
	v58 =	vmul.f32 v37, v14;
	v56 =	vld [tilespmem:s15+$0x4100];
	v20 =	vadd.f32 v6, v20  }
0x45: {  	v5 =	vmul.f32 v34, v14;
	v3 =	vadd.f32 v60, v3  }
0x46: {  	v6 =	vmul.f32 v50, v14;
	[tilespmem:$0xC580] =	vst v40;
	v2 =	vadd.f32 v58, v2  }
0x47: {  	v5 =	vadd.f32 v5, v59;
	[tilespmem:$0xC400] =	vst v3;
	v3 =	vmul.f32 v39, v14  }
0x48: {  	v1 =	vadd.f32 v6, v1;
	v6 =	vmul.f32 v32, v14;
	[tilespmem:$0xC500] =	vst v2  }
0x49: {  	v2 =	vmul.f32 v46, v14;
	[tilespmem:$0xC480] =	vst v5;
	v3 =	vadd.f32 v3, v57  }
0x4a: {  	v5 =	vmul.f32 v41, v14;
	[tilespmem:$0xC600] =	vst v1;
	v6 =	vadd.f32 v6, v55  }
0x4b: {  	v1 =	vmul.f32 v51, v14;
	v2 =	vadd.f32 v2, v49;
	[tilespmem:$0xC680] =	vst v3  }
0x4c: {  	v5 =	vadd.f32 v5, v53;
	v3 =	vmul.f32 v56, v14;
	[tilespmem:$0xC800] =	vst v6  }
0x4d: {  	v1 =	vadd.f32 v1, v52;
	[tilespmem:$0xC780] =	vst v2;
	v2 =	vmul.f32 v42, v14  }
0x4e: {  	[tilespmem:$0xC700] =	vst v5;
	v5 =	vmul.f32 v45, v14;
	v3 =	vadd.f32 v3, v54  }
0x4f: {  	[tilespmem:$0xC880] =	vst v1;
	v1 =	vadd.f32 v2, v47  }
0x50: {  	v5 =	vadd.f32 v5, v44;
	[tilespmem:$0xC900] =	vst v3  }
0x51: {  	v2 =	vadd.f32 v62, v38;
	[tilespmem:$0xCA00] =	vst v1  }
0x52: {  	v3 =	vadd.f32 v4, v13;
	[tilespmem:$0xC980] =	vst v5;
	v5 =	vld [tilespmem:$0x1FF50]  }
0x53: {  	v1 =	vadd.f32 v61, v15;
	[tilespmem:$0xCA80] =	vst v2  }
0x54: {  	v6 =	vld [tilespmem:$0x1FF60];
	[tilespmem:$0xCB00] =	vst v3  }
0x55: {  	v7 =	vld [tilespmem:$0x1FF70];
	[tilespmem:$0xCB80] =	vst v1  }
0x56: {  	v1 =	vld.idx.msk [tilespmem:v0+s9+$0x0], $0xffff  }
0x57: {  	v8 =	vld [tilespmem:$0x1FF80]  }
0x58: {  	v2 =	vld.idx.msk [tilespmem:v11+s9+$0x0], $0xffff  }
0x59: {  	v9 =	vld [tilespmem:$0x1FF90]  }
0x5a: {  	v3 =	vld.idx.msk [tilespmem:v5+s9+$0x0], $0xffff  }
0x5b: {  	v10 =	vld [tilespmem:$0x1FFA0];
	v1 =	vadd.f32 $0.0e+00, v1  }
0x5c: {  	v4 =	vld.idx.msk [tilespmem:v6+s9+$0x0], $0xffff  }
0x5d: {  	v60 =	vld [tilespmem:$0x1FFB0];
	v1 =	vadd.f32 v2, v1  }
0x5e: {  	v2 =	vld.idx.msk [tilespmem:v7+s9+$0x0], $0xffff  }
0x5f: {  	v61 =	vld [tilespmem:$0x1FFC0];
	v1 =	vadd.f32 v3, v1  }
0x60: {  	v3 =	vld.idx.msk [tilespmem:v8+s9+$0x0], $0xffff  }
0x61: {  	v62 =	vld [tilespmem:$0x1FFD0];
	v1 =	vadd.f32 v4, v1  }
0x62: {  	v4 =	vld.idx.msk [tilespmem:v9+s9+$0x0], $0xffff  }
0x63: {  	v63 =	vld [tilespmem:$0x1FFE0];
	v1 =	vadd.f32 v2, v1  }
0x64: {  	v2 =	vld.idx.msk [tilespmem:v10+s9+$0x0], $0xffff  }
0x65: {  	v1 =	vadd.f32 v3, v1  }
0x66: {  	v3 =	vld.idx.msk [tilespmem:v60+s9+$0x0], $0xffff  }
0x67: {  	v1 =	vadd.f32 v4, v1  }
0x68: {  	v4 =	vld.idx.msk [tilespmem:v61+s9+$0x0], $0xffff  }
0x69: {  	v1 =	vadd.f32 v2, v1  }
0x6a: {  	v2 =	vld.idx.msk [tilespmem:v62+s9+$0x0], $0xffff  }
0x6b: {  	v13 =	vor.u32 $0xD, v0;
	v1 =	vadd.f32 v3, v1  }
0x6c: {  	v3 =	vld.idx.msk [tilespmem:v63+s9+$0x0], $0xffff  }
0x6d: {  	v14 =	vor.u32 $0xE, v0;
	v1 =	vadd.f32 v4, v1  }
0x6e: {  	v4 =	vld.idx.msk [tilespmem:v12+s9+$0x0], $0xffff  }
0x6f: {  	v15 =	vor.u32 $0xF, v0;
	v1 =	vadd.f32 v2, v1  }
0x70: {  	v2 =	vld.idx.msk [tilespmem:v13+s9+$0x0], $0xffff  }
0x71: {  	v1 =	vadd.f32 v3, v1  }
0x72: {  	v3 =	vld.idx.msk [tilespmem:v14+s9+$0x0], $0xffff  }
0x73: {  	v1 =	vadd.f32 v4, v1  }
0x74: {  	v4 =	vld.idx.msk [tilespmem:v15+s9+$0x0], $0xffff  }
0x75: {  	[tilespmem:$0xC400] =	vst v24;
	v1 =	vadd.f32 v2, v1  }
0x76: {  	[tilespmem:$0xC680] =	vst v23  }
0x77: {  	[tilespmem:$0xC780] =	vst v19;
	v1 =	vadd.f32 v3, v1  }
0x78: {  	[tilespmem:$0xC880] =	vst v17;
	v2 =	vmul.f32 v34, v18  }
0x79: {  	[tilespmem:$0xCB00] =	vst v20;
	v3 =	vmul.f32 v37, v18;
	v1 =	vadd.f32 v4, v1  }
0x7a: {  	[tilespmem:$0xCB80] =	vst v16;
	v2 =	vadd.f32 v2, v33  }
0x7b: {  	[tilespmem:$0xC000] =	vst v1;
	v1 =	vadd.f32 v3, v31;
	v3 =	vadd.f32 v43, v29  }
0x7c: {  	[tilespmem:$0xC480] =	vst v2  }
0x7d: {  	v2 =	vadd.f32 v48, v26;
	[tilespmem:$0xC580] =	vst v3;
	v3 =	vmul.f32 v32, v18  }
0x7e: {  	v4 =	vmul.f32 v42, v18;
	[tilespmem:$0xC500] =	vst v1;
	v1 =	vadd.f32 v36, v25  }
0x7f: {  	[tilespmem:$0xC600] =	vst v2;
	v2 =	vmul.f32 v56, v18;
	v3 =	vadd.f32 v3, v28  }
0x80: {  	v4 =	vadd.f32 v4, v22;
	[tilespmem:$0xC700] =	vst v1;
	v1 =	vmul.f32 v45, v18  }
0x81: {  	v2 =	vadd.f32 v2, v27;
	[tilespmem:$0xC800] =	vst v3;
	v3 =	vmul.f32 v35, v18  }
0x82: {  	[tilespmem:$0xCA00] =	vst v4;
	v1 =	vadd.f32 v1, v30  }
0x83: {  	[tilespmem:$0xC900] =	vst v2;
	v2 =	vadd.f32 v3, v21  }
0x84: {  	[tilespmem:$0xC980] =	vst v1  }
0x85: {  	[tilespmem:$0xCA80] =	vst v2  }
0x86: {  	v1 =	vld.idx.msk [tilespmem:v0+s9+$0x0], $0xffff;
	_ =	sdelay $0x1  }
0x87: {  	v2 =	vld.idx.msk [tilespmem:v11+s9+$0x0], $0xffff;
	_ =	sdelay $0x1  }
0x88: {  	v3 =	vld.idx.msk [tilespmem:v5+s9+$0x0], $0xffff  }
0x89: {  	v1 =	vadd.f32 $0.0e+00, v1  }
0x8a: {  	v4 =	vld.idx.msk [tilespmem:v6+s9+$0x0], $0xffff  }
0x8b: {  	v1 =	vadd.f32 v2, v1  }
0x8c: {  	v2 =	vld.idx.msk [tilespmem:v7+s9+$0x0], $0xffff  }
0x8d: {  	v1 =	vadd.f32 v3, v1  }
0x8e: {  	v3 =	vld.idx.msk [tilespmem:v8+s9+$0x0], $0xffff  }
0x8f: {  	v1 =	vadd.f32 v4, v1  }
0x90: {  	v4 =	vld.idx.msk [tilespmem:v9+s9+$0x0], $0xffff  }
0x91: {  	v1 =	vadd.f32 v2, v1  }
0x92: {  	v2 =	vld.idx.msk [tilespmem:v10+s9+$0x0], $0xffff  }
0x93: {  	v1 =	vadd.f32 v3, v1  }
0x94: {  	v3 =	vld.idx.msk [tilespmem:v60+s9+$0x0], $0xffff  }
0x95: {  	v1 =	vadd.f32 v4, v1  }
0x96: {  	v4 =	vld.idx.msk [tilespmem:v61+s9+$0x0], $0xffff  }
0x97: {  	v1 =	vadd.f32 v2, v1  }
0x98: {  	v2 =	vld.idx.msk [tilespmem:v62+s9+$0x0], $0xffff  }
0x99: {  	v1 =	vadd.f32 v3, v1  }
0x9a: {  	v3 =	vld.idx.msk [tilespmem:v63+s9+$0x0], $0xffff  }
0x9b: {  	v1 =	vadd.f32 v4, v1  }
0x9c: {  	v4 =	vld.idx.msk [tilespmem:v12+s9+$0x0], $0xffff  }
0x9d: {  	v1 =	vadd.f32 v2, v1  }
0x9e: {  	v2 =	vld.idx.msk [tilespmem:v13+s9+$0x0], $0xffff  }
0x9f: {  	v1 =	vadd.f32 v3, v1  }
0xa0: {  	v3 =	vld.idx.msk [tilespmem:v14+s9+$0x0], $0xffff  }
0xa1: {  	v1 =	vadd.f32 v4, v1  }
0xa2: {  	v4 =	vld.idx.msk [tilespmem:v15+s9+$0x0], $0xffff  }
0xa3: {  	v1 =	vadd.f32 v2, v1;
	_ =	sdelay $0x1  }
0xa4: {  	v1 =	vadd.f32 v3, v1;
	_ =	sdelay $0x1  }
0xa5: {  	s12 =	simm.s32 $0x0;
	v1 =	vadd.f32 v4, v1  }
0xa6: {  	s13 =	sand.u32 $0x70, s12;
	s14 =	sand.u32 $0x3C00, s12  }
0xa7: {  	s15 =	sand.u32 $0x7, s12;
	s30 =	sor.u32 s13, s14;
	[tilespmem:$0xC080] =	vst v1  }
0xa8: {  	s31 =	sshll.u32 s15, $0x4;
	v42 =	vld [tilespmem:s30+$0x280]  }
0xa9: {  	s13 =	sadd.s32 $0x0, s31;
	v44 =	vld [tilespmem:s30+$0x300]  }
0xaa: {  	s13 =	sor.u32 $0x380, s13;
	v1 =	vld [tilespmem:s30+$0x4380]  }
0xab: {  	v48 =	vld [tilespmem:s13+$0x0]  }
0xac: {  	v2 =	vld [tilespmem:s30+$0x0]  }
0xad: {  	v40 =	vimm.f32 $0.0e+00;
	v50 =	vimm.f32 $0.0e+00;
	v18 =	vld [tilespmem:s30+$0x8180]  }
0xae: {  	v58 =	vimm.f32 $0.0e+00;
	v59 =	vimm.f32 $0.0e+00;
	v41 =	vimm.f32 $0.0e+00;
	v39 =	vld [tilespmem:s30+$0x8100]  }
0xaf: {  	v55 =	vimm.f32 $0.0e+00;
	v57 =	vimm.f32 $0.0e+00;
	v52 =	vimm.f32 $0.0e+00;
	v3 =	vld [tilespmem:s30+$0x180]  }
0xb0: {  	v33 =	vimm.f32 $0.0e+00;
	v26 =	vimm.f32 $0.0e+00;
	v29 =	vimm.f32 $0.0e+00;
	v54 =	vld [tilespmem:s30+$0x4080]  }
0xb1: {  	v22 =	vimm.f32 $0.0e+00;
	v56 =	vimm.f32 $0.0e+00;
	v31 =	vimm.f32 $0.0e+00;
	v53 =	vld [tilespmem:s30+$0x200]  }
0xb2: {  	v25 =	vimm.f32 $0.0e+00;
	v27 =	vimm.f32 $0.0e+00;
	v45 =	vimm.f32 $0.0e+00;
	v7 =	vld [tilespmem:s30+$0x4300]  }
0xb3: {  	v28 =	vimm.f32 $0.0e+00;
	v38 =	vld [tilespmem:s30+$0x100];
	v4 =	vmul.f32 v48, v18;
	v5 =	vmul.f32 v1, v18  }
0xb4: {  	v35 =	vimm.f32 $0.0e+00;
	v6 =	vmul.f32 v2, v18;
	v37 =	vmul.f32 v44, v18  }
0xb5: {  	v30 =	vimm.f32 $0.0e+00;
	v16 =	vmul.f32 v3, v39;
	v20 =	vmul.f32 v42, v18  }
0xb6: {  	v21 =	vimm.f32 $0.0e+00;
	v36 =	vld [tilespmem:s30+$0x4280];
	v17 =	vmul.f32 v54, v18;
	v51 =	vmul.f32 v53, v18  }
0xb7: {  	v61 =	vimm.f32 $0.0e+00;
	v47 =	vmul.f32 v3, v18;
	v3 =	vmul.f32 v7, v18  }
0xb8: {  	v34 =	vld [tilespmem:s30+$0x80];
	v63 =	vmul.f32 v2, v39;
	v60 =	vmul.f32 v38, v39;
	v19 =	vadd.f32 v4, v35  }
0xb9: {  	v32 =	vld [tilespmem:s30+$0x4000];
	v2 =	vimm.f32 $0.0e+00;
	v43 =	vadd.f32 v16, v35;
	v24 =	vadd.f32 v6, v35  }
0xba: {  	v46 =	vld [tilespmem:s30+$0x4200];
	v17 =	vadd.f32 v17, v35;
	v4 =	vmul.f32 v1, v39;
	v16 =	vadd.f32 v5, v35  }
0xbb: {  	v49 =	vld [tilespmem:s30+$0x4180];
	v23 =	vadd.f32 v20, v35;
	v5 =	vmul.f32 v7, v39;
	v6 =	vmul.f32 v36, v39  }
0xbc: {  	s16 =	simm.s32 $0x10;
	s12 =	simm.s32 $0x80;
	v62 =	vld [tilespmem:s30+$0x4100];
	s13 =	simm.s32 $0x1;
	v20 =	vadd.f32 v3, v35;
	v3 =	vimm.f32 $0.0e+00;
	v1 =	vimm.f32 $0.0e+00  }
.LBB2_4:
0xbd: {  	s14 =	sand.u32 $0x7, s13  }
0xbe: {  	s15 =	sand.u32 $0x70, s16;
	s17 =	sand.u32 $0x3C00, s12;
	v7 =	vmul.f32 v42, v39;
	v8 =	vmul.f32 v44, v39;
	v35 =	vadd.f32 v5, v35;
	s18 =	smov.u32 s16  }
0xbf: {  	v26 =	vadd.f32 v51, v26;
	v5 =	vmul.f32 v48, v39;
	s18 =	sshll.u32 s14, $0x4;
	s15 =	sor.u32 s15, s17;
	s14 =	sadd.s32 $0x10, s16;
	v41 =	vadd.f32 v6, v41  }
0xc0: {  	p0 =	sne.s32 s16, $0x7F0;
	v25 =	vadd.f32 v37, v25;
	v36 =	vmul.f32 v36, v18;
	s17 =	sadd.s32 s18, s12;
	v42 =	vld [tilespmem:s15+$0x280];
	v6 =	vmul.f32 v46, v18  }
0xc1: {  	v37 =	vmul.f32 v54, v39;
	v40 =	vadd.f32 v4, v40;
	v44 =	vld [tilespmem:s15+$0x300];
	s16 =	sor.u32 $0x380, s17;
	v48 =	vmul.f32 v49, v39  }
0xc2: {  	v29 =	vadd.f32 v47, v29;
	v21 =	vadd.f32 v36, v21;
	v4 =	vld [tilespmem:s15+$0x80];
	v47 =	vmul.f32 v62, v18  }
0xc3: {  	v51 =	vmul.f32 v32, v18;
	v36 =	vmul.f32 v34, v39;
	v9 =	vld [tilespmem:s15+$0x4380];
	v45 =	vadd.f32 v48, v45  }
0xc4: {  	v38 =	vmul.f32 v38, v18;
	v62 =	vmul.f32 v62, v39;
	v22 =	vadd.f32 v6, v22;
	v48 =	vld [tilespmem:s16+$0x0]  }
0xc5: {  	v10 =	vmul.f32 v53, v39;
	v52 =	vadd.f32 v5, v52;
	v5 =	vmul.f32 v46, v39;
	v6 =	vld [tilespmem:s15+$0x0]  }
0xc6: {  	v53 =	vmul.f32 v34, v18;
	v56 =	vadd.f32 v8, v56;
	v28 =	vadd.f32 v51, v28;
	v46 =	vld [tilespmem:s15+$0x8180]  }
0xc7: {  	v31 =	vadd.f32 v38, v31;
	v61 =	vadd.f32 v36, v61;
	v36 =	vmul.f32 v49, v18;
	v8 =	vld [tilespmem:s15+$0x8100];
	v34 =	vmovc v4  }
0xc8: {  	v38 =	vmul.f32 v32, v39;
	v50 =	vadd.f32 v5, v50;
	v27 =	vadd.f32 v47, v27;
	v4 =	vld [tilespmem:s15+$0x180]  }
0xc9: {  	v33 =	vadd.f32 v53, v33;
	v55 =	vadd.f32 v37, v55;
	v54 =	vld [tilespmem:s15+$0x4080]  }
0xca: {  	v59 =	vadd.f32 v7, v59;
	v58 =	vadd.f32 v38, v58;
	v53 =	vld [tilespmem:s15+$0x200]  }
0xcb: {  	v57 =	vadd.f32 v62, v57;
	v5 =	vmul.f32 v48, v46;
	v32 =	vld [tilespmem:s15+$0x4000];
	v7 =	vmul.f32 v9, v46;
	v18 =	vmovc v46  }
0xcc: {  	v30 =	vadd.f32 v36, v30;
	v46 =	vmul.f32 v6, v18;
	v37 =	vmul.f32 v44, v18;
	v62 =	vld [tilespmem:s15+$0x4300];
	v39 =	vmovc v8  }
0xcd: {  	v3 =	vadd.f32 v63, v3;
	v49 =	vmul.f32 v42, v18;
	v8 =	vmul.f32 v4, v39;
	v36 =	vld [tilespmem:s15+$0x4280]  }
0xce: {  	v1 =	vadd.f32 v10, v1;
	v19 =	vadd.f32 v5, v19;
	v38 =	vld [tilespmem:s15+$0x100];
	v5 =	vmul.f32 v54, v18  }
.Ltmp1:
0xcf: {  	v2 =	vadd.f32 v60, v2;
	v43 =	vadd.f32 v8, v43;
	v51 =	vmul.f32 v53, v18;
	(pc) =	sbr.rel @p0 .LBB2_4-.Ltmp1, $4  }
0xd0: {  	v47 =	vmul.f32 v4, v18;
	v24 =	vadd.f32 v46, v24;
	v17 =	vadd.f32 v5, v17  }
0xd1: {  	v4 =	vmul.f32 v9, v39;
	v16 =	vadd.f32 v7, v16;
	v46 =	vld [tilespmem:s15+$0x4200];
	v8 =	vmul.f32 v62, v18  }
0xd2: {  	v63 =	vmul.f32 v6, v39;
	v23 =	vadd.f32 v49, v23;
	v5 =	vmul.f32 v62, v39;
	v49 =	vld [tilespmem:s15+$0x4180]  }
0xd3: {  	s13 =	sadd.s32 $0x1, s13;
	s12 =	sadd.s32 $0x80, s12;
	s16 =	smov.u32 s14;
	v6 =	vmul.f32 v36, v39;
	v60 =	vmul.f32 v38, v39;
	v62 =	vld [tilespmem:s15+$0x4100];
	v20 =	vadd.f32 v8, v20  }
0xd4: {  	v7 =	vmul.f32 v34, v39;
	v3 =	vadd.f32 v63, v3  }
0xd5: {  	v8 =	vmul.f32 v53, v39;
	[tilespmem:$0xC580] =	vst v43;
	v2 =	vadd.f32 v60, v2  }
0xd6: {  	v7 =	vadd.f32 v7, v61;
	[tilespmem:$0xC400] =	vst v3;
	v3 =	vmul.f32 v42, v39  }
0xd7: {  	v1 =	vadd.f32 v8, v1;
	v8 =	vmul.f32 v32, v39;
	[tilespmem:$0xC500] =	vst v2  }
0xd8: {  	v2 =	vmul.f32 v48, v39;
	[tilespmem:$0xC480] =	vst v7;
	v3 =	vadd.f32 v3, v59  }
0xd9: {  	v7 =	vmul.f32 v44, v39;
	[tilespmem:$0xC600] =	vst v1;
	v8 =	vadd.f32 v8, v58  }
0xda: {  	v1 =	vmul.f32 v54, v39;
	v2 =	vadd.f32 v2, v52;
	[tilespmem:$0xC680] =	vst v3  }
0xdb: {  	v7 =	vadd.f32 v7, v56;
	v3 =	vmul.f32 v62, v39;
	[tilespmem:$0xC800] =	vst v8  }
0xdc: {  	v1 =	vadd.f32 v1, v55;
	[tilespmem:$0xC780] =	vst v2;
	v2 =	vmul.f32 v46, v39  }
0xdd: {  	[tilespmem:$0xC700] =	vst v7;
	v3 =	vadd.f32 v3, v57  }
0xde: {  	v7 =	vmul.f32 v49, v39;
	[tilespmem:$0xC880] =	vst v1;
	v1 =	vadd.f32 v2, v50  }
0xdf: {  	v2 =	vadd.f32 v6, v41;
	[tilespmem:$0xC900] =	vst v3  }
0xe0: {  	v7 =	vadd.f32 v7, v45;
	[tilespmem:$0xCA00] =	vst v1  }
0xe1: {  	v3 =	vadd.f32 v5, v35;
	v5 =	vld [tilespmem:$0x1FF50];
	[tilespmem:$0xCA80] =	vst v2  }
0xe2: {  	v1 =	vadd.f32 v4, v40;
	[tilespmem:$0xC980] =	vst v7  }
0xe3: {  	v6 =	vld [tilespmem:$0x1FF60];
	[tilespmem:$0xCB00] =	vst v3  }
0xe4: {  	v7 =	vld [tilespmem:$0x1FF70];
	[tilespmem:$0xCB80] =	vst v1  }
0xe5: {  	v1 =	vld.idx.msk [tilespmem:v0+s9+$0x0], $0xffff  }
0xe6: {  	v8 =	vld [tilespmem:$0x1FF80]  }
0xe7: {  	v2 =	vld.idx.msk [tilespmem:v11+s9+$0x0], $0xffff  }
0xe8: {  	v9 =	vld [tilespmem:$0x1FF90]  }
0xe9: {  	v3 =	vld.idx.msk [tilespmem:v5+s9+$0x0], $0xffff  }
0xea: {  	v10 =	vld [tilespmem:$0x1FFA0];
	v1 =	vadd.f32 $0.0e+00, v1  }
0xeb: {  	v4 =	vld.idx.msk [tilespmem:v6+s9+$0x0], $0xffff  }
0xec: {  	v55 =	vld [tilespmem:$0x1FFB0];
	v1 =	vadd.f32 v2, v1  }
0xed: {  	v2 =	vld.idx.msk [tilespmem:v7+s9+$0x0], $0xffff  }
0xee: {  	v56 =	vld [tilespmem:$0x1FFC0];
	v1 =	vadd.f32 v3, v1  }
0xef: {  	v3 =	vld.idx.msk [tilespmem:v8+s9+$0x0], $0xffff  }
0xf0: {  	v57 =	vld [tilespmem:$0x1FFD0];
	v1 =	vadd.f32 v4, v1  }
0xf1: {  	v4 =	vld.idx.msk [tilespmem:v9+s9+$0x0], $0xffff  }
0xf2: {  	v58 =	vld [tilespmem:$0x1FFE0];
	v1 =	vadd.f32 v2, v1  }
0xf3: {  	v2 =	vld.idx.msk [tilespmem:v10+s9+$0x0], $0xffff  }
0xf4: {  	v1 =	vadd.f32 v3, v1  }
0xf5: {  	v3 =	vld.idx.msk [tilespmem:v55+s9+$0x0], $0xffff  }
0xf6: {  	v1 =	vadd.f32 v4, v1  }
0xf7: {  	v4 =	vld.idx.msk [tilespmem:v56+s9+$0x0], $0xffff  }
0xf8: {  	v1 =	vadd.f32 v2, v1  }
0xf9: {  	v2 =	vld.idx.msk [tilespmem:v57+s9+$0x0], $0xffff  }
0xfa: {  	v1 =	vadd.f32 v3, v1  }
0xfb: {  	v3 =	vld.idx.msk [tilespmem:v58+s9+$0x0], $0xffff  }
0xfc: {  	v1 =	vadd.f32 v4, v1  }
0xfd: {  	v4 =	vld.idx.msk [tilespmem:v12+s9+$0x0], $0xffff  }
0xfe: {  	v1 =	vadd.f32 v2, v1  }
0xff: {  	v2 =	vld.idx.msk [tilespmem:v13+s9+$0x0], $0xffff  }
0x100: {  	v1 =	vadd.f32 v3, v1  }
0x101: {  	v3 =	vld.idx.msk [tilespmem:v14+s9+$0x0], $0xffff  }
0x102: {  	v1 =	vadd.f32 v4, v1  }
0x103: {  	v4 =	vld.idx.msk [tilespmem:v15+s9+$0x0], $0xffff  }
0x104: {  	[tilespmem:$0xC400] =	vst v24;
	v1 =	vadd.f32 v2, v1  }
0x105: {  	[tilespmem:$0xC680] =	vst v23  }
0x106: {  	[tilespmem:$0xC780] =	vst v19;
	v1 =	vadd.f32 v3, v1  }
0x107: {  	[tilespmem:$0xC880] =	vst v17;
	v2 =	vmul.f32 v34, v18  }
0x108: {  	[tilespmem:$0xCB00] =	vst v20;
	v3 =	vmul.f32 v38, v18;
	v1 =	vadd.f32 v4, v1  }
0x109: {  	[tilespmem:$0xCB80] =	vst v16;
	v2 =	vadd.f32 v2, v33  }
0x10a: {  	[tilespmem:$0xC100] =	vst v1;
	v1 =	vadd.f32 v3, v31;
	v3 =	vadd.f32 v47, v29  }
0x10b: {  	[tilespmem:$0xC480] =	vst v2  }
0x10c: {  	v2 =	vadd.f32 v51, v26;
	[tilespmem:$0xC580] =	vst v3;
	v3 =	vmul.f32 v32, v18  }
0x10d: {  	v4 =	vmul.f32 v46, v18;
	[tilespmem:$0xC500] =	vst v1;
	v1 =	vadd.f32 v37, v25  }
0x10e: {  	[tilespmem:$0xC600] =	vst v2;
	v2 =	vmul.f32 v62, v18;
	v3 =	vadd.f32 v3, v28  }
0x10f: {  	v4 =	vadd.f32 v4, v22;
	[tilespmem:$0xC700] =	vst v1;
	v1 =	vmul.f32 v49, v18  }
0x110: {  	v2 =	vadd.f32 v2, v27;
	[tilespmem:$0xC800] =	vst v3;
	v3 =	vmul.f32 v36, v18  }
0x111: {  	[tilespmem:$0xCA00] =	vst v4;
	v1 =	vadd.f32 v1, v30  }
0x112: {  	[tilespmem:$0xC900] =	vst v2;
	v2 =	vadd.f32 v3, v21  }
0x113: {  	[tilespmem:$0xC980] =	vst v1  }
0x114: {  	[tilespmem:$0xCA80] =	vst v2  }
0x115: {  	v1 =	vld.idx.msk [tilespmem:v0+s9+$0x0], $0xffff;
	_ =	sdelay $0x1  }
0x116: {  	v2 =	vld.idx.msk [tilespmem:v11+s9+$0x0], $0xffff;
	_ =	sdelay $0x1  }
0x117: {  	v3 =	vld.idx.msk [tilespmem:v5+s9+$0x0], $0xffff  }
0x118: {  	v1 =	vadd.f32 $0.0e+00, v1  }
0x119: {  	v4 =	vld.idx.msk [tilespmem:v6+s9+$0x0], $0xffff  }
0x11a: {  	v1 =	vadd.f32 v2, v1  }
0x11b: {  	v2 =	vld.idx.msk [tilespmem:v7+s9+$0x0], $0xffff  }
0x11c: {  	v1 =	vadd.f32 v3, v1  }
0x11d: {  	v3 =	vld.idx.msk [tilespmem:v8+s9+$0x0], $0xffff  }
0x11e: {  	v1 =	vadd.f32 v4, v1  }
0x11f: {  	v4 =	vld.idx.msk [tilespmem:v9+s9+$0x0], $0xffff  }
0x120: {  	v1 =	vadd.f32 v2, v1  }
0x121: {  	v2 =	vld.idx.msk [tilespmem:v10+s9+$0x0], $0xffff  }
0x122: {  	v1 =	vadd.f32 v3, v1  }
0x123: {  	v3 =	vld.idx.msk [tilespmem:v55+s9+$0x0], $0xffff  }
0x124: {  	v1 =	vadd.f32 v4, v1  }
0x125: {  	v4 =	vld.idx.msk [tilespmem:v56+s9+$0x0], $0xffff  }
0x126: {  	v1 =	vadd.f32 v2, v1  }
0x127: {  	v2 =	vld.idx.msk [tilespmem:v57+s9+$0x0], $0xffff  }
0x128: {  	v1 =	vadd.f32 v3, v1  }
0x129: {  	v3 =	vld.idx.msk [tilespmem:v58+s9+$0x0], $0xffff  }
0x12a: {  	v1 =	vadd.f32 v4, v1  }
0x12b: {  	v4 =	vld.idx.msk [tilespmem:v12+s9+$0x0], $0xffff  }
0x12c: {  	v1 =	vadd.f32 v2, v1  }
0x12d: {  	v2 =	vld.idx.msk [tilespmem:v13+s9+$0x0], $0xffff  }
0x12e: {  	v1 =	vadd.f32 v3, v1  }
0x12f: {  	v3 =	vld.idx.msk [tilespmem:v14+s9+$0x0], $0xffff  }
0x130: {  	v1 =	vadd.f32 v4, v1  }
0x131: {  	v4 =	vld.idx.msk [tilespmem:v15+s9+$0x0], $0xffff  }
0x132: {  	v1 =	vadd.f32 v2, v1;
	_ =	sdelay $0x1  }
0x133: {  	v1 =	vadd.f32 v3, v1;
	_ =	sdelay $0x1  }
0x134: {  	s12 =	simm.s32 $0x0;
	v1 =	vadd.f32 v4, v1  }
0x135: {  	s13 =	sand.u32 $0x70, s12;
	s14 =	sand.u32 $0x3C00, s12  }
0x136: {  	s15 =	sand.u32 $0x7, s12;
	s30 =	sor.u32 s13, s14;
	[tilespmem:$0xC180] =	vst v1  }
0x137: {  	s31 =	sshll.u32 s15, $0x4;
	v42 =	vld [tilespmem:s30+$0x280]  }
0x138: {  	s13 =	sadd.s32 $0x0, s31;
	v44 =	vld [tilespmem:s30+$0x300]  }
0x139: {  	s13 =	sor.u32 $0x380, s13;
	v1 =	vld [tilespmem:s30+$0x4380]  }
0x13a: {  	v48 =	vld [tilespmem:s13+$0x0]  }
0x13b: {  	v2 =	vld [tilespmem:s30+$0x0]  }
0x13c: {  	v60 =	vimm.f32 $0.0e+00;
	v52 =	vimm.f32 $0.0e+00;
	v18 =	vld [tilespmem:s30+$0x8280]  }
0x13d: {  	v41 =	vimm.f32 $0.0e+00;
	v50 =	vimm.f32 $0.0e+00;
	v35 =	vimm.f32 $0.0e+00;
	v39 =	vld [tilespmem:s30+$0x8200]  }
0x13e: {  	v45 =	vimm.f32 $0.0e+00;
	v40 =	vimm.f32 $0.0e+00;
	v33 =	vimm.f32 $0.0e+00;
	v3 =	vld [tilespmem:s30+$0x180]  }
0x13f: {  	v26 =	vimm.f32 $0.0e+00;
	v29 =	vimm.f32 $0.0e+00;
	v22 =	vimm.f32 $0.0e+00;
	v54 =	vld [tilespmem:s30+$0x4080]  }
0x140: {  	v31 =	vimm.f32 $0.0e+00;
	v25 =	vimm.f32 $0.0e+00;
	v27 =	vimm.f32 $0.0e+00;
	v53 =	vld [tilespmem:s30+$0x200]  }
0x141: {  	v28 =	vimm.f32 $0.0e+00;
	v30 =	vimm.f32 $0.0e+00;
	v21 =	vimm.f32 $0.0e+00;
	v7 =	vld [tilespmem:s30+$0x4300]  }
0x142: {  	v55 =	vimm.f32 $0.0e+00;
	v38 =	vld [tilespmem:s30+$0x100];
	v4 =	vmul.f32 v48, v18;
	v5 =	vmul.f32 v1, v18  }
0x143: {  	v56 =	vimm.f32 $0.0e+00;
	v6 =	vmul.f32 v2, v18;
	v37 =	vmul.f32 v44, v18  }
0x144: {  	v57 =	vimm.f32 $0.0e+00;
	v8 =	vmul.f32 v3, v39;
	v59 =	vmul.f32 v42, v18  }
0x145: {  	v58 =	vimm.f32 $0.0e+00;
	v36 =	vld [tilespmem:s30+$0x4280];
	v63 =	vmul.f32 v54, v18;
	v51 =	vmul.f32 v53, v18  }
0x146: {  	v47 =	vmul.f32 v3, v18;
	v3 =	vmul.f32 v7, v18;
	v19 =	vadd.f32 v4, v35  }
0x147: {  	v34 =	vld [tilespmem:s30+$0x80];
	v61 =	vmul.f32 v38, v39;
	v43 =	vadd.f32 v8, v35;
	v24 =	vadd.f32 v6, v35  }
0x148: {  	v32 =	vld [tilespmem:s30+$0x4000];
	v17 =	vadd.f32 v63, v35;
	v4 =	vmul.f32 v1, v39;
	v16 =	vadd.f32 v5, v35  }
0x149: {  	v46 =	vld [tilespmem:s30+$0x4200];
	v63 =	vmul.f32 v2, v39;
	v23 =	vadd.f32 v59, v35;
	v5 =	vmul.f32 v7, v39  }
0x14a: {  	v49 =	vld [tilespmem:s30+$0x4180];
	v6 =	vmul.f32 v36, v39;
	v20 =	vadd.f32 v3, v35;
	v59 =	vimm.f32 $0.0e+00  }
0x14b: {  	s16 =	simm.s32 $0x10;
	s12 =	simm.s32 $0x80;
	v62 =	vld [tilespmem:s30+$0x4100];
	s13 =	simm.s32 $0x1;
	v2 =	vimm.f32 $0.0e+00;
	v1 =	vimm.f32 $0.0e+00;
	v3 =	vimm.f32 $0.0e+00  }
.LBB2_6:
0x14c: {  	s14 =	sand.u32 $0x7, s13  }
0x14d: {  	s15 =	sand.u32 $0x70, s16;
	s17 =	sand.u32 $0x3C00, s12;
	v7 =	vmul.f32 v42, v39;
	v8 =	vmul.f32 v44, v39;
	v35 =	vadd.f32 v5, v35;
	s18 =	smov.u32 s16  }
0x14e: {  	v26 =	vadd.f32 v51, v26;
	v5 =	vmul.f32 v48, v39;
	s18 =	sshll.u32 s14, $0x4;
	s15 =	sor.u32 s15, s17;
	s14 =	sadd.s32 $0x10, s16;
	v41 =	vadd.f32 v6, v41  }
0x14f: {  	p0 =	sne.s32 s16, $0x7F0;
	v25 =	vadd.f32 v37, v25;
	v9 =	vmul.f32 v36, v18;
	s17 =	sadd.s32 s18, s12;
	v42 =	vld [tilespmem:s15+$0x280];
	v6 =	vmul.f32 v46, v18  }
0x150: {  	v10 =	vmul.f32 v54, v39;
	v40 =	vadd.f32 v4, v40;
	v44 =	vld [tilespmem:s15+$0x300];
	s16 =	sor.u32 $0x380, s17;
	v36 =	vmul.f32 v49, v39  }
0x151: {  	v29 =	vadd.f32 v47, v29;
	v21 =	vadd.f32 v9, v21;
	v4 =	vld [tilespmem:s15+$0x80];
	v37 =	vmul.f32 v62, v18  }
0x152: {  	v47 =	vmul.f32 v34, v39;
	v51 =	vmul.f32 v32, v18;
	v9 =	vld [tilespmem:s15+$0x4380];
	v45 =	vadd.f32 v36, v45  }
0x153: {  	v22 =	vadd.f32 v6, v22;
	v36 =	vmul.f32 v38, v18;
	v38 =	vmul.f32 v62, v39;
	v48 =	vld [tilespmem:s16+$0x0]  }
0x154: {  	v52 =	vadd.f32 v5, v52;
	v5 =	vmul.f32 v46, v39;
	v62 =	vmul.f32 v53, v39;
	v6 =	vld [tilespmem:s15+$0x0]  }
0x155: {  	v56 =	vadd.f32 v8, v56;
	v28 =	vadd.f32 v51, v28;
	v53 =	vmul.f32 v34, v18;
	v46 =	vld [tilespmem:s15+$0x8280]  }
0x156: {  	v60 =	vadd.f32 v47, v60;
	v31 =	vadd.f32 v36, v31;
	v36 =	vmul.f32 v49, v18;
	v8 =	vld [tilespmem:s15+$0x8200];
	v34 =	vmovc v4  }
0x157: {  	v11 =	vmul.f32 v32, v39;
	v50 =	vadd.f32 v5, v50;
	v27 =	vadd.f32 v37, v27;
	v4 =	vld [tilespmem:s15+$0x180]  }
0x158: {  	v55 =	vadd.f32 v10, v55;
	v33 =	vadd.f32 v53, v33;
	v54 =	vld [tilespmem:s15+$0x4080]  }
0x159: {  	v59 =	vadd.f32 v7, v59;
	v58 =	vadd.f32 v11, v58;
	v53 =	vld [tilespmem:s15+$0x200]  }
0x15a: {  	v57 =	vadd.f32 v38, v57;
	v5 =	vmul.f32 v48, v46;
	v32 =	vld [tilespmem:s15+$0x4000];
	v7 =	vmul.f32 v9, v46;
	v18 =	vmovc v46  }
0x15b: {  	v30 =	vadd.f32 v36, v30;
	v10 =	vmul.f32 v6, v18;
	v37 =	vmul.f32 v44, v18;
	v11 =	vld [tilespmem:s15+$0x4300];
	v39 =	vmovc v8  }
0x15c: {  	v2 =	vadd.f32 v63, v2;
	v49 =	vmul.f32 v42, v18;
	v8 =	vmul.f32 v4, v39;
	v36 =	vld [tilespmem:s15+$0x4280]  }
0x15d: {  	v1 =	vadd.f32 v62, v1;
	v19 =	vadd.f32 v5, v19;
	v38 =	vld [tilespmem:s15+$0x100];
	v5 =	vmul.f32 v54, v18  }
.Ltmp2:
0x15e: {  	v3 =	vadd.f32 v61, v3;
	v43 =	vadd.f32 v8, v43;
	v51 =	vmul.f32 v53, v18;
	(pc) =	sbr.rel @p0 .LBB2_6-.Ltmp2, $4  }
0x15f: {  	v47 =	vmul.f32 v4, v18;
	v24 =	vadd.f32 v10, v24;
	v17 =	vadd.f32 v5, v17  }
0x160: {  	v4 =	vmul.f32 v9, v39;
	v16 =	vadd.f32 v7, v16;
	v46 =	vld [tilespmem:s15+$0x4200];
	v8 =	vmul.f32 v11, v18  }
0x161: {  	v63 =	vmul.f32 v6, v39;
	v23 =	vadd.f32 v49, v23;
	v5 =	vmul.f32 v11, v39;
	v49 =	vld [tilespmem:s15+$0x4180]  }
0x162: {  	s13 =	sadd.s32 $0x1, s13;
	s12 =	sadd.s32 $0x80, s12;
	s16 =	smov.u32 s14;
	v6 =	vmul.f32 v36, v39;
	v61 =	vmul.f32 v38, v39;
	v62 =	vld [tilespmem:s15+$0x4100];
	v20 =	vadd.f32 v8, v20  }
0x163: {  	v7 =	vmul.f32 v34, v39;
	v2 =	vadd.f32 v63, v2  }
0x164: {  	v8 =	vmul.f32 v53, v39;
	[tilespmem:$0xC580] =	vst v43;
	v3 =	vadd.f32 v61, v3  }
0x165: {  	v7 =	vadd.f32 v7, v60;
	[tilespmem:$0xC400] =	vst v2;
	v2 =	vmul.f32 v42, v39  }
0x166: {  	v1 =	vadd.f32 v8, v1;
	[tilespmem:$0xC500] =	vst v3;
	v3 =	vmul.f32 v48, v39  }
0x167: {  	[tilespmem:$0xC480] =	vst v7;
	v7 =	vmul.f32 v44, v39;
	v2 =	vadd.f32 v2, v59  }
0x168: {  	[tilespmem:$0xC600] =	vst v1;
	v1 =	vmul.f32 v54, v39;
	v3 =	vadd.f32 v3, v52  }
0x169: {  	v7 =	vadd.f32 v7, v56;
	v56 =	vmul.f32 v32, v39;
	[tilespmem:$0xC680] =	vst v2  }
0x16a: {  	v2 =	vmul.f32 v62, v39;
	v1 =	vadd.f32 v1, v55;
	[tilespmem:$0xC780] =	vst v3  }
0x16b: {  	v3 =	vmul.f32 v46, v39;
	v8 =	vadd.f32 v56, v58;
	[tilespmem:$0xC700] =	vst v7  }
0x16c: {  	v2 =	vadd.f32 v2, v57;
	[tilespmem:$0xC880] =	vst v1  }
0x16d: {  	v7 =	vmul.f32 v49, v39;
	v1 =	vadd.f32 v3, v50;
	[tilespmem:$0xC800] =	vst v8  }
0x16e: {  	v3 =	vadd.f32 v5, v35;
	v5 =	vld [tilespmem:$0x1FFF0];
	[tilespmem:$0xC900] =	vst v2  }
0x16f: {  	v7 =	vadd.f32 v7, v45;
	[tilespmem:$0xCA00] =	vst v1  }
0x170: {  	v2 =	vadd.f32 v6, v41;
	v6 =	vld [tilespmem:$0x1FF50];
	[tilespmem:$0xCB00] =	vst v3  }
0x171: {  	v1 =	vadd.f32 v4, v40;
	[tilespmem:$0xC980] =	vst v7  }
0x172: {  	[tilespmem:$0xCA80] =	vst v2;
	v7 =	vld [tilespmem:$0x1FF60]  }
0x173: {  	v58 =	vld [tilespmem:$0x1FF70];
	[tilespmem:$0xCB80] =	vst v1  }
0x174: {  	v1 =	vld.idx.msk [tilespmem:v0+s9+$0x0], $0xffff  }
0x175: {  	v9 =	vld [tilespmem:$0x1FF80]  }
0x176: {  	v2 =	vld.idx.msk [tilespmem:v5+s9+$0x0], $0xffff  }
0x177: {  	v10 =	vld [tilespmem:$0x1FF90]  }
0x178: {  	v3 =	vld.idx.msk [tilespmem:v6+s9+$0x0], $0xffff  }
0x179: {  	v11 =	vld [tilespmem:$0x1FFA0];
	v1 =	vadd.f32 $0.0e+00, v1  }
0x17a: {  	v4 =	vld.idx.msk [tilespmem:v7+s9+$0x0], $0xffff  }
0x17b: {  	v59 =	vld [tilespmem:$0x1FFB0];
	v1 =	vadd.f32 v2, v1  }
0x17c: {  	v2 =	vld.idx.msk [tilespmem:v58+s9+$0x0], $0xffff  }
0x17d: {  	v60 =	vld [tilespmem:$0x1FFC0];
	v1 =	vadd.f32 v3, v1  }
0x17e: {  	v3 =	vld.idx.msk [tilespmem:v9+s9+$0x0], $0xffff  }
0x17f: {  	v61 =	vld [tilespmem:$0x1FFD0];
	v1 =	vadd.f32 v4, v1  }
0x180: {  	v4 =	vld.idx.msk [tilespmem:v10+s9+$0x0], $0xffff  }
0x181: {  	v63 =	vld [tilespmem:$0x1FFE0];
	v1 =	vadd.f32 v2, v1  }
0x182: {  	v2 =	vld.idx.msk [tilespmem:v11+s9+$0x0], $0xffff  }
0x183: {  	v1 =	vadd.f32 v3, v1  }
0x184: {  	v3 =	vld.idx.msk [tilespmem:v59+s9+$0x0], $0xffff  }
0x185: {  	v1 =	vadd.f32 v4, v1  }
0x186: {  	v4 =	vld.idx.msk [tilespmem:v60+s9+$0x0], $0xffff  }
0x187: {  	v1 =	vadd.f32 v2, v1  }
0x188: {  	v2 =	vld.idx.msk [tilespmem:v61+s9+$0x0], $0xffff  }
0x189: {  	v1 =	vadd.f32 v3, v1  }
0x18a: {  	v3 =	vld.idx.msk [tilespmem:v63+s9+$0x0], $0xffff  }
0x18b: {  	v1 =	vadd.f32 v4, v1  }
0x18c: {  	v4 =	vld.idx.msk [tilespmem:v12+s9+$0x0], $0xffff  }
0x18d: {  	v1 =	vadd.f32 v2, v1  }
0x18e: {  	v2 =	vld.idx.msk [tilespmem:v13+s9+$0x0], $0xffff  }
0x18f: {  	v1 =	vadd.f32 v3, v1  }
0x190: {  	v3 =	vld.idx.msk [tilespmem:v14+s9+$0x0], $0xffff  }
0x191: {  	v1 =	vadd.f32 v4, v1  }
0x192: {  	v4 =	vld.idx.msk [tilespmem:v15+s9+$0x0], $0xffff  }
0x193: {  	[tilespmem:$0xC400] =	vst v24;
	v1 =	vadd.f32 v2, v1  }
0x194: {  	[tilespmem:$0xC680] =	vst v23  }
0x195: {  	[tilespmem:$0xC780] =	vst v19;
	v1 =	vadd.f32 v3, v1  }
0x196: {  	[tilespmem:$0xC880] =	vst v17;
	v2 =	vmul.f32 v34, v18  }
0x197: {  	[tilespmem:$0xCB00] =	vst v20;
	v3 =	vmul.f32 v38, v18;
	v1 =	vadd.f32 v4, v1  }
0x198: {  	[tilespmem:$0xCB80] =	vst v16;
	v2 =	vadd.f32 v2, v33  }
0x199: {  	[tilespmem:$0xC200] =	vst v1;
	v1 =	vadd.f32 v3, v31;
	v3 =	vadd.f32 v47, v29  }
0x19a: {  	[tilespmem:$0xC480] =	vst v2  }
0x19b: {  	v2 =	vadd.f32 v51, v26;
	[tilespmem:$0xC580] =	vst v3;
	v3 =	vmul.f32 v32, v18  }
0x19c: {  	v4 =	vmul.f32 v46, v18;
	[tilespmem:$0xC500] =	vst v1;
	v1 =	vadd.f32 v37, v25  }
0x19d: {  	[tilespmem:$0xC600] =	vst v2;
	v2 =	vmul.f32 v62, v18;
	v3 =	vadd.f32 v3, v28  }
0x19e: {  	v4 =	vadd.f32 v4, v22;
	[tilespmem:$0xC700] =	vst v1;
	v1 =	vmul.f32 v49, v18  }
0x19f: {  	v2 =	vadd.f32 v2, v27;
	[tilespmem:$0xC800] =	vst v3;
	v3 =	vmul.f32 v36, v18  }
0x1a0: {  	[tilespmem:$0xCA00] =	vst v4;
	v1 =	vadd.f32 v1, v30  }
0x1a1: {  	[tilespmem:$0xC900] =	vst v2;
	v2 =	vadd.f32 v3, v21  }
0x1a2: {  	[tilespmem:$0xC980] =	vst v1  }
0x1a3: {  	[tilespmem:$0xCA80] =	vst v2  }
0x1a4: {  	v1 =	vld.idx.msk [tilespmem:v0+s9+$0x0], $0xffff;
	_ =	sdelay $0x1  }
0x1a5: {  	v2 =	vld.idx.msk [tilespmem:v5+s9+$0x0], $0xffff;
	_ =	sdelay $0x1  }
0x1a6: {  	v3 =	vld.idx.msk [tilespmem:v6+s9+$0x0], $0xffff  }
0x1a7: {  	v1 =	vadd.f32 $0.0e+00, v1  }
0x1a8: {  	v4 =	vld.idx.msk [tilespmem:v7+s9+$0x0], $0xffff  }
0x1a9: {  	v1 =	vadd.f32 v2, v1  }
0x1aa: {  	v2 =	vld.idx.msk [tilespmem:v58+s9+$0x0], $0xffff  }
0x1ab: {  	v1 =	vadd.f32 v3, v1  }
0x1ac: {  	v3 =	vld.idx.msk [tilespmem:v9+s9+$0x0], $0xffff  }
0x1ad: {  	v1 =	vadd.f32 v4, v1  }
0x1ae: {  	v4 =	vld.idx.msk [tilespmem:v10+s9+$0x0], $0xffff  }
0x1af: {  	v1 =	vadd.f32 v2, v1  }
0x1b0: {  	v2 =	vld.idx.msk [tilespmem:v11+s9+$0x0], $0xffff  }
0x1b1: {  	v1 =	vadd.f32 v3, v1  }
0x1b2: {  	v3 =	vld.idx.msk [tilespmem:v59+s9+$0x0], $0xffff  }
0x1b3: {  	v1 =	vadd.f32 v4, v1  }
0x1b4: {  	v4 =	vld.idx.msk [tilespmem:v60+s9+$0x0], $0xffff  }
0x1b5: {  	v1 =	vadd.f32 v2, v1  }
0x1b6: {  	v2 =	vld.idx.msk [tilespmem:v61+s9+$0x0], $0xffff  }
0x1b7: {  	v1 =	vadd.f32 v3, v1  }
0x1b8: {  	v3 =	vld.idx.msk [tilespmem:v63+s9+$0x0], $0xffff  }
0x1b9: {  	v1 =	vadd.f32 v4, v1  }
0x1ba: {  	v4 =	vld.idx.msk [tilespmem:v12+s9+$0x0], $0xffff  }
0x1bb: {  	v1 =	vadd.f32 v2, v1  }
0x1bc: {  	v2 =	vld.idx.msk [tilespmem:v13+s9+$0x0], $0xffff  }
0x1bd: {  	v1 =	vadd.f32 v3, v1  }
0x1be: {  	v3 =	vld.idx.msk [tilespmem:v14+s9+$0x0], $0xffff  }
0x1bf: {  	v1 =	vadd.f32 v4, v1  }
0x1c0: {  	v4 =	vld.idx.msk [tilespmem:v15+s9+$0x0], $0xffff  }
0x1c1: {  	v1 =	vadd.f32 v2, v1;
	_ =	sdelay $0x1  }
0x1c2: {  	v1 =	vadd.f32 v3, v1;
	_ =	sdelay $0x1  }
0x1c3: {  	s12 =	simm.s32 $0x0;
	v1 =	vadd.f32 v4, v1  }
0x1c4: {  	s13 =	sand.u32 $0x70, s12;
	s14 =	sand.u32 $0x3C00, s12  }
0x1c5: {  	s14 =	sor.u32 s14, s13;
	[tilespmem:$0xC280] =	vst v1  }
0x1c6: {  	s31 =	sand.u32 $0x7, s12;
	v1 =	vld [tilespmem:s14+$0x100]  }
0x1c7: {  	s13 =	sshll.u32 s31, $0x4;
	v2 =	vld [tilespmem:s14+$0x80]  }
0x1c8: {  	s13 =	sadd.s32 $0x0, s13;
	v38 =	vld [tilespmem:s14+$0x8300]  }
0x1c9: {  	v48 =	vimm.f32 $0.0e+00;
	s13 =	sor.u32 $0x380, s13;
	v3 =	vld [tilespmem:s14+$0x0]  }
0x1ca: {  	v54 =	vimm.f32 $0.0e+00;
	v55 =	vimm.f32 $0.0e+00;
	v57 =	vimm.f32 $0.0e+00;
	v27 =	vld [tilespmem:s13+$0x8000]  }
0x1cb: {  	v35 =	vimm.f32 $0.0e+00;
	v50 =	vimm.f32 $0.0e+00;
	v24 =	vimm.f32 $0.0e+00;
	v56 =	vld [tilespmem:s14+$0x180]  }
0x1cc: {  	v23 =	vimm.f32 $0.0e+00;
	v20 =	vimm.f32 $0.0e+00;
	v19 =	vimm.f32 $0.0e+00;
	v4 =	vld [tilespmem:s14+$0x300]  }
0x1cd: {  	v33 =	vimm.f32 $0.0e+00;
	v51 =	vimm.f32 $0.0e+00;
	v22 =	vimm.f32 $0.0e+00;
	v5 =	vld [tilespmem:s14+$0x200]  }
0x1ce: {  	v31 =	vimm.f32 $0.0e+00;
	v62 =	vimm.f32 $0.0e+00;
	v25 =	vimm.f32 $0.0e+00;
	v16 =	vld [tilespmem:s14+$0x4280]  }
0x1cf: {  	v37 =	vimm.f32 $0.0e+00;
	v28 =	vimm.f32 $0.0e+00;
	v49 =	vimm.f32 $0.0e+00;
	v36 =	vld [tilespmem:s13+$0x0]  }
0x1d0: {  	v18 =	vimm.f32 $0.0e+00;
	v30 =	vimm.f32 $0.0e+00;
	v21 =	vimm.f32 $0.0e+00;
	v17 =	vld [tilespmem:s14+$0x4380]  }
0x1d1: {  	v58 =	vimm.f32 $0.0e+00;
	v34 =	vld [tilespmem:s14+$0x4180];
	v6 =	vmul.f32 v2, v38;
	v45 =	vmul.f32 v1, v38  }
0x1d2: {  	v59 =	vimm.f32 $0.0e+00;
	v39 =	vld [tilespmem:s14+$0x4080];
	v7 =	vmul.f32 v3, v38;
	v3 =	vmul.f32 v3, v27  }
0x1d3: {  	v60 =	vimm.f32 $0.0e+00;
	v52 =	vld [tilespmem:s14+$0x280];
	v2 =	vmul.f32 v2, v27;
	v1 =	vmul.f32 v1, v27  }
0x1d4: {  	v61 =	vimm.f32 $0.0e+00;
	v47 =	vld [tilespmem:s14+$0x4000];
	v41 =	vmul.f32 v56, v27;
	v53 =	vmul.f32 v4, v38  }
0x1d5: {  	v44 =	vld [tilespmem:s14+$0x4100];
	v32 =	vmul.f32 v4, v27;
	v4 =	vmul.f32 v5, v38;
	v43 =	vadd.f32 v6, v22  }
0x1d6: {  	v42 =	vld [tilespmem:s14+$0x4200];
	v63 =	vmul.f32 v5, v27;
	v46 =	vadd.f32 v7, v22;
	v26 =	vadd.f32 v3, v22  }
0x1d7: {  	s13 =	simm.s32 $0x10;
	v40 =	vld [tilespmem:s14+$0x4300];
	s14 =	simm.s32 $0x1;
	v29 =	vadd.f32 v2, v22;
	v3 =	vimm.f32 $0.0e+00;
	v2 =	vimm.f32 $0.0e+00  }
.LBB2_8:
0x1d8: {  	s15 =	sand.u32 $0x7, s14;
	p0 =	sne.s32 s13, $0x7F0;
	v22 =	vadd.f32 v1, v22;
	v1 =	vmul.f32 v52, v27;
	v5 =	vmul.f32 v36, v27;
	s12 =	sadd.s32 $0x80, s12  }
0x1d9: {  	v6 =	vmul.f32 v39, v27;
	s16 =	smov.u32 s13;
	s13 =	sadd.s32 $0x10, s13;
	s15 =	sshll.u32 s15, $0x4;
	v51 =	vadd.f32 v4, v51;
	v4 =	vmul.f32 v47, v27  }
0x1da: {  	v8 =	vmul.f32 v34, v27;
	v31 =	vadd.f32 v63, v31;
	s17 =	sadd.s32 s15, s12;
	s15 =	sand.u32 $0x70, s16;
	s16 =	sand.u32 $0x3C00, s12;
	v7 =	vmul.f32 v44, v27  }
0x1db: {  	v9 =	vmul.f32 v16, v27;
	s15 =	sor.u32 s16, s15;
	s16 =	sor.u32 $0x380, s17;
	v24 =	vadd.f32 v4, v24;
	v4 =	vmul.f32 v42, v27  }
0x1dc: {  	v11 =	vmul.f32 v17, v27;
	v23 =	vadd.f32 v6, v23;
	v10 =	vld [tilespmem:s15+$0x180];
	v6 =	vmul.f32 v40, v27  }
0x1dd: {  	v63 =	vmul.f32 v56, v38;
	v18 =	vadd.f32 v9, v18;
	v27 =	vld [tilespmem:s15+$0x4280];
	v20 =	vadd.f32 v4, v20  }
0x1de: {  	v9 =	vmul.f32 v52, v38;
	v30 =	vadd.f32 v5, v30;
	v4 =	vld [tilespmem:s16+$0x0];
	v19 =	vadd.f32 v6, v19  }
0x1df: {  	v33 =	vadd.f32 v1, v33;
	v1 =	vmul.f32 v36, v38;
	v25 =	vadd.f32 v8, v25;
	v5 =	vld [tilespmem:s15+$0x4380]  }
0x1e0: {  	v35 =	vadd.f32 v41, v35;
	v8 =	vmul.f32 v47, v38;
	v28 =	vadd.f32 v7, v28;
	v6 =	vld [tilespmem:s15+$0x100]  }
0x1e1: {  	v39 =	vmul.f32 v39, v38;
	v44 =	vmul.f32 v44, v38;
	v21 =	vadd.f32 v11, v21;
	v7 =	vld [tilespmem:s15+$0x4180];
	v56 =	vmovc v10  }
0x1e2: {  	v61 =	vadd.f32 v9, v61;
	v57 =	vadd.f32 v1, v57;
	v1 =	vmul.f32 v34, v38;
	v10 =	vld [tilespmem:s15+$0x80]  }
0x1e3: {  	v11 =	vmul.f32 v42, v38;
	v42 =	vmul.f32 v16, v38;
	v54 =	vadd.f32 v44, v54;
	v16 =	vmovc v27;
	v9 =	vld [tilespmem:s15+$0x8300]  }
0x1e4: {  	v62 =	vadd.f32 v63, v62;
	v59 =	vadd.f32 v8, v59;
	v8 =	vmul.f32 v40, v38;
	v36 =	vmovc v4;
	v41 =	vld [tilespmem:s15+$0x0]  }
0x1e5: {  	v58 =	vadd.f32 v39, v58;
	v48 =	vadd.f32 v42, v48;
	v4 =	vmul.f32 v17, v38;
	v17 =	vmovc v5;
	v27 =	vld [tilespmem:s16+$0x8000]  }
0x1e6: {  	v55 =	vadd.f32 v11, v55;
	v49 =	vadd.f32 v8, v49;
	v5 =	vld [tilespmem:s15+$0x200];
	v34 =	vmov v7  }
0x1e7: {  	v3 =	vadd.f32 v45, v3;
	v50 =	vadd.f32 v4, v50;
	v7 =	vld [tilespmem:s15+$0x300]  }
0x1e8: {  	v60 =	vadd.f32 v1, v60;
	v4 =	vmul.f32 v10, v9;
	v45 =	vmul.f32 v6, v9;
	v39 =	vld [tilespmem:s15+$0x4080];
	v38 =	vmovc v9  }
.Ltmp3:
0x1e9: {  	v2 =	vadd.f32 v53, v2;
	v37 =	vadd.f32 v32, v37;
	v1 =	vmul.f32 v41, v38;
	v52 =	vld [tilespmem:s15+$0x280];
	(pc) =	sbr.rel @p0 .LBB2_8-.Ltmp3, $4  }
0x1ea: {  	v8 =	vmul.f32 v41, v27;
	v43 =	vadd.f32 v4, v43;
	v4 =	vmul.f32 v10, v27;
	v47 =	vld [tilespmem:s15+$0x4000]  }
0x1eb: {  	v41 =	vmul.f32 v56, v27;
	v46 =	vadd.f32 v1, v46;
	v1 =	vmul.f32 v6, v27;
	v44 =	vld [tilespmem:s15+$0x4100]  }
0x1ec: {  	v26 =	vadd.f32 v8, v26;
	v53 =	vmul.f32 v7, v38;
	v32 =	vmul.f32 v7, v27;
	v42 =	vld [tilespmem:s15+$0x4200]  }
0x1ed: {  	s14 =	sadd.s32 $0x1, s14;
	v63 =	vmul.f32 v5, v27;
	v29 =	vadd.f32 v4, v29;
	v4 =	vmul.f32 v5, v38;
	v40 =	vld [tilespmem:s15+$0x4300]  }
0x1ee: {  	v3 =	vadd.f32 v45, v3;
	[tilespmem:$0xC400] =	vst v46  }
0x1ef: {  	v5 =	vmul.f32 v56, v38;
	[tilespmem:$0xC480] =	vst v43;
	v2 =	vadd.f32 v53, v2  }
0x1f0: {  	v6 =	vmul.f32 v52, v38;
	v4 =	vadd.f32 v4, v51;
	[tilespmem:$0xC500] =	vst v3  }
0x1f1: {  	v51 =	vmul.f32 v47, v38;
	v5 =	vadd.f32 v5, v62;
	[tilespmem:$0xC700] =	vst v2  }
0x1f2: {  	v46 =	vmul.f32 v36, v38;
	v3 =	vadd.f32 v6, v61;
	[tilespmem:$0xC600] =	vst v4  }
0x1f3: {  	v2 =	vmul.f32 v44, v38;
	v4 =	vadd.f32 v51, v59;
	[tilespmem:$0xC580] =	vst v5  }
0x1f4: {  	v5 =	vadd.f32 v46, v57;
	[tilespmem:$0xC680] =	vst v3;
	v3 =	vmul.f32 v39, v38  }
0x1f5: {  	v53 =	vmul.f32 v34, v38;
	v2 =	vadd.f32 v2, v54;
	[tilespmem:$0xC800] =	vst v4  }
0x1f6: {  	v54 =	vmul.f32 v42, v38;
	v3 =	vadd.f32 v3, v58;
	[tilespmem:$0xC780] =	vst v5  }
0x1f7: {  	v5 =	vadd.f32 v53, v60;
	[tilespmem:$0xC900] =	vst v2;
	v2 =	vmul.f32 v40, v38  }
0x1f8: {  	v11 =	vld [tilespmem:$0x1FFF0];
	v4 =	vadd.f32 v54, v55;
	v55 =	vmul.f32 v17, v38;
	[tilespmem:$0xC880] =	vst v3  }
0x1f9: {  	v3 =	vmul.f32 v16, v38;
	[tilespmem:$0xC980] =	vst v5;
	v2 =	vadd.f32 v2, v49  }
0x1fa: {  	v6 =	vld [tilespmem:$0x1FF50];
	[tilespmem:$0xCA00] =	vst v4;
	v56 =	vadd.f32 v55, v50  }
0x1fb: {  	v3 =	vadd.f32 v3, v48;
	[tilespmem:$0xCB00] =	vst v2  }
0x1fc: {  	v7 =	vld [tilespmem:$0x1FF60];
	[tilespmem:$0xCB80] =	vst v56  }
0x1fd: {  	v8 =	vld [tilespmem:$0x1FF70];
	[tilespmem:$0xCA80] =	vst v3  }
0x1fe: {  	v2 =	vld.idx.msk [tilespmem:v0+s9+$0x0], $0xffff  }
0x1ff: {  	v9 =	vld [tilespmem:$0x1FF80]  }
0x200: {  	v3 =	vld.idx.msk [tilespmem:v11+s9+$0x0], $0xffff  }
0x201: {  	v10 =	vld [tilespmem:$0x1FF90]  }
0x202: {  	v4 =	vld.idx.msk [tilespmem:v6+s9+$0x0], $0xffff  }
0x203: {  	v38 =	vld [tilespmem:$0x1FFA0];
	v2 =	vadd.f32 $0.0e+00, v2  }
0x204: {  	v57 =	vld.idx.msk [tilespmem:v7+s9+$0x0], $0xffff  }
0x205: {  	v43 =	vld [tilespmem:$0x1FFB0];
	v2 =	vadd.f32 v3, v2  }
0x206: {  	v3 =	vld.idx.msk [tilespmem:v8+s9+$0x0], $0xffff  }
0x207: {  	v45 =	vld [tilespmem:$0x1FFC0];
	v2 =	vadd.f32 v4, v2  }
0x208: {  	v58 =	vld.idx.msk [tilespmem:v9+s9+$0x0], $0xffff  }
0x209: {  	v46 =	vld [tilespmem:$0x1FFD0];
	v2 =	vadd.f32 v57, v2  }
0x20a: {  	v59 =	vld.idx.msk [tilespmem:v10+s9+$0x0], $0xffff  }
0x20b: {  	v62 =	vld [tilespmem:$0x1FFE0];
	v2 =	vadd.f32 v3, v2  }
0x20c: {  	v3 =	vld.idx.msk [tilespmem:v38+s9+$0x0], $0xffff  }
0x20d: {  	v2 =	vadd.f32 v58, v2  }
0x20e: {  	v60 =	vld.idx.msk [tilespmem:v43+s9+$0x0], $0xffff  }
0x20f: {  	v2 =	vadd.f32 v59, v2  }
0x210: {  	v61 =	vld.idx.msk [tilespmem:v45+s9+$0x0], $0xffff  }
0x211: {  	v2 =	vadd.f32 v3, v2  }
0x212: {  	v3 =	vld.idx.msk [tilespmem:v46+s9+$0x0], $0xffff  }
0x213: {  	v2 =	vadd.f32 v60, v2  }
0x214: {  	v51 =	vld.idx.msk [tilespmem:v62+s9+$0x0], $0xffff  }
0x215: {  	v2 =	vadd.f32 v61, v2  }
0x216: {  	v53 =	vld.idx.msk [tilespmem:v12+s9+$0x0], $0xffff  }
0x217: {  	v2 =	vadd.f32 v3, v2  }
0x218: {  	v3 =	vld.idx.msk [tilespmem:v13+s9+$0x0], $0xffff  }
0x219: {  	v2 =	vadd.f32 v51, v2  }
0x21a: {  	v54 =	vld.idx.msk [tilespmem:v14+s9+$0x0], $0xffff  }
0x21b: {  	v2 =	vadd.f32 v53, v2  }
0x21c: {  	v55 =	vld.idx.msk [tilespmem:v15+s9+$0x0], $0xffff  }
0x21d: {  	v2 =	vadd.f32 v3, v2;
	_ =	sdelay $0x1  }
0x21e: {  	v2 =	vadd.f32 v54, v2  }
0x21f: {  	v1 =	vadd.f32 v1, v22;
	[tilespmem:$0xC400] =	vst v26  }
0x220: {  	[tilespmem:$0xC480] =	vst v29;
	v2 =	vadd.f32 v55, v2  }
0x221: {  	v56 =	vadd.f32 v63, v31;
	[tilespmem:$0xC500] =	vst v1;
	v3 =	vmul.f32 v52, v27  }
0x222: {  	[tilespmem:$0xC300] =	vst v2;
	v2 =	vadd.f32 v41, v35  }
0x223: {  	v57 =	vmul.f32 v47, v27;
	[tilespmem:$0xC600] =	vst v56;
	v1 =	vadd.f32 v3, v33  }
0x224: {  	v3 =	vadd.f32 v32, v37;
	[tilespmem:$0xC580] =	vst v2;
	v2 =	vmul.f32 v36, v27  }
0x225: {  	v4 =	vadd.f32 v57, v24;
	[tilespmem:$0xC680] =	vst v1;
	v1 =	vmul.f32 v39, v27  }
0x226: {  	[tilespmem:$0xC700] =	vst v3;
	v3 =	vmul.f32 v44, v27;
	v2 =	vadd.f32 v2, v30  }
0x227: {  	v58 =	vmul.f32 v42, v27;
	[tilespmem:$0xC800] =	vst v4;
	v1 =	vadd.f32 v1, v23  }
0x228: {  	v3 =	vadd.f32 v3, v28;
	[tilespmem:$0xC780] =	vst v2;
	v2 =	vmul.f32 v34, v27  }
0x229: {  	v4 =	vadd.f32 v58, v20;
	[tilespmem:$0xC880] =	vst v1;
	v1 =	vmul.f32 v16, v27  }
0x22a: {  	[tilespmem:$0xC900] =	vst v3;
	v3 =	vmul.f32 v40, v27;
	v2 =	vadd.f32 v2, v25  }
0x22b: {  	v59 =	vmul.f32 v17, v27;
	[tilespmem:$0xCA00] =	vst v4;
	v1 =	vadd.f32 v1, v18  }
0x22c: {  	[tilespmem:$0xC980] =	vst v2;
	v2 =	vadd.f32 v3, v19  }
0x22d: {  	[tilespmem:$0xCA80] =	vst v1;
	v3 =	vadd.f32 v59, v21  }
0x22e: {  	[tilespmem:$0xCB00] =	vst v2  }
0x22f: {  	[tilespmem:$0xCB80] =	vst v3  }
0x230: {  	v1 =	vld.idx.msk [tilespmem:v0+s9+$0x0], $0xffff;
	_ =	sdelay $0x1  }
0x231: {  	v2 =	vld.idx.msk [tilespmem:v11+s9+$0x0], $0xffff;
	_ =	sdelay $0x1  }
0x232: {  	v3 =	vld.idx.msk [tilespmem:v6+s9+$0x0], $0xffff  }
0x233: {  	v1 =	vadd.f32 $0.0e+00, v1  }
0x234: {  	v4 =	vld.idx.msk [tilespmem:v7+s9+$0x0], $0xffff  }
0x235: {  	v1 =	vadd.f32 v2, v1  }
0x236: {  	v2 =	vld.idx.msk [tilespmem:v8+s9+$0x0], $0xffff  }
0x237: {  	v1 =	vadd.f32 v3, v1  }
0x238: {  	v3 =	vld.idx.msk [tilespmem:v9+s9+$0x0], $0xffff  }
0x239: {  	v1 =	vadd.f32 v4, v1  }
0x23a: {  	v60 =	vld.idx.msk [tilespmem:v10+s9+$0x0], $0xffff  }
0x23b: {  	v1 =	vadd.f32 v2, v1  }
0x23c: {  	v2 =	vld.idx.msk [tilespmem:v38+s9+$0x0], $0xffff  }
0x23d: {  	v1 =	vadd.f32 v3, v1  }
0x23e: {  	v3 =	vld.idx.msk [tilespmem:v43+s9+$0x0], $0xffff  }
0x23f: {  	v1 =	vadd.f32 v60, v1  }
0x240: {  	v61 =	vld.idx.msk [tilespmem:v45+s9+$0x0], $0xffff  }
0x241: {  	v1 =	vadd.f32 v2, v1  }
0x242: {  	v2 =	vld.idx.msk [tilespmem:v46+s9+$0x0], $0xffff  }
0x243: {  	v1 =	vadd.f32 v3, v1  }
0x244: {  	v3 =	vld.idx.msk [tilespmem:v62+s9+$0x0], $0xffff  }
0x245: {  	v1 =	vadd.f32 v61, v1  }
0x246: {  	v62 =	vld.idx.msk [tilespmem:v12+s9+$0x0], $0xffff  }
0x247: {  	v1 =	vadd.f32 v2, v1  }
0x248: {  	v2 =	vld.idx.msk [tilespmem:v13+s9+$0x0], $0xffff  }
0x249: {  	v1 =	vadd.f32 v3, v1  }
0x24a: {  	v3 =	vld.idx.msk [tilespmem:v14+s9+$0x0], $0xffff  }
0x24b: {  	v1 =	vadd.f32 v62, v1  }
0x24c: {  	v63 =	vld.idx.msk [tilespmem:v15+s9+$0x0], $0xffff  }
0x24d: {  	v1 =	vadd.f32 v2, v1;
	_ =	sdelay $0x1  }
0x24e: {  	v1 =	vadd.f32 v3, v1;
	_ =	sdelay $0x1  }
0x24f: {  	s11 =	sadd.s32 $0x1, s11;
	v1 =	vadd.f32 v63, v1  }
0x250: {  	p0 =	sne.s32 s11, s6  }
.Ltmp4:
0x251: {  	[tilespmem:$0xC380] =	vst v1;
	(pc) =	sbr.rel @p0 .LBB2_1-.Ltmp4, $4  }
0x252: {  	[hbm4b:s5+s3] =	stream.linear.scatter [tilespmem:s10], [sflag:$0x1], $0x400, $0x38;
	[tilespmem:$0xCC00] =	vst v63  }
0x253: {  	_ =	swait.ge [sflag:s7], $0x400  }
0x254: {  	[sflag:s7] =	ssyncset.done $0x0  }
0x255: {  	[sflag:s7] =	ssyncadd.s32 $0xFFFFFC00  }
0x256: {  	_ =	sfence.sel $0x180000  }
0x257: {  	[bflag:$0x0] =	sbarrier.arrive $0xFFFF  }
0x258: {  	p0 =	sne.s32 s2, $0x0;
	_ =	strace $0x90000047  }
0x259: {  	s0 =	sadd.s32 @!p0 $0x100000, s0;
	[bflag:$0x2] =	sbarrier.arrive $0xFFFF  }
0x25a: {  	[sflag:s0] =	ssyncadd.tile.s32 @!p0 $0x1;
	_ =	shalt  }
.Lfunc_end2:
_tile_overlayer_lowered:
.L_overlay_start_2:
0x25b: {  	(tag) =	ssettag $0x2  }
0x25c: {  	s0 =	rddreg [dreg:$0x0];
	s2 =	stileid.u32  }
0x25d: {  	s1 =	rddreg [dreg:$0x1];
	p0 =	sne.s32 s2, $0x0  }
0x25e: {  	s3 =	rddreg [dreg:$0x2];
	[bflag:$0x3] =	sbarrier.arrive $0xFFFF;
	s2 =	simm.s32 @!p0 $0x1C01  }
0x25f: {  	[timem:s3], [sflag:s2] =	dma.local @!p0 [hbm:s0], s1  }
0x260: {  	s0 =	simm.s32 @!p0 $0x1  }
0x261: {  	_ =	swait.ge @!p0 [sflag:s0], s1  }
0x262: {  	s1 =	ssub.s32 @!p0 $0x0, s1;
	[sflag:s0] =	ssyncset.done @!p0 $0x0  }
0x263: {  	[sflag:s0] =	ssyncadd.s32 @!p0 s1  }
0x264: {  	[bflag:$0x3] =	sbarrier.arrive $0xFFFF  }
0x265: {  	_ =	shalt  }

</sc_bundles>
